<compile_context>
chip_gen: v7x
topology: tpu7x:2x2x1
jax: 0.10.2.dev20260603
libtpu: 0.0.44.dev20260713+nightly
codegen_flags: <defaults>
</compile_context>

<pallas_src>
import functools

import jax
import jax.numpy as jnp
from jax import lax
from jax.experimental import pallas as pl
from jax.experimental.pallas import tpu as pltpu
from jax.experimental.pallas import tpu_sc as plsc

NW = 32
_INV_SQRT2 = 0.7071067811865476


def _gelu(x):
    return 0.5 * x * (1.0 + lax.erf(x * _INV_SQRT2))

CHUNK = 80



def _pre_body(x_ref, w1_ref, w2_ref, ps_ref, pd_ref):
    x = x_ref[...]
    ps_ref[...] = jnp.dot(x, w1_ref[...], preferred_element_type=jnp.float32)
    pd_ref[...] = jnp.dot(x, w2_ref[...], preferred_element_type=jnp.float32)


def _edge_body(g_ref, el_ref, es_ref, w3a_ref, w3b_ref, bh_ref, wo_ref, bo_ref,
               e_ref):
    q = jnp.dot(el_ref[...], w3a_ref[...], preferred_element_type=jnp.float32)
    q = q + jnp.dot(es_ref[...], w3b_ref[...], preferred_element_type=jnp.float32)
    h = _gelu(g_ref[...] + q + bh_ref[...])
    e_ref[...] = jnp.dot(h, wo_ref[...], preferred_element_type=jnp.float32) + bo_ref[...]


def _node_body(x_ref, p_ref, wna_ref, wnb_ref, bnh_ref, wno_ref, bno_ref,
               out_ref):
    agg = p_ref[0] + p_ref[1]
    h = jnp.dot(x_ref[...], wna_ref[...], preferred_element_type=jnp.float32)
    h = h + jnp.dot(agg, wnb_ref[...], preferred_element_type=jnp.float32)
    h = _gelu(h + bnh_ref[...])
    out_ref[...] = jnp.dot(h, wno_ref[...], preferred_element_type=jnp.float32) + bno_ref[...]



@functools.lru_cache(maxsize=None)
def _make_gather(E, H):
    epw = E // NW
    nchunk = epw // CHUNK
    mesh = plsc.VectorSubcoreMesh(core_axis_name="c", subcore_axis_name="s")

    @functools.partial(
        pl.kernel,
        out_type=jax.ShapeDtypeStruct((E, H), jnp.float32),
        mesh=mesh,
        scratch_types=[
            pltpu.VMEM((epw,), jnp.int32),
            pltpu.VMEM((epw,), jnp.int32),
            pltpu.VMEM((CHUNK, H), jnp.float32),
            pltpu.VMEM((CHUNK, H), jnp.float32),
            pltpu.VMEM((CHUNK, H), jnp.float32),
            pltpu.VMEM((CHUNK, H), jnp.float32),
            pltpu.VMEM((CHUNK, H), jnp.float32),
            pltpu.VMEM((CHUNK, H), jnp.float32),
            pltpu.SemaphoreType.DMA,
            pltpu.SemaphoreType.DMA,
            pltpu.SemaphoreType.DMA,
            pltpu.SemaphoreType.DMA,
            pltpu.SemaphoreType.DMA,
        ],
        compiler_params=pltpu.CompilerParams(use_tc_tiling_on_sc=False),
    )
    def gather_k(ps_hbm, pd_hbm, src_hbm, dst_hbm, out_hbm,
                 idxs_v, idxd_v, bufa0, bufb0, bufs0, bufa1, bufb1, bufs1,
                 si, sg0, sg1, sw0, sw1):
        wid = lax.axis_index("s") * 2 + lax.axis_index("c")
        base = wid * epw
        bufa = (bufa0, bufa1)
        bufb = (bufb0, bufb1)
        bufs = (bufs0, bufs1)
        sgs = (sg0, sg1)
        sws = (sw0, sw1)

        cps = pltpu.async_copy(src_hbm.at[pl.ds(base, epw)], idxs_v, si)
        cpd = pltpu.async_copy(dst_hbm.at[pl.ds(base, epw)], idxd_v, si)
        cps.wait()
        cpd.wait()

        def start_gathers(ci, p):
            isl = idxs_v.at[pl.ds(ci * CHUNK, CHUNK)]
            idl = idxd_v.at[pl.ds(ci * CHUNK, CHUNK)]
            pltpu.async_copy(ps_hbm.at[isl], bufa[p], sgs[p])
            pltpu.async_copy(pd_hbm.at[idl], bufb[p], sgs[p])

        start_gathers(0, 0)
        start_gathers(1, 1)

        def pair(i, carry):
            for p in (0, 1):
                ci = 2 * i + p

                @pl.when(ci < nchunk)
                def _():
                    off = base + ci * CHUNK
                    pltpu.make_async_copy(
                        ps_hbm.at[pl.ds(0, CHUNK)], bufa[p], sgs[p]).wait()
                    pltpu.make_async_copy(
                        pd_hbm.at[pl.ds(0, CHUNK)], bufb[p], sgs[p]).wait()

                    @pl.when(ci >= 2)
                    def _():
                        pltpu.make_async_copy(
                            bufs[p], out_hbm.at[pl.ds(0, CHUNK)], sws[p]).wait()

                    def rows(r8, c2):
                        for rr in range(8):
                            r = r8 * 8 + rr
                            for j in range(H // 16):
                                sl = pl.ds(j * 16, 16)
                                bufs[p][r, sl] = bufa[p][r, sl] + bufb[p][r, sl]
                        return c2

                    lax.fori_loop(0, CHUNK // 8, rows, 0)
                    pltpu.async_copy(bufs[p], out_hbm.at[pl.ds(off, CHUNK)],
                                     sws[p])

                    @pl.when(ci + 2 < nchunk)
                    def _():
                        start_gathers(ci + 2, p)
            return carry

        lax.fori_loop(0, (nchunk + 1) // 2, pair, 0)
        pltpu.make_async_copy(bufs0, out_hbm.at[pl.ds(0, CHUNK)], sw0).wait()
        pltpu.make_async_copy(bufs1, out_hbm.at[pl.ds(0, CHUNK)], sw1).wait()

    return gather_k


@functools.lru_cache(maxsize=None)
def _make_scatter(E, N, L):
    epw = E // NW
    nchunk = epw // CHUNK
    rpt = N // 16
    mesh = plsc.VectorSubcoreMesh(core_axis_name="c", subcore_axis_name="s")

    @functools.partial(
        pl.kernel,
        out_type=jax.ShapeDtypeStruct((2, N, L), jnp.float32),
        mesh=mesh,
        scratch_types=[
            pltpu.VMEM((4, CHUNK), jnp.int32),
            pltpu.VMEM((CHUNK, L), jnp.float32),
            pltpu.VMEM((CHUNK, L), jnp.float32),
            pltpu.VMEM((CHUNK, L), jnp.float32),
            pltpu.VMEM((CHUNK, L), jnp.float32),
            pltpu.VMEM((rpt, L), jnp.float32),
            pltpu.VMEM_SHARED((N, L), jnp.float32),
            pltpu.SemaphoreType.DMA,
            pltpu.SemaphoreType.DMA,
            pltpu.SemaphoreType.DMA,
            pltpu.SemaphoreType.DMA,
            pltpu.SemaphoreType.DMA,
            pltpu.SemaphoreType.DMA,
            pltpu.SemaphoreType.DMA,
            pltpu.SemaphoreType.DMA,
        ],
        compiler_params=pltpu.CompilerParams(use_tc_tiling_on_sc=False),
    )
    def scatter_k(e_hbm, dst_hbm, out_hbm, idx_v,
                  eb0, eb1, eb2, eb3, zbuf, agg_sh,
                  sl0, sl1, sl2, sl3, ss0, ss1, ss2, ss3):
        cid = lax.axis_index("c")
        sid = lax.axis_index("s")
        wid = sid * 2 + cid
        ebuf = (eb0, eb1, eb2, eb3)
        sls = (sl0, sl1, sl2, sl3)
        sss = (ss0, ss1, ss2, ss3)
        base = wid * epw

        def start_loads(ci, p):
            off = base + ci * CHUNK
            pltpu.async_copy(dst_hbm.at[pl.ds(off, CHUNK)], idx_v.at[p], sls[p])
            pltpu.async_copy(e_hbm.at[pl.ds(off, CHUNK)], ebuf[p], sls[p])

        def zrow(i, carry):
            zbuf[i, pl.ds(0, L)] = jnp.zeros((L,), jnp.float32)
            return carry

        lax.fori_loop(0, rpt, zrow, 0)
        for p in range(4):
            start_loads(p, p)
        pltpu.sync_copy(zbuf, agg_sh.at[pl.ds(sid * rpt, rpt)])
        plsc.subcore_barrier()

        def quad(i, carry):
            for p in (0, 1, 2, 3):
                ci = 4 * i + p

                @pl.when(ci < nchunk)
                def _():
                    pltpu.make_async_copy(
                        dst_hbm.at[pl.ds(0, CHUNK)], idx_v.at[p], sls[p]).wait()
                    pltpu.make_async_copy(
                        e_hbm.at[pl.ds(0, CHUNK)], ebuf[p], sls[p]).wait()
                    pltpu.async_copy(ebuf[p], agg_sh.at[idx_v.at[p]], sss[p],
                                     add=True)
                    q = (p + 3) % 4

                    @pl.when(jnp.logical_and(ci >= 1, ci + 3 < nchunk))
                    def _():
                        pltpu.make_async_copy(
                            ebuf[q], agg_sh.at[idx_v.at[q]], sss[q]).wait()
                        start_loads(ci + 3, q)
            return carry

        lax.fori_loop(0, (nchunk + 3) // 4, quad, 0)
        for ci in range(nchunk - 4, nchunk):
            p = ci % 4
            pltpu.make_async_copy(ebuf[p], agg_sh.at[idx_v.at[p]], sss[p]).wait()
        plsc.subcore_barrier()
        pltpu.sync_copy(agg_sh.at[pl.ds(sid * rpt, rpt)],
                        out_hbm.at[cid, pl.ds(sid * rpt, rpt)])

    return scatter_k



def kernel(node_x, edge_index, edge_latent, edge_skip,
           We_h, be_h, We_o, be_o, Wn_h, bn_h, Wn_o, bn_o):
    N, D = node_x.shape
    E = edge_index.shape[1]
    LAT = edge_latent.shape[1]
    SKIP = edge_skip.shape[1]
    HID = We_h.shape[1]

    src = edge_index[0].astype(jnp.int32)
    dst = edge_index[1].astype(jnp.int32)

    W1 = We_h[:D]
    W2 = We_h[D:2 * D]
    W3a = We_h[2 * D:2 * D + LAT]
    W3b = We_h[2 * D + LAT:]

    psrc, pdst = pl.pallas_call(
        _pre_body,
        out_shape=(jax.ShapeDtypeStruct((N, HID), jnp.float32),
                   jax.ShapeDtypeStruct((N, HID), jnp.float32)),
    )(node_x, W1, W2)

    gsum = _make_gather(E, HID)(psrc, pdst, src, dst)

    g2 = gsum.reshape(E // 2, 2 * HID)
    el2 = edge_latent.astype(jnp.bfloat16).reshape(E // 2, 2 * LAT)
    es2 = edge_skip.astype(jnp.bfloat16).reshape(E // 2, 2 * SKIP)
    eye2 = jnp.eye(2, dtype=jnp.float32)
    w3a_bd = jnp.kron(eye2, W3a).astype(jnp.bfloat16)
    w3b_bd = jnp.kron(eye2, W3b).astype(jnp.bfloat16)
    wo_bd = jnp.kron(eye2, We_o)
    bh2 = jnp.tile(be_h, 2).reshape(1, 2 * HID)
    bo2 = jnp.tile(be_o, 2).reshape(1, 2 * LAT)

    BE = 8000
    grid = E // BE
    e_p2 = pl.pallas_call(
        _edge_body,
        grid=(grid,),
        in_specs=[
            pl.BlockSpec((BE // 2, 2 * HID), lambda i: (i, 0)),
            pl.BlockSpec((BE // 2, 2 * LAT), lambda i: (i, 0)),
            pl.BlockSpec((BE // 2, 2 * SKIP), lambda i: (i, 0)),
            pl.BlockSpec((2 * LAT, 2 * HID), lambda i: (0, 0)),
            pl.BlockSpec((2 * SKIP, 2 * HID), lambda i: (0, 0)),
            pl.BlockSpec((1, 2 * HID), lambda i: (0, 0)),
            pl.BlockSpec((2 * HID, 2 * LAT), lambda i: (0, 0)),
            pl.BlockSpec((1, 2 * LAT), lambda i: (0, 0)),
        ],
        out_specs=pl.BlockSpec((BE // 2, 2 * LAT), lambda i: (i, 0)),
        out_shape=jax.ShapeDtypeStruct((E // 2, 2 * LAT), jnp.float32),
    )(g2, el2, es2, w3a_bd, w3b_bd, bh2, wo_bd, bo2)

    e_dense = e_p2.reshape(E, LAT)

    parts = _make_scatter(E, N, LAT)(e_dense, dst)
    e = lax.optimization_barrier(e_dense)

    x = pl.pallas_call(
        _node_body,
        out_shape=jax.ShapeDtypeStruct((N, D), jnp.float32),
    )(node_x, parts, Wn_h[:D], Wn_h[D:], bn_h.reshape(1, HID),
      Wn_o, bn_o.reshape(1, D))

    return (x, e)

# --- scband reference (transcript-rebuilt; emitter-appended) ---
"""Pipeline reference for scband-neural-ifmessage-passing-84756884619734 (READ-ONLY COPY).

The authoritative reference and input builder live on the scoring server;
editing this copy changes nothing except your own understanding.
"""

import jax, jax.numpy as jnp
import numpy as np

N = 10000
E = 320000
NODE_DIM = 128
LAT = 16
SKIP = 16
HID = 64


def _linear_params(k, fan_in, fan_out):
    bound = 1.0 / np.sqrt(fan_in)
    kw, kb = jax.random.split(k)
    W = jax.random.uniform(kw, (fan_in, fan_out), minval=-bound, maxval=bound, dtype=jnp.float32)
    b = jax.random.uniform(kb, (fan_out,), minval=-bound, maxval=bound, dtype=jnp.float32)
    return W, b


def setup_inputs(seed: int = 0) -> dict:
    key = jax.random.key(seed)
    ks = jax.random.split(key, 8)
    node_x = jax.random.normal(ks[0], (N, NODE_DIM), dtype=jnp.float32)
    edge_index = jax.random.randint(ks[1], (2, E), 0, N, dtype=jnp.int64)
    edge_latent = jax.random.normal(ks[2], (E, LAT), dtype=jnp.float32)
    edge_skip = jax.random.normal(ks[3], (E, SKIP), dtype=jnp.float32)
    in_e = 2 * NODE_DIM + LAT + SKIP
    in_n = NODE_DIM + LAT
    We_h, be_h = _linear_params(ks[4], in_e, HID)
    We_o, be_o = _linear_params(ks[5], HID, LAT)
    Wn_h, bn_h = _linear_params(ks[6], in_n, HID)
    Wn_o, bn_o = _linear_params(ks[7], HID, NODE_DIM)
    return {
        "node_x": node_x,
        "edge_index": edge_index,
        "edge_latent": edge_latent,
        "edge_skip": edge_skip,
        "We_h": We_h, "be_h": be_h,
        "We_o": We_o, "be_o": be_o,
        "Wn_h": Wn_h, "bn_h": bn_h,
        "Wn_o": Wn_o, "bn_o": bn_o,
    }


def reference(node_x, edge_index, edge_latent, edge_skip,
              We_h, be_h, We_o, be_o, Wn_h, bn_h, Wn_o, bn_o):
    src = edge_index[0]
    dst = edge_index[1]
    # edge update MLP: Linear -> GELU -> Linear
    edge_in = jnp.concatenate([node_x[src], node_x[dst], edge_latent, edge_skip], axis=-1)
    h = jax.nn.gelu(edge_in @ We_h + be_h, approximate=False)
    e = h @ We_o + be_o
    # scatter-add aggregation (index_add_ on dst)
    agg = jnp.zeros((node_x.shape[0], e.shape[-1]), dtype=node_x.dtype).at[dst].add(e)
    # node update MLP
    hn = jax.nn.gelu(jnp.concatenate([node_x, agg], axis=-1) @ Wn_h + bn_h, approximate=False)
    x = hn @ Wn_o + bn_o
    return (x, e)

if __name__ == "__main__":
    import jax
    _d = setup_inputs()
    print(jax.jit(kernel)(*tuple(_d.values())))

</pallas_src>

<mosaic_0001>
#map = affine_map<(d0, d1) -> (0, 0)>
#map1 = affine_map<(d0, d1) -> (0)>
#map2 = affine_map<(d0, d1) -> (0, 0, 0)>
module attributes {stable_mosaic.version = 14 : i64} {
  func.func @scatter_k(%arg0: i32, %arg1: i32, %arg2: memref<320000x16xf32, #tpu.memory_space<hbm>>, %arg3: memref<320000xi32, #tpu.memory_space<hbm>>, %arg4: memref<2x10000x16xf32, #tpu.memory_space<hbm>>, %arg5: memref<4x80xi32, #tpu.memory_space<vmem>>, %arg6: memref<80x16xf32, #tpu.memory_space<vmem>>, %arg7: memref<80x16xf32, #tpu.memory_space<vmem>>, %arg8: memref<80x16xf32, #tpu.memory_space<vmem>>, %arg9: memref<80x16xf32, #tpu.memory_space<vmem>>, %arg10: memref<625x16xf32, #tpu.memory_space<vmem>>, %arg11: memref<10000x16xf32, #tpu.memory_space<vmem_shared>>, %arg12: memref<!tpu.dma_semaphore, #tpu.memory_space<semaphore_mem>>, %arg13: memref<!tpu.dma_semaphore, #tpu.memory_space<semaphore_mem>>, %arg14: memref<!tpu.dma_semaphore, #tpu.memory_space<semaphore_mem>>, %arg15: memref<!tpu.dma_semaphore, #tpu.memory_space<semaphore_mem>>, %arg16: memref<!tpu.dma_semaphore, #tpu.memory_space<semaphore_mem>>, %arg17: memref<!tpu.dma_semaphore, #tpu.memory_space<semaphore_mem>>, %arg18: memref<!tpu.dma_semaphore, #tpu.memory_space<semaphore_mem>>, %arg19: memref<!tpu.dma_semaphore, #tpu.memory_space<semaphore_mem>>) attributes {dimension_semantics = [#tpu.dimension_semantics<core_parallel>, #tpu.dimension_semantics<subcore_parallel>], iteration_bounds = array<i64: 2, 16>, scalar_prefetch = 0 : i64, scratch_operands = 15 : i64, tpu.core_type = #tpu.core_type<sc_vector_subcore>, window_params = [{transform_indices = #map}, {transform_indices = #map1}, {transform_indices = #map2}]} {
    %mul3A = arith.constant 2 : i32
    %mul3A_0 = arith.muli %arg1, %mul3A : i32
    %add3A = arith.addi %mul3A_0, %arg0 : i32
    %mul3A_1 = arith.constant 10000 : i32
    %mul3A_2 = arith.muli %add3A, %mul3A_1 : i32
    %scan3A = arith.constant 0 : i32
    %scan3A_3 = arith.constant 0 : i32
    %scan3A_4 = arith.constant 625 : i32
    %scan3A_5 = arith.addi %scan3A_3, %scan3A_4 : i32
    %scan3A_6 = arith.constant 1 : i32
    scf.for %scan3A_107 = %scan3A_3 to %scan3A_5 step %scan3A_6  : i32 {
      %broadcast_in_dim3A = arith.constant 0.000000e+00 : f32
      %broadcast_in_dim3A_108 = vector.broadcast %broadcast_in_dim3A : f32 to vector<16xf32>
      %swap3A = arith.index_cast %scan3A_107 : i32 to index
      %swap3A_109 = arith.constant 0 : index
      %swap3A_110 = tpu.vector_load %arg10[%swap3A, %swap3A_109] {strides = array<i32>} : memref<625x16xf32, #tpu.memory_space<vmem>>, vector<1x16xf32>,
      %swap3A_111 = vector.shape_cast %swap3A_110 : vector<1x16xf32> to vector<16xf32>
      %swap3A_112 = vector.shape_cast %broadcast_in_dim3A_108 : vector<16xf32> to vector<1x16xf32>
      tpu.vector_store %arg10[%swap3A, %swap3A_109], %swap3A_112 {strides = array<i32>} : memref<625x16xf32, #tpu.memory_space<vmem>>, vector<1x16xf32>,
    }
    %scan3A_7 = arith.constant 625 : i32
    %add3A_8 = arith.constant 0 : i32
    %add3A_9 = arith.addi %mul3A_2, %add3A_8 : i32
    %dma_start3A = arith.constant 0 : i32
    %dma_start3A_10 = arith.constant 0 : i32
    %dma_start3A_11 = tpu.memref_slice %arg5[%dma_start3A, %dma_start3A_10] : memref<4x80xi32, #tpu.memory_space<vmem>> -> memref<1x80xi32, #tpu.memory_space<vmem>>
    %dma_start3A_12 = tpu.memref_squeeze %dma_start3A_11 : memref<1x80xi32, #tpu.memory_space<vmem>> -> memref<80xi32, #tpu.memory_space<vmem>>
    %dma_start3A_13 = tpu.memref_slice %arg3[%add3A_9] : memref<320000xi32, #tpu.memory_space<hbm>> -> memref<80xi32, #tpu.memory_space<hbm>>
    %dma_start3A_14 = arith.constant 0 : i32
    %dma_start3A_15 = tpu.memref_slice %arg5[%dma_start3A, %dma_start3A_14] : memref<4x80xi32, #tpu.memory_space<vmem>> -> memref<1x80xi32, #tpu.memory_space<vmem>>
    %dma_start3A_16 = tpu.memref_squeeze %dma_start3A_15 : memref<1x80xi32, #tpu.memory_space<vmem>> -> memref<80xi32, #tpu.memory_space<vmem>>
    %dma_start3A_17 = tpu.memref_slice %arg3[%add3A_9] : memref<320000xi32, #tpu.memory_space<hbm>> -> memref<80xi32, #tpu.memory_space<hbm>>
    tpu.enqueue_dma source(%dma_start3A_17 : memref<80xi32, #tpu.memory_space<hbm>>) target(%dma_start3A_16 : memref<80xi32, #tpu.memory_space<vmem>>) target_semaphore(%arg12 : memref<!tpu.dma_semaphore, #tpu.memory_space<semaphore_mem>>)
    %dma_start3A_18 = arith.constant 0 : i32
    %dma_start3A_19 = tpu.memref_slice %arg2[%add3A_9, %dma_start3A_18] : memref<320000x16xf32, #tpu.memory_space<hbm>> -> memref<80x16xf32, #tpu.memory_space<hbm>>
    %dma_start3A_20 = arith.constant 0 : i32
    %dma_start3A_21 = tpu.memref_slice %arg2[%add3A_9, %dma_start3A_20] : memref<320000x16xf32, #tpu.memory_space<hbm>> -> memref<80x16xf32, #tpu.memory_space<hbm>>
    tpu.enqueue_dma source(%dma_start3A_21 : memref<80x16xf32, #tpu.memory_space<hbm>>) target(%arg6 : memref<80x16xf32, #tpu.memory_space<vmem>>) target_semaphore(%arg12 : memref<!tpu.dma_semaphore, #tpu.memory_space<semaphore_mem>>)
    %add3A_22 = arith.constant 80 : i32
    %add3A_23 = arith.addi %mul3A_2, %add3A_22 : i32
    %dma_start3A_24 = arith.constant 1 : i32
    %dma_start3A_25 = arith.constant 0 : i32
    %dma_start3A_26 = tpu.memref_slice %arg5[%dma_start3A_24, %dma_start3A_25] : memref<4x80xi32, #tpu.memory_space<vmem>> -> memref<1x80xi32, #tpu.memory_space<vmem>>
    %dma_start3A_27 = tpu.memref_squeeze %dma_start3A_26 : memref<1x80xi32, #tpu.memory_space<vmem>> -> memref<80xi32, #tpu.memory_space<vmem>>
    %dma_start3A_28 = tpu.memref_slice %arg3[%add3A_23] : memref<320000xi32, #tpu.memory_space<hbm>> -> memref<80xi32, #tpu.memory_space<hbm>>
    %dma_start3A_29 = arith.constant 0 : i32
    %dma_start3A_30 = tpu.memref_slice %arg5[%dma_start3A_24, %dma_start3A_29] : memref<4x80xi32, #tpu.memory_space<vmem>> -> memref<1x80xi32, #tpu.memory_space<vmem>>
    %dma_start3A_31 = tpu.memref_squeeze %dma_start3A_30 : memref<1x80xi32, #tpu.memory_space<vmem>> -> memref<80xi32, #tpu.memory_space<vmem>>
    %dma_start3A_32 = tpu.memref_slice %arg3[%add3A_23] : memref<320000xi32, #tpu.memory_space<hbm>> -> memref<80xi32, #tpu.memory_space<hbm>>
    tpu.enqueue_dma source(%dma_start3A_32 : memref<80xi32, #tpu.memory_space<hbm>>) target(%dma_start3A_31 : memref<80xi32, #tpu.memory_space<vmem>>) target_semaphore(%arg13 : memref<!tpu.dma_semaphore, #tpu.memory_space<semaphore_mem>>)
    %dma_start3A_33 = arith.constant 0 : i32
    %dma_start3A_34 = tpu.memref_slice %arg2[%add3A_23, %dma_start3A_33] : memref<320000x16xf32, #tpu.memory_space<hbm>> -> memref<80x16xf32, #tpu.memory_space<hbm>>
    %dma_start3A_35 = arith.constant 0 : i32
    %dma_start3A_36 = tpu.memref_slice %arg2[%add3A_23, %dma_start3A_35] : memref<320000x16xf32, #tpu.memory_space<hbm>> -> memref<80x16xf32, #tpu.memory_space<hbm>>
    tpu.enqueue_dma source(%dma_start3A_36 : memref<80x16xf32, #tpu.memory_space<hbm>>) target(%arg7 : memref<80x16xf32, #tpu.memory_space<vmem>>) target_semaphore(%arg13 : memref<!tpu.dma_semaphore, #tpu.memory_space<semaphore_mem>>)
    %add3A_37 = arith.constant 160 : i32
    %add3A_38 = arith.addi %mul3A_2, %add3A_37 : i32
    %dma_start3A_39 = arith.constant 2 : i32
    %dma_start3A_40 = arith.constant 0 : i32
    %dma_start3A_41 = tpu.memref_slice %arg5[%dma_start3A_39, %dma_start3A_40] : memref<4x80xi32, #tpu.memory_space<vmem>> -> memref<1x80xi32, #tpu.memory_space<vmem>>
    %dma_start3A_42 = tpu.memref_squeeze %dma_start3A_41 : memref<1x80xi32, #tpu.memory_space<vmem>> -> memref<80xi32, #tpu.memory_space<vmem>>
    %dma_start3A_43 = tpu.memref_slice %arg3[%add3A_38] : memref<320000xi32, #tpu.memory_space<hbm>> -> memref<80xi32, #tpu.memory_space<hbm>>
    %dma_start3A_44 = arith.constant 0 : i32
    %dma_start3A_45 = tpu.memref_slice %arg5[%dma_start3A_39, %dma_start3A_44] : memref<4x80xi32, #tpu.memory_space<vmem>> -> memref<1x80xi32, #tpu.memory_space<vmem>>
    %dma_start3A_46 = tpu.memref_squeeze %dma_start3A_45 : memref<1x80xi32, #tpu.memory_space<vmem>> -> memref<80xi32, #tpu.memory_space<vmem>>
    %dma_start3A_47 = tpu.memref_slice %arg3[%add3A_38] : memref<320000xi32, #tpu.memory_space<hbm>> -> memref<80xi32, #tpu.memory_space<hbm>>
    tpu.enqueue_dma source(%dma_start3A_47 : memref<80xi32, #tpu.memory_space<hbm>>) target(%dma_start3A_46 : memref<80xi32, #tpu.memory_space<vmem>>) target_semaphore(%arg14 : memref<!tpu.dma_semaphore, #tpu.memory_space<semaphore_mem>>)
    %dma_start3A_48 = arith.constant 0 : i32
    %dma_start3A_49 = tpu.memref_slice %arg2[%add3A_38, %dma_start3A_48] : memref<320000x16xf32, #tpu.memory_space<hbm>> -> memref<80x16xf32, #tpu.memory_space<hbm>>
    %dma_start3A_50 = arith.constant 0 : i32
    %dma_start3A_51 = tpu.memref_slice %arg2[%add3A_38, %dma_start3A_50] : memref<320000x16xf32, #tpu.memory_space<hbm>> -> memref<80x16xf32, #tpu.memory_space<hbm>>
    tpu.enqueue_dma source(%dma_start3A_51 : memref<80x16xf32, #tpu.memory_space<hbm>>) target(%arg8 : memref<80x16xf32, #tpu.memory_space<vmem>>) target_semaphore(%arg14 : memref<!tpu.dma_semaphore, #tpu.memory_space<semaphore_mem>>)
    %add3A_52 = arith.constant 240 : i32
    %add3A_53 = arith.addi %mul3A_2, %add3A_52 : i32
    %dma_start3A_54 = arith.constant 3 : i32
    %dma_start3A_55 = arith.constant 0 : i32
    %dma_start3A_56 = tpu.memref_slice %arg5[%dma_start3A_54, %dma_start3A_55] : memref<4x80xi32, #tpu.memory_space<vmem>> -> memref<1x80xi32, #tpu.memory_space<vmem>>
    %dma_start3A_57 = tpu.memref_squeeze %dma_start3A_56 : memref<1x80xi32, #tpu.memory_space<vmem>> -> memref<80xi32, #tpu.memory_space<vmem>>
    %dma_start3A_58 = tpu.memref_slice %arg3[%add3A_53] : memref<320000xi32, #tpu.memory_space<hbm>> -> memref<80xi32, #tpu.memory_space<hbm>>
    %dma_start3A_59 = arith.constant 0 : i32
    %dma_start3A_60 = tpu.memref_slice %arg5[%dma_start3A_54, %dma_start3A_59] : memref<4x80xi32, #tpu.memory_space<vmem>> -> memref<1x80xi32, #tpu.memory_space<vmem>>
    %dma_start3A_61 = tpu.memref_squeeze %dma_start3A_60 : memref<1x80xi32, #tpu.memory_space<vmem>> -> memref<80xi32, #tpu.memory_space<vmem>>
    %dma_start3A_62 = tpu.memref_slice %arg3[%add3A_53] : memref<320000xi32, #tpu.memory_space<hbm>> -> memref<80xi32, #tpu.memory_space<hbm>>
    tpu.enqueue_dma source(%dma_start3A_62 : memref<80xi32, #tpu.memory_space<hbm>>) target(%dma_start3A_61 : memref<80xi32, #tpu.memory_space<vmem>>) target_semaphore(%arg15 : memref<!tpu.dma_semaphore, #tpu.memory_space<semaphore_mem>>)
    %dma_start3A_63 = arith.constant 0 : i32
    %dma_start3A_64 = tpu.memref_slice %arg2[%add3A_53, %dma_start3A_63] : memref<320000x16xf32, #tpu.memory_space<hbm>> -> memref<80x16xf32, #tpu.memory_space<hbm>>
    %dma_start3A_65 = arith.constant 0 : i32
    %dma_start3A_66 = tpu.memref_slice %arg2[%add3A_53, %dma_start3A_65] : memref<320000x16xf32, #tpu.memory_space<hbm>> -> memref<80x16xf32, #tpu.memory_space<hbm>>
    tpu.enqueue_dma source(%dma_start3A_66 : memref<80x16xf32, #tpu.memory_space<hbm>>) target(%arg9 : memref<80x16xf32, #tpu.memory_space<vmem>>) target_semaphore(%arg15 : memref<!tpu.dma_semaphore, #tpu.memory_space<semaphore_mem>>)
    %mul3A_67 = arith.constant 625 : i32
    %mul3A_68 = arith.muli %arg1, %mul3A_67 : i32
    "tpu.region"() ({
      %run_scoped3A = tpu.sem_alloc : memref<!tpu.dma_semaphore, #tpu.memory_space<semaphore_mem>>
      %dma_start3A_107 = arith.constant 0 : i32
      %dma_start3A_108 = tpu.memref_slice %arg11[%mul3A_68, %dma_start3A_107] : memref<10000x16xf32, #tpu.memory_space<vmem_shared>> -> memref<625x16xf32, #tpu.memory_space<vmem_shared>>
      %dma_start3A_109 = arith.constant 0 : i32
      %dma_start3A_110 = tpu.memref_slice %arg11[%mul3A_68, %dma_start3A_109] : memref<10000x16xf32, #tpu.memory_space<vmem_shared>> -> memref<625x16xf32, #tpu.memory_space<vmem_shared>>
      tpu.enqueue_dma source(%arg10 : memref<625x16xf32, #tpu.memory_space<vmem>>) target(%dma_start3A_110 : memref<625x16xf32, #tpu.memory_space<vmem_shared>>) target_semaphore(%run_scoped3A : memref<!tpu.dma_semaphore, #tpu.memory_space<semaphore_mem>>)
      %dma_wait3A_111 = arith.constant 0 : i32
      %dma_wait3A_112 = tpu.memref_slice %arg11[%mul3A_68, %dma_wait3A_111] : memref<10000x16xf32, #tpu.memory_space<vmem_shared>> -> memref<625x16xf32, #tpu.memory_space<vmem_shared>>
      %dma_wait3A_113 = arith.constant 0 : i32
      %dma_wait3A_114 = tpu.memref_slice %arg11[%mul3A_68, %dma_wait3A_113] : memref<10000x16xf32, #tpu.memory_space<vmem_shared>> -> memref<625x16xf32, #tpu.memory_space<vmem_shared>>
      tpu.wait_dma2 semaphore(%run_scoped3A : memref<!tpu.dma_semaphore, #tpu.memory_space<semaphore_mem>>) src(%arg10 : memref<625x16xf32, #tpu.memory_space<vmem>>) dst(%dma_wait3A_114 : memref<625x16xf32, #tpu.memory_space<vmem_shared>>)
      tpu.yield
    }) : () -> ()
    %barrier3A = arith.constant 0 : index
    tpu.barrier barrier_id(%barrier3A)
    %scan3A_69 = arith.constant 0 : i32
    %scan3A_70 = arith.constant 0 : i32
    %scan3A_71 = arith.constant 32 : i32
    %scan3A_72 = arith.addi %scan3A_70, %scan3A_71 : i32
    %scan3A_73 = arith.constant 1 : i32
    scf.for %scan3A_107 = %scan3A_70 to %scan3A_72 step %scan3A_73  : i32 {
      %mul3A_108 = arith.constant 4 : i32
      %mul3A_109 = arith.muli %mul3A_108, %scan3A_107 : i32
      %add3A_110 = arith.constant 0 : i32
      %add3A_111 = arith.addi %mul3A_109, %add3A_110 : i32
      %lt3A = arith.constant 125 : i32
      %lt3A_112 = arith.cmpi slt, %add3A_111, %lt3A : i32
      %convert_element_type3A = arith.extui %lt3A_112 : i1 to i32
      %cond3A = arith.constant 0 : i32
      %cond3A_113 = arith.cmpi ne, %convert_element_type3A, %cond3A : i32
      scf.if %cond3A_113 {
        %dma_wait3A_141 = arith.constant 0 : i32
        %dma_wait3A_142 = arith.constant 0 : i32
        %dma_wait3A_143 = tpu.memref_slice %arg5[%dma_wait3A_141, %dma_wait3A_142] : memref<4x80xi32, #tpu.memory_space<vmem>> -> memref<1x80xi32, #tpu.memory_space<vmem>>
        %dma_wait3A_144 = tpu.memref_squeeze %dma_wait3A_143 : memref<1x80xi32, #tpu.memory_space<vmem>> -> memref<80xi32, #tpu.memory_space<vmem>>
        %dma_wait3A_145 = arith.constant 0 : i32
        %dma_wait3A_146 = tpu.memref_slice %arg3[%dma_wait3A_145] : memref<320000xi32, #tpu.memory_space<hbm>> -> memref<80xi32, #tpu.memory_space<hbm>>
        %dma_wait3A_147 = arith.constant 0 : i32
        %dma_wait3A_148 = tpu.memref_slice %arg5[%dma_wait3A_141, %dma_wait3A_147] : memref<4x80xi32, #tpu.memory_space<vmem>> -> memref<1x80xi32, #tpu.memory_space<vmem>>
        %dma_wait3A_149 = tpu.memref_squeeze %dma_wait3A_148 : memref<1x80xi32, #tpu.memory_space<vmem>> -> memref<80xi32, #tpu.memory_space<vmem>>
        %dma_wait3A_150 = arith.constant 0 : i32
        %dma_wait3A_151 = tpu.memref_slice %arg3[%dma_wait3A_150] : memref<320000xi32, #tpu.memory_space<hbm>> -> memref<80xi32, #tpu.memory_space<hbm>>
        tpu.wait_dma2 semaphore(%arg12 : memref<!tpu.dma_semaphore, #tpu.memory_space<semaphore_mem>>) src(%dma_wait3A_151 : memref<80xi32, #tpu.memory_space<hbm>>) dst(%dma_wait3A_149 : memref<80xi32, #tpu.memory_space<vmem>>)
        %dma_wait3A_152 = arith.constant 0 : i32
        %dma_wait3A_153 = arith.constant 0 : i32
        %dma_wait3A_154 = tpu.memref_slice %arg2[%dma_wait3A_152, %dma_wait3A_153] : memref<320000x16xf32, #tpu.memory_space<hbm>> -> memref<80x16xf32, #tpu.memory_space<hbm>>
        %dma_wait3A_155 = arith.constant 0 : i32
        %dma_wait3A_156 = arith.constant 0 : i32
        %dma_wait3A_157 = tpu.memref_slice %arg2[%dma_wait3A_155, %dma_wait3A_156] : memref<320000x16xf32, #tpu.memory_space<hbm>> -> memref<80x16xf32, #tpu.memory_space<hbm>>
        tpu.wait_dma2 semaphore(%arg12 : memref<!tpu.dma_semaphore, #tpu.memory_space<semaphore_mem>>) src(%dma_wait3A_157 : memref<80x16xf32, #tpu.memory_space<hbm>>) dst(%arg6 : memref<80x16xf32, #tpu.memory_space<vmem>>)
        %dma_start3A_158 = arith.constant 0 : i32
        %dma_start3A_159 = arith.constant 0 : i32
        %dma_start3A_160 = tpu.memref_slice %arg5[%dma_start3A_158, %dma_start3A_159] : memref<4x80xi32, #tpu.memory_space<vmem>> -> memref<1x80xi32, #tpu.memory_space<vmem>>
        %dma_start3A_161 = tpu.memref_squeeze %dma_start3A_160 : memref<1x80xi32, #tpu.memory_space<vmem>> -> memref<80xi32, #tpu.memory_space<vmem>>
        %dma_start3A_162 = arith.constant 0 : i32
        %dma_start3A_163 = arith.constant 0 : i32
        %dma_start3A_164 = tpu.memref_slice %arg11[%dma_start3A_162, %dma_start3A_163] : memref<10000x16xf32, #tpu.memory_space<vmem_shared>> -> memref<10000x16xf32, #tpu.memory_space<vmem_shared>>
        tpu.enqueue_indirect_dma source(%arg6 : memref<80x16xf32, #tpu.memory_space<vmem>>) target(%dma_start3A_164 : memref<10000x16xf32, #tpu.memory_space<vmem_shared>>) offsets(%dma_start3A_161 : memref<80xi32, #tpu.memory_space<vmem>>) semaphore(%arg16 : memref<!tpu.dma_semaphore, #tpu.memory_space<semaphore_mem>>) {add = true}
        %ge3A = arith.constant 1 : i32
        %ge3A_165 = arith.cmpi sge, %add3A_111, %ge3A : i32
        %add3A_166 = arith.constant 3 : i32
        %add3A_167 = arith.addi %add3A_111, %add3A_166 : i32
        %lt3A_168 = arith.constant 125 : i32
        %lt3A_169 = arith.cmpi slt, %add3A_167, %lt3A_168 : i32
        %and3A = arith.andi %ge3A_165, %lt3A_169 : i1
        %convert_element_type3A_170 = arith.extui %and3A : i1 to i32
        %cond3A_171 = arith.constant 0 : i32
        %cond3A_172 = arith.cmpi ne, %convert_element_type3A_170, %cond3A_171 : i32
        scf.if %cond3A_172 {
          %dma_wait3A_173 = arith.constant 3 : i32
          %dma_wait3A_174 = arith.constant 0 : i32
          %dma_wait3A_175 = tpu.memref_slice %arg5[%dma_wait3A_173, %dma_wait3A_174] : memref<4x80xi32, #tpu.memory_space<vmem>> -> memref<1x80xi32, #tpu.memory_space<vmem>>
          %dma_wait3A_176 = tpu.memref_squeeze %dma_wait3A_175 : memref<1x80xi32, #tpu.memory_space<vmem>> -> memref<80xi32, #tpu.memory_space<vmem>>
          %dma_wait3A_177 = arith.constant 0 : i32
          %dma_wait3A_178 = arith.constant 0 : i32
          %dma_wait3A_179 = tpu.memref_slice %arg11[%dma_wait3A_177, %dma_wait3A_178] : memref<10000x16xf32, #tpu.memory_space<vmem_shared>> -> memref<10000x16xf32, #tpu.memory_space<vmem_shared>>
          tpu.wait_indirect_dma semaphore(%arg19 : memref<!tpu.dma_semaphore, #tpu.memory_space<semaphore_mem>>) src(%arg9 : memref<80x16xf32, #tpu.memory_space<vmem>>) dst(%dma_wait3A_179 : memref<10000x16xf32, #tpu.memory_space<vmem_shared>>)
          %add3A_180 = arith.constant 3 : i32
          %add3A_181 = arith.addi %add3A_111, %add3A_180 : i32
          %mul3A_182 = arith.constant 80 : i32
          %mul3A_183 = arith.muli %add3A_181, %mul3A_182 : i32
          %add3A_184 = arith.addi %mul3A_2, %mul3A_183 : i32
          %dma_start3A_185 = arith.constant 3 : i32
          %dma_start3A_186 = arith.constant 0 : i32
          %dma_start3A_187 = tpu.memref_slice %arg5[%dma_start3A_185, %dma_start3A_186] : memref<4x80xi32, #tpu.memory_space<vmem>> -> memref<1x80xi32, #tpu.memory_space<vmem>>
          %dma_start3A_188 = tpu.memref_squeeze %dma_start3A_187 : memref<1x80xi32, #tpu.memory_space<vmem>> -> memref<80xi32, #tpu.memory_space<vmem>>
          %dma_start3A_189 = tpu.memref_slice %arg3[%add3A_184] : memref<320000xi32, #tpu.memory_space<hbm>> -> memref<80xi32, #tpu.memory_space<hbm>>
          %dma_start3A_190 = arith.constant 0 : i32
          %dma_start3A_191 = tpu.memref_slice %arg5[%dma_start3A_185, %dma_start3A_190] : memref<4x80xi32, #tpu.memory_space<vmem>> -> memref<1x80xi32, #tpu.memory_space<vmem>>
          %dma_start3A_192 = tpu.memref_squeeze %dma_start3A_191 : memref<1x80xi32, #tpu.memory_space<vmem>> -> memref<80xi32, #tpu.memory_space<vmem>>
          %dma_start3A_193 = tpu.memref_slice %arg3[%add3A_184] : memref<320000xi32, #tpu.memory_space<hbm>> -> memref<80xi32, #tpu.memory_space<hbm>>
          tpu.enqueue_dma source(%dma_start3A_193 : memref<80xi32, #tpu.memory_space<hbm>>) target(%dma_start3A_192 : memref<80xi32, #tpu.memory_space<vmem>>) target_semaphore(%arg15 : memref<!tpu.dma_semaphore, #tpu.memory_space<semaphore_mem>>)
          %dma_start3A_194 = arith.constant 0 : i32
          %dma_start3A_195 = tpu.memref_slice %arg2[%add3A_184, %dma_start3A_194] : memref<320000x16xf32, #tpu.memory_space<hbm>> -> memref<80x16xf32, #tpu.memory_space<hbm>>
          %dma_start3A_196 = arith.constant 0 : i32
          %dma_start3A_197 = tpu.memref_slice %arg2[%add3A_184, %dma_start3A_196] : memref<320000x16xf32, #tpu.memory_space<hbm>> -> memref<80x16xf32, #tpu.memory_space<hbm>>
          tpu.enqueue_dma source(%dma_start3A_197 : memref<80x16xf32, #tpu.memory_space<hbm>>) target(%arg9 : memref<80x16xf32, #tpu.memory_space<vmem>>) target_semaphore(%arg15 : memref<!tpu.dma_semaphore, #tpu.memory_space<semaphore_mem>>)
        } else {
        }
      } else {
      }
      %mul3A_114 = arith.constant 4 : i32
      %mul3A_115 = arith.muli %mul3A_114, %scan3A_107 : i32
      %add3A_116 = arith.constant 1 : i32
      %add3A_117 = arith.addi %mul3A_115, %add3A_116 : i32
      %lt3A_118 = arith.constant 125 : i32
      %lt3A_119 = arith.cmpi slt, %add3A_117, %lt3A_118 : i32
      %convert_element_type3A_120 = arith.extui %lt3A_119 : i1 to i32
      %cond3A_121 = arith.constant 0 : i32
      %cond3A_122 = arith.cmpi ne, %convert_element_type3A_120, %cond3A_121 : i32
      scf.if %cond3A_122 {
        %dma_wait3A_141 = arith.constant 1 : i32
        %dma_wait3A_142 = arith.constant 0 : i32
        %dma_wait3A_143 = tpu.memref_slice %arg5[%dma_wait3A_141, %dma_wait3A_142] : memref<4x80xi32, #tpu.memory_space<vmem>> -> memref<1x80xi32, #tpu.memory_space<vmem>>
        %dma_wait3A_144 = tpu.memref_squeeze %dma_wait3A_143 : memref<1x80xi32, #tpu.memory_space<vmem>> -> memref<80xi32, #tpu.memory_space<vmem>>
        %dma_wait3A_145 = arith.constant 0 : i32
        %dma_wait3A_146 = tpu.memref_slice %arg3[%dma_wait3A_145] : memref<320000xi32, #tpu.memory_space<hbm>> -> memref<80xi32, #tpu.memory_space<hbm>>
        %dma_wait3A_147 = arith.constant 0 : i32
        %dma_wait3A_148 = tpu.memref_slice %arg5[%dma_wait3A_141, %dma_wait3A_147] : memref<4x80xi32, #tpu.memory_space<vmem>> -> memref<1x80xi32, #tpu.memory_space<vmem>>
        %dma_wait3A_149 = tpu.memref_squeeze %dma_wait3A_148 : memref<1x80xi32, #tpu.memory_space<vmem>> -> memref<80xi32, #tpu.memory_space<vmem>>
        %dma_wait3A_150 = arith.constant 0 : i32
        %dma_wait3A_151 = tpu.memref_slice %arg3[%dma_wait3A_150] : memref<320000xi32, #tpu.memory_space<hbm>> -> memref<80xi32, #tpu.memory_space<hbm>>
        tpu.wait_dma2 semaphore(%arg13 : memref<!tpu.dma_semaphore, #tpu.memory_space<semaphore_mem>>) src(%dma_wait3A_151 : memref<80xi32, #tpu.memory_space<hbm>>) dst(%dma_wait3A_149 : memref<80xi32, #tpu.memory_space<vmem>>)
        %dma_wait3A_152 = arith.constant 0 : i32
        %dma_wait3A_153 = arith.constant 0 : i32
        %dma_wait3A_154 = tpu.memref_slice %arg2[%dma_wait3A_152, %dma_wait3A_153] : memref<320000x16xf32, #tpu.memory_space<hbm>> -> memref<80x16xf32, #tpu.memory_space<hbm>>
        %dma_wait3A_155 = arith.constant 0 : i32
        %dma_wait3A_156 = arith.constant 0 : i32
        %dma_wait3A_157 = tpu.memref_slice %arg2[%dma_wait3A_155, %dma_wait3A_156] : memref<320000x16xf32, #tpu.memory_space<hbm>> -> memref<80x16xf32, #tpu.memory_space<hbm>>
        tpu.wait_dma2 semaphore(%arg13 : memref<!tpu.dma_semaphore, #tpu.memory_space<semaphore_mem>>) src(%dma_wait3A_157 : memref<80x16xf32, #tpu.memory_space<hbm>>) dst(%arg7 : memref<80x16xf32, #tpu.memory_space<vmem>>)
        %dma_start3A_158 = arith.constant 1 : i32
        %dma_start3A_159 = arith.constant 0 : i32
        %dma_start3A_160 = tpu.memref_slice %arg5[%dma_start3A_158, %dma_start3A_159] : memref<4x80xi32, #tpu.memory_space<vmem>> -> memref<1x80xi32, #tpu.memory_space<vmem>>
        %dma_start3A_161 = tpu.memref_squeeze %dma_start3A_160 : memref<1x80xi32, #tpu.memory_space<vmem>> -> memref<80xi32, #tpu.memory_space<vmem>>
        %dma_start3A_162 = arith.constant 0 : i32
        %dma_start3A_163 = arith.constant 0 : i32
        %dma_start3A_164 = tpu.memref_slice %arg11[%dma_start3A_162, %dma_start3A_163] : memref<10000x16xf32, #tpu.memory_space<vmem_shared>> -> memref<10000x16xf32, #tpu.memory_space<vmem_shared>>
        tpu.enqueue_indirect_dma source(%arg7 : memref<80x16xf32, #tpu.memory_space<vmem>>) target(%dma_start3A_164 : memref<10000x16xf32, #tpu.memory_space<vmem_shared>>) offsets(%dma_start3A_161 : memref<80xi32, #tpu.memory_space<vmem>>) semaphore(%arg17 : memref<!tpu.dma_semaphore, #tpu.memory_space<semaphore_mem>>) {add = true}
        %ge3A = arith.constant 1 : i32
        %ge3A_165 = arith.cmpi sge, %add3A_117, %ge3A : i32
        %add3A_166 = arith.constant 3 : i32
        %add3A_167 = arith.addi %add3A_117, %add3A_166 : i32
        %lt3A_168 = arith.constant 125 : i32
        %lt3A_169 = arith.cmpi slt, %add3A_167, %lt3A_168 : i32
        %and3A = arith.andi %ge3A_165, %lt3A_169 : i1
        %convert_element_type3A_170 = arith.extui %and3A : i1 to i32
        %cond3A_171 = arith.constant 0 : i32
        %cond3A_172 = arith.cmpi ne, %convert_element_type3A_170, %cond3A_171 : i32
        scf.if %cond3A_172 {
          %dma_wait3A_173 = arith.constant 0 : i32
          %dma_wait3A_174 = arith.constant 0 : i32
          %dma_wait3A_175 = tpu.memref_slice %arg5[%dma_wait3A_173, %dma_wait3A_174] : memref<4x80xi32, #tpu.memory_space<vmem>> -> memref<1x80xi32, #tpu.memory_space<vmem>>
          %dma_wait3A_176 = tpu.memref_squeeze %dma_wait3A_175 : memref<1x80xi32, #tpu.memory_space<vmem>> -> memref<80xi32, #tpu.memory_space<vmem>>
          %dma_wait3A_177 = arith.constant 0 : i32
          %dma_wait3A_178 = arith.constant 0 : i32
          %dma_wait3A_179 = tpu.memref_slice %arg11[%dma_wait3A_177, %dma_wait3A_178] : memref<10000x16xf32, #tpu.memory_space<vmem_shared>> -> memref<10000x16xf32, #tpu.memory_space<vmem_shared>>
          tpu.wait_indirect_dma semaphore(%arg16 : memref<!tpu.dma_semaphore, #tpu.memory_space<semaphore_mem>>) src(%arg6 : memref<80x16xf32, #tpu.memory_space<vmem>>) dst(%dma_wait3A_179 : memref<10000x16xf32, #tpu.memory_space<vmem_shared>>)
          %add3A_180 = arith.constant 3 : i32
          %add3A_181 = arith.addi %add3A_117, %add3A_180 : i32
          %mul3A_182 = arith.constant 80 : i32
          %mul3A_183 = arith.muli %add3A_181, %mul3A_182 : i32
          %add3A_184 = arith.addi %mul3A_2, %mul3A_183 : i32
          %dma_start3A_185 = arith.constant 0 : i32
          %dma_start3A_186 = arith.constant 0 : i32
          %dma_start3A_187 = tpu.memref_slice %arg5[%dma_start3A_185, %dma_start3A_186] : memref<4x80xi32, #tpu.memory_space<vmem>> -> memref<1x80xi32, #tpu.memory_space<vmem>>
          %dma_start3A_188 = tpu.memref_squeeze %dma_start3A_187 : memref<1x80xi32, #tpu.memory_space<vmem>> -> memref<80xi32, #tpu.memory_space<vmem>>
          %dma_start3A_189 = tpu.memref_slice %arg3[%add3A_184] : memref<320000xi32, #tpu.memory_space<hbm>> -> memref<80xi32, #tpu.memory_space<hbm>>
          %dma_start3A_190 = arith.constant 0 : i32
          %dma_start3A_191 = tpu.memref_slice %arg5[%dma_start3A_185, %dma_start3A_190] : memref<4x80xi32, #tpu.memory_space<vmem>> -> memref<1x80xi32, #tpu.memory_space<vmem>>
          %dma_start3A_192 = tpu.memref_squeeze %dma_start3A_191 : memref<1x80xi32, #tpu.memory_space<vmem>> -> memref<80xi32, #tpu.memory_space<vmem>>
          %dma_start3A_193 = tpu.memref_slice %arg3[%add3A_184] : memref<320000xi32, #tpu.memory_space<hbm>> -> memref<80xi32, #tpu.memory_space<hbm>>
          tpu.enqueue_dma source(%dma_start3A_193 : memref<80xi32, #tpu.memory_space<hbm>>) target(%dma_start3A_192 : memref<80xi32, #tpu.memory_space<vmem>>) target_semaphore(%arg12 : memref<!tpu.dma_semaphore, #tpu.memory_space<semaphore_mem>>)
          %dma_start3A_194 = arith.constant 0 : i32
          %dma_start3A_195 = tpu.memref_slice %arg2[%add3A_184, %dma_start3A_194] : memref<320000x16xf32, #tpu.memory_space<hbm>> -> memref<80x16xf32, #tpu.memory_space<hbm>>
          %dma_start3A_196 = arith.constant 0 : i32
          %dma_start3A_197 = tpu.memref_slice %arg2[%add3A_184, %dma_start3A_196] : memref<320000x16xf32, #tpu.memory_space<hbm>> -> memref<80x16xf32, #tpu.memory_space<hbm>>
          tpu.enqueue_dma source(%dma_start3A_197 : memref<80x16xf32, #tpu.memory_space<hbm>>) target(%arg6 : memref<80x16xf32, #tpu.memory_space<vmem>>) target_semaphore(%arg12 : memref<!tpu.dma_semaphore, #tpu.memory_space<semaphore_mem>>)
        } else {
        }
      } else {
      }
      %mul3A_123 = arith.constant 4 : i32
      %mul3A_124 = arith.muli %mul3A_123, %scan3A_107 : i32
      %add3A_125 = arith.constant 2 : i32
      %add3A_126 = arith.addi %mul3A_124, %add3A_125 : i32
      %lt3A_127 = arith.constant 125 : i32
      %lt3A_128 = arith.cmpi slt, %add3A_126, %lt3A_127 : i32
      %convert_element_type3A_129 = arith.extui %lt3A_128 : i1 to i32
      %cond3A_130 = arith.constant 0 : i32
      %cond3A_131 = arith.cmpi ne, %convert_element_type3A_129, %cond3A_130 : i32
      scf.if %cond3A_131 {
        %dma_wait3A_141 = arith.constant 2 : i32
        %dma_wait3A_142 = arith.constant 0 : i32
        %dma_wait3A_143 = tpu.memref_slice %arg5[%dma_wait3A_141, %dma_wait3A_142] : memref<4x80xi32, #tpu.memory_space<vmem>> -> memref<1x80xi32, #tpu.memory_space<vmem>>
        %dma_wait3A_144 = tpu.memref_squeeze %dma_wait3A_143 : memref<1x80xi32, #tpu.memory_space<vmem>> -> memref<80xi32, #tpu.memory_space<vmem>>
        %dma_wait3A_145 = arith.constant 0 : i32
        %dma_wait3A_146 = tpu.memref_slice %arg3[%dma_wait3A_145] : memref<320000xi32, #tpu.memory_space<hbm>> -> memref<80xi32, #tpu.memory_space<hbm>>
        %dma_wait3A_147 = arith.constant 0 : i32
        %dma_wait3A_148 = tpu.memref_slice %arg5[%dma_wait3A_141, %dma_wait3A_147] : memref<4x80xi32, #tpu.memory_space<vmem>> -> memref<1x80xi32, #tpu.memory_space<vmem>>
        %dma_wait3A_149 = tpu.memref_squeeze %dma_wait3A_148 : memref<1x80xi32, #tpu.memory_space<vmem>> -> memref<80xi32, #tpu.memory_space<vmem>>
        %dma_wait3A_150 = arith.constant 0 : i32
        %dma_wait3A_151 = tpu.memref_slice %arg3[%dma_wait3A_150] : memref<320000xi32, #tpu.memory_space<hbm>> -> memref<80xi32, #tpu.memory_space<hbm>>
        tpu.wait_dma2 semaphore(%arg14 : memref<!tpu.dma_semaphore, #tpu.memory_space<semaphore_mem>>) src(%dma_wait3A_151 : memref<80xi32, #tpu.memory_space<hbm>>) dst(%dma_wait3A_149 : memref<80xi32, #tpu.memory_space<vmem>>)
        %dma_wait3A_152 = arith.constant 0 : i32
        %dma_wait3A_153 = arith.constant 0 : i32
        %dma_wait3A_154 = tpu.memref_slice %arg2[%dma_wait3A_152, %dma_wait3A_153] : memref<320000x16xf32, #tpu.memory_space<hbm>> -> memref<80x16xf32, #tpu.memory_space<hbm>>
        %dma_wait3A_155 = arith.constant 0 : i32
        %dma_wait3A_156 = arith.constant 0 : i32
        %dma_wait3A_157 = tpu.memref_slice %arg2[%dma_wait3A_155, %dma_wait3A_156] : memref<320000x16xf32, #tpu.memory_space<hbm>> -> memref<80x16xf32, #tpu.memory_space<hbm>>
        tpu.wait_dma2 semaphore(%arg14 : memref<!tpu.dma_semaphore, #tpu.memory_space<semaphore_mem>>) src(%dma_wait3A_157 : memref<80x16xf32, #tpu.memory_space<hbm>>) dst(%arg8 : memref<80x16xf32, #tpu.memory_space<vmem>>)
        %dma_start3A_158 = arith.constant 2 : i32
        %dma_start3A_159 = arith.constant 0 : i32
        %dma_start3A_160 = tpu.memref_slice %arg5[%dma_start3A_158, %dma_start3A_159] : memref<4x80xi32, #tpu.memory_space<vmem>> -> memref<1x80xi32, #tpu.memory_space<vmem>>
        %dma_start3A_161 = tpu.memref_squeeze %dma_start3A_160 : memref<1x80xi32, #tpu.memory_space<vmem>> -> memref<80xi32, #tpu.memory_space<vmem>>
        %dma_start3A_162 = arith.constant 0 : i32
        %dma_start3A_163 = arith.constant 0 : i32
        %dma_start3A_164 = tpu.memref_slice %arg11[%dma_start3A_162, %dma_start3A_163] : memref<10000x16xf32, #tpu.memory_space<vmem_shared>> -> memref<10000x16xf32, #tpu.memory_space<vmem_shared>>
        tpu.enqueue_indirect_dma source(%arg8 : memref<80x16xf32, #tpu.memory_space<vmem>>) target(%dma_start3A_164 : memref<10000x16xf32, #tpu.memory_space<vmem_shared>>) offsets(%dma_start3A_161 : memref<80xi32, #tpu.memory_space<vmem>>) semaphore(%arg18 : memref<!tpu.dma_semaphore, #tpu.memory_space<semaphore_mem>>) {add = true}
        %ge3A = arith.constant 1 : i32
        %ge3A_165 = arith.cmpi sge, %add3A_126, %ge3A : i32
        %add3A_166 = arith.constant 3 : i32
        %add3A_167 = arith.addi %add3A_126, %add3A_166 : i32
        %lt3A_168 = arith.constant 125 : i32
        %lt3A_169 = arith.cmpi slt, %add3A_167, %lt3A_168 : i32
        %and3A = arith.andi %ge3A_165, %lt3A_169 : i1
        %convert_element_type3A_170 = arith.extui %and3A : i1 to i32
        %cond3A_171 = arith.constant 0 : i32
        %cond3A_172 = arith.cmpi ne, %convert_element_type3A_170, %cond3A_171 : i32
        scf.if %cond3A_172 {
          %dma_wait3A_173 = arith.constant 1 : i32
          %dma_wait3A_174 = arith.constant 0 : i32
          %dma_wait3A_175 = tpu.memref_slice %arg5[%dma_wait3A_173, %dma_wait3A_174] : memref<4x80xi32, #tpu.memory_space<vmem>> -> memref<1x80xi32, #tpu.memory_space<vmem>>
          %dma_wait3A_176 = tpu.memref_squeeze %dma_wait3A_175 : memref<1x80xi32, #tpu.memory_space<vmem>> -> memref<80xi32, #tpu.memory_space<vmem>>
          %dma_wait3A_177 = arith.constant 0 : i32
          %dma_wait3A_178 = arith.constant 0 : i32
          %dma_wait3A_179 = tpu.memref_slice %arg11[%dma_wait3A_177, %dma_wait3A_178] : memref<10000x16xf32, #tpu.memory_space<vmem_shared>> -> memref<10000x16xf32, #tpu.memory_space<vmem_shared>>
          tpu.wait_indirect_dma semaphore(%arg17 : memref<!tpu.dma_semaphore, #tpu.memory_space<semaphore_mem>>) src(%arg7 : memref<80x16xf32, #tpu.memory_space<vmem>>) dst(%dma_wait3A_179 : memref<10000x16xf32, #tpu.memory_space<vmem_shared>>)
          %add3A_180 = arith.constant 3 : i32
          %add3A_181 = arith.addi %add3A_126, %add3A_180 : i32
          %mul3A_182 = arith.constant 80 : i32
          %mul3A_183 = arith.muli %add3A_181, %mul3A_182 : i32
          %add3A_184 = arith.addi %mul3A_2, %mul3A_183 : i32
          %dma_start3A_185 = arith.constant 1 : i32
          %dma_start3A_186 = arith.constant 0 : i32
          %dma_start3A_187 = tpu.memref_slice %arg5[%dma_start3A_185, %dma_start3A_186] : memref<4x80xi32, #tpu.memory_space<vmem>> -> memref<1x80xi32, #tpu.memory_space<vmem>>
          %dma_start3A_188 = tpu.memref_squeeze %dma_start3A_187 : memref<1x80xi32, #tpu.memory_space<vmem>> -> memref<80xi32, #tpu.memory_space<vmem>>
          %dma_start3A_189 = tpu.memref_slice %arg3[%add3A_184] : memref<320000xi32, #tpu.memory_space<hbm>> -> memref<80xi32, #tpu.memory_space<hbm>>
          %dma_start3A_190 = arith.constant 0 : i32
          %dma_start3A_191 = tpu.memref_slice %arg5[%dma_start3A_185, %dma_start3A_190] : memref<4x80xi32, #tpu.memory_space<vmem>> -> memref<1x80xi32, #tpu.memory_space<vmem>>
          %dma_start3A_192 = tpu.memref_squeeze %dma_start3A_191 : memref<1x80xi32, #tpu.memory_space<vmem>> -> memref<80xi32, #tpu.memory_space<vmem>>
          %dma_start3A_193 = tpu.memref_slice %arg3[%add3A_184] : memref<320000xi32, #tpu.memory_space<hbm>> -> memref<80xi32, #tpu.memory_space<hbm>>
          tpu.enqueue_dma source(%dma_start3A_193 : memref<80xi32, #tpu.memory_space<hbm>>) target(%dma_start3A_192 : memref<80xi32, #tpu.memory_space<vmem>>) target_semaphore(%arg13 : memref<!tpu.dma_semaphore, #tpu.memory_space<semaphore_mem>>)
          %dma_start3A_194 = arith.constant 0 : i32
          %dma_start3A_195 = tpu.memref_slice %arg2[%add3A_184, %dma_start3A_194] : memref<320000x16xf32, #tpu.memory_space<hbm>> -> memref<80x16xf32, #tpu.memory_space<hbm>>
          %dma_start3A_196 = arith.constant 0 : i32
          %dma_start3A_197 = tpu.memref_slice %arg2[%add3A_184, %dma_start3A_196] : memref<320000x16xf32, #tpu.memory_space<hbm>> -> memref<80x16xf32, #tpu.memory_space<hbm>>
          tpu.enqueue_dma source(%dma_start3A_197 : memref<80x16xf32, #tpu.memory_space<hbm>>) target(%arg7 : memref<80x16xf32, #tpu.memory_space<vmem>>) target_semaphore(%arg13 : memref<!tpu.dma_semaphore, #tpu.memory_space<semaphore_mem>>)
        } else {
        }
      } else {
      }
      %mul3A_132 = arith.constant 4 : i32
      %mul3A_133 = arith.muli %mul3A_132, %scan3A_107 : i32
      %add3A_134 = arith.constant 3 : i32
      %add3A_135 = arith.addi %mul3A_133, %add3A_134 : i32
      %lt3A_136 = arith.constant 125 : i32
      %lt3A_137 = arith.cmpi slt, %add3A_135, %lt3A_136 : i32
      %convert_element_type3A_138 = arith.extui %lt3A_137 : i1 to i32
      %cond3A_139 = arith.constant 0 : i32
      %cond3A_140 = arith.cmpi ne, %convert_element_type3A_138, %cond3A_139 : i32
      scf.if %cond3A_140 {
        %dma_wait3A_141 = arith.constant 3 : i32
        %dma_wait3A_142 = arith.constant 0 : i32
        %dma_wait3A_143 = tpu.memref_slice %arg5[%dma_wait3A_141, %dma_wait3A_142] : memref<4x80xi32, #tpu.memory_space<vmem>> -> memref<1x80xi32, #tpu.memory_space<vmem>>
        %dma_wait3A_144 = tpu.memref_squeeze %dma_wait3A_143 : memref<1x80xi32, #tpu.memory_space<vmem>> -> memref<80xi32, #tpu.memory_space<vmem>>
        %dma_wait3A_145 = arith.constant 0 : i32
        %dma_wait3A_146 = tpu.memref_slice %arg3[%dma_wait3A_145] : memref<320000xi32, #tpu.memory_space<hbm>> -> memref<80xi32, #tpu.memory_space<hbm>>
        %dma_wait3A_147 = arith.constant 0 : i32
        %dma_wait3A_148 = tpu.memref_slice %arg5[%dma_wait3A_141, %dma_wait3A_147] : memref<4x80xi32, #tpu.memory_space<vmem>> -> memref<1x80xi32, #tpu.memory_space<vmem>>
        %dma_wait3A_149 = tpu.memref_squeeze %dma_wait3A_148 : memref<1x80xi32, #tpu.memory_space<vmem>> -> memref<80xi32, #tpu.memory_space<vmem>>
        %dma_wait3A_150 = arith.constant 0 : i32
        %dma_wait3A_151 = tpu.memref_slice %arg3[%dma_wait3A_150] : memref<320000xi32, #tpu.memory_space<hbm>> -> memref<80xi32, #tpu.memory_space<hbm>>
        tpu.wait_dma2 semaphore(%arg15 : memref<!tpu.dma_semaphore, #tpu.memory_space<semaphore_mem>>) src(%dma_wait3A_151 : memref<80xi32, #tpu.memory_space<hbm>>) dst(%dma_wait3A_149 : memref<80xi32, #tpu.memory_space<vmem>>)
        %dma_wait3A_152 = arith.constant 0 : i32
        %dma_wait3A_153 = arith.constant 0 : i32
        %dma_wait3A_154 = tpu.memref_slice %arg2[%dma_wait3A_152, %dma_wait3A_153] : memref<320000x16xf32, #tpu.memory_space<hbm>> -> memref<80x16xf32, #tpu.memory_space<hbm>>
        %dma_wait3A_155 = arith.constant 0 : i32
        %dma_wait3A_156 = arith.constant 0 : i32
        %dma_wait3A_157 = tpu.memref_slice %arg2[%dma_wait3A_155, %dma_wait3A_156] : memref<320000x16xf32, #tpu.memory_space<hbm>> -> memref<80x16xf32, #tpu.memory_space<hbm>>
        tpu.wait_dma2 semaphore(%arg15 : memref<!tpu.dma_semaphore, #tpu.memory_space<semaphore_mem>>) src(%dma_wait3A_157 : memref<80x16xf32, #tpu.memory_space<hbm>>) dst(%arg9 : memref<80x16xf32, #tpu.memory_space<vmem>>)
        %dma_start3A_158 = arith.constant 3 : i32
        %dma_start3A_159 = arith.constant 0 : i32
        %dma_start3A_160 = tpu.memref_slice %arg5[%dma_start3A_158, %dma_start3A_159] : memref<4x80xi32, #tpu.memory_space<vmem>> -> memref<1x80xi32, #tpu.memory_space<vmem>>
        %dma_start3A_161 = tpu.memref_squeeze %dma_start3A_160 : memref<1x80xi32, #tpu.memory_space<vmem>> -> memref<80xi32, #tpu.memory_space<vmem>>
        %dma_start3A_162 = arith.constant 0 : i32
        %dma_start3A_163 = arith.constant 0 : i32
        %dma_start3A_164 = tpu.memref_slice %arg11[%dma_start3A_162, %dma_start3A_163] : memref<10000x16xf32, #tpu.memory_space<vmem_shared>> -> memref<10000x16xf32, #tpu.memory_space<vmem_shared>>
        tpu.enqueue_indirect_dma source(%arg9 : memref<80x16xf32, #tpu.memory_space<vmem>>) target(%dma_start3A_164 : memref<10000x16xf32, #tpu.memory_space<vmem_shared>>) offsets(%dma_start3A_161 : memref<80xi32, #tpu.memory_space<vmem>>) semaphore(%arg19 : memref<!tpu.dma_semaphore, #tpu.memory_space<semaphore_mem>>) {add = true}
        %ge3A = arith.constant 1 : i32
        %ge3A_165 = arith.cmpi sge, %add3A_135, %ge3A : i32
        %add3A_166 = arith.constant 3 : i32
        %add3A_167 = arith.addi %add3A_135, %add3A_166 : i32
        %lt3A_168 = arith.constant 125 : i32
        %lt3A_169 = arith.cmpi slt, %add3A_167, %lt3A_168 : i32
        %and3A = arith.andi %ge3A_165, %lt3A_169 : i1
        %convert_element_type3A_170 = arith.extui %and3A : i1 to i32
        %cond3A_171 = arith.constant 0 : i32
        %cond3A_172 = arith.cmpi ne, %convert_element_type3A_170, %cond3A_171 : i32
        scf.if %cond3A_172 {
          %dma_wait3A_173 = arith.constant 2 : i32
          %dma_wait3A_174 = arith.constant 0 : i32
          %dma_wait3A_175 = tpu.memref_slice %arg5[%dma_wait3A_173, %dma_wait3A_174] : memref<4x80xi32, #tpu.memory_space<vmem>> -> memref<1x80xi32, #tpu.memory_space<vmem>>
          %dma_wait3A_176 = tpu.memref_squeeze %dma_wait3A_175 : memref<1x80xi32, #tpu.memory_space<vmem>> -> memref<80xi32, #tpu.memory_space<vmem>>
          %dma_wait3A_177 = arith.constant 0 : i32
          %dma_wait3A_178 = arith.constant 0 : i32
          %dma_wait3A_179 = tpu.memref_slice %arg11[%dma_wait3A_177, %dma_wait3A_178] : memref<10000x16xf32, #tpu.memory_space<vmem_shared>> -> memref<10000x16xf32, #tpu.memory_space<vmem_shared>>
          tpu.wait_indirect_dma semaphore(%arg18 : memref<!tpu.dma_semaphore, #tpu.memory_space<semaphore_mem>>) src(%arg8 : memref<80x16xf32, #tpu.memory_space<vmem>>) dst(%dma_wait3A_179 : memref<10000x16xf32, #tpu.memory_space<vmem_shared>>)
          %add3A_180 = arith.constant 3 : i32
          %add3A_181 = arith.addi %add3A_135, %add3A_180 : i32
          %mul3A_182 = arith.constant 80 : i32
          %mul3A_183 = arith.muli %add3A_181, %mul3A_182 : i32
          %add3A_184 = arith.addi %mul3A_2, %mul3A_183 : i32
          %dma_start3A_185 = arith.constant 2 : i32
          %dma_start3A_186 = arith.constant 0 : i32
          %dma_start3A_187 = tpu.memref_slice %arg5[%dma_start3A_185, %dma_start3A_186] : memref<4x80xi32, #tpu.memory_space<vmem>> -> memref<1x80xi32, #tpu.memory_space<vmem>>
          %dma_start3A_188 = tpu.memref_squeeze %dma_start3A_187 : memref<1x80xi32, #tpu.memory_space<vmem>> -> memref<80xi32, #tpu.memory_space<vmem>>
          %dma_start3A_189 = tpu.memref_slice %arg3[%add3A_184] : memref<320000xi32, #tpu.memory_space<hbm>> -> memref<80xi32, #tpu.memory_space<hbm>>
          %dma_start3A_190 = arith.constant 0 : i32
          %dma_start3A_191 = tpu.memref_slice %arg5[%dma_start3A_185, %dma_start3A_190] : memref<4x80xi32, #tpu.memory_space<vmem>> -> memref<1x80xi32, #tpu.memory_space<vmem>>
          %dma_start3A_192 = tpu.memref_squeeze %dma_start3A_191 : memref<1x80xi32, #tpu.memory_space<vmem>> -> memref<80xi32, #tpu.memory_space<vmem>>
          %dma_start3A_193 = tpu.memref_slice %arg3[%add3A_184] : memref<320000xi32, #tpu.memory_space<hbm>> -> memref<80xi32, #tpu.memory_space<hbm>>
          tpu.enqueue_dma source(%dma_start3A_193 : memref<80xi32, #tpu.memory_space<hbm>>) target(%dma_start3A_192 : memref<80xi32, #tpu.memory_space<vmem>>) target_semaphore(%arg14 : memref<!tpu.dma_semaphore, #tpu.memory_space<semaphore_mem>>)
          %dma_start3A_194 = arith.constant 0 : i32
          %dma_start3A_195 = tpu.memref_slice %arg2[%add3A_184, %dma_start3A_194] : memref<320000x16xf32, #tpu.memory_space<hbm>> -> memref<80x16xf32, #tpu.memory_space<hbm>>
          %dma_start3A_196 = arith.constant 0 : i32
          %dma_start3A_197 = tpu.memref_slice %arg2[%add3A_184, %dma_start3A_196] : memref<320000x16xf32, #tpu.memory_space<hbm>> -> memref<80x16xf32, #tpu.memory_space<hbm>>
          tpu.enqueue_dma source(%dma_start3A_197 : memref<80x16xf32, #tpu.memory_space<hbm>>) target(%arg8 : memref<80x16xf32, #tpu.memory_space<vmem>>) target_semaphore(%arg14 : memref<!tpu.dma_semaphore, #tpu.memory_space<semaphore_mem>>)
        } else {
        }
      } else {
      }
    }
    %scan3A_74 = arith.constant 32 : i32
    %dma_wait3A = arith.constant 1 : i32
    %dma_wait3A_75 = arith.constant 0 : i32
    %dma_wait3A_76 = tpu.memref_slice %arg5[%dma_wait3A, %dma_wait3A_75] : memref<4x80xi32, #tpu.memory_space<vmem>> -> memref<1x80xi32, #tpu.memory_space<vmem>>
    %dma_wait3A_77 = tpu.memref_squeeze %dma_wait3A_76 : memref<1x80xi32, #tpu.memory_space<vmem>> -> memref<80xi32, #tpu.memory_space<vmem>>
    %dma_wait3A_78 = arith.constant 0 : i32
    %dma_wait3A_79 = arith.constant 0 : i32
    %dma_wait3A_80 = tpu.memref_slice %arg11[%dma_wait3A_78, %dma_wait3A_79] : memref<10000x16xf32, #tpu.memory_space<vmem_shared>> -> memref<10000x16xf32, #tpu.memory_space<vmem_shared>>
    tpu.wait_indirect_dma semaphore(%arg17 : memref<!tpu.dma_semaphore, #tpu.memory_space<semaphore_mem>>) src(%arg7 : memref<80x16xf32, #tpu.memory_space<vmem>>) dst(%dma_wait3A_80 : memref<10000x16xf32, #tpu.memory_space<vmem_shared>>)
    %dma_wait3A_81 = arith.constant 2 : i32
    %dma_wait3A_82 = arith.constant 0 : i32
    %dma_wait3A_83 = tpu.memref_slice %arg5[%dma_wait3A_81, %dma_wait3A_82] : memref<4x80xi32, #tpu.memory_space<vmem>> -> memref<1x80xi32, #tpu.memory_space<vmem>>
    %dma_wait3A_84 = tpu.memref_squeeze %dma_wait3A_83 : memref<1x80xi32, #tpu.memory_space<vmem>> -> memref<80xi32, #tpu.memory_space<vmem>>
    %dma_wait3A_85 = arith.constant 0 : i32
    %dma_wait3A_86 = arith.constant 0 : i32
    %dma_wait3A_87 = tpu.memref_slice %arg11[%dma_wait3A_85, %dma_wait3A_86] : memref<10000x16xf32, #tpu.memory_space<vmem_shared>> -> memref<10000x16xf32, #tpu.memory_space<vmem_shared>>
    tpu.wait_indirect_dma semaphore(%arg18 : memref<!tpu.dma_semaphore, #tpu.memory_space<semaphore_mem>>) src(%arg8 : memref<80x16xf32, #tpu.memory_space<vmem>>) dst(%dma_wait3A_87 : memref<10000x16xf32, #tpu.memory_space<vmem_shared>>)
    %dma_wait3A_88 = arith.constant 3 : i32
    %dma_wait3A_89 = arith.constant 0 : i32
    %dma_wait3A_90 = tpu.memref_slice %arg5[%dma_wait3A_88, %dma_wait3A_89] : memref<4x80xi32, #tpu.memory_space<vmem>> -> memref<1x80xi32, #tpu.memory_space<vmem>>
    %dma_wait3A_91 = tpu.memref_squeeze %dma_wait3A_90 : memref<1x80xi32, #tpu.memory_space<vmem>> -> memref<80xi32, #tpu.memory_space<vmem>>
    %dma_wait3A_92 = arith.constant 0 : i32
    %dma_wait3A_93 = arith.constant 0 : i32
    %dma_wait3A_94 = tpu.memref_slice %arg11[%dma_wait3A_92, %dma_wait3A_93] : memref<10000x16xf32, #tpu.memory_space<vmem_shared>> -> memref<10000x16xf32, #tpu.memory_space<vmem_shared>>
    tpu.wait_indirect_dma semaphore(%arg19 : memref<!tpu.dma_semaphore, #tpu.memory_space<semaphore_mem>>) src(%arg9 : memref<80x16xf32, #tpu.memory_space<vmem>>) dst(%dma_wait3A_94 : memref<10000x16xf32, #tpu.memory_space<vmem_shared>>)
    %dma_wait3A_95 = arith.constant 0 : i32
    %dma_wait3A_96 = arith.constant 0 : i32
    %dma_wait3A_97 = tpu.memref_slice %arg5[%dma_wait3A_95, %dma_wait3A_96] : memref<4x80xi32, #tpu.memory_space<vmem>> -> memref<1x80xi32, #tpu.memory_space<vmem>>
    %dma_wait3A_98 = tpu.memref_squeeze %dma_wait3A_97 : memref<1x80xi32, #tpu.memory_space<vmem>> -> memref<80xi32, #tpu.memory_space<vmem>>
    %dma_wait3A_99 = arith.constant 0 : i32
    %dma_wait3A_100 = arith.constant 0 : i32
    %dma_wait3A_101 = tpu.memref_slice %arg11[%dma_wait3A_99, %dma_wait3A_100] : memref<10000x16xf32, #tpu.memory_space<vmem_shared>> -> memref<10000x16xf32, #tpu.memory_space<vmem_shared>>
    tpu.wait_indirect_dma semaphore(%arg16 : memref<!tpu.dma_semaphore, #tpu.memory_space<semaphore_mem>>) src(%arg6 : memref<80x16xf32, #tpu.memory_space<vmem>>) dst(%dma_wait3A_101 : memref<10000x16xf32, #tpu.memory_space<vmem_shared>>)
    %barrier3A_102 = arith.constant 0 : index
    tpu.barrier barrier_id(%barrier3A_102)
    %mul3A_103 = arith.constant 625 : i32
    %mul3A_104 = arith.muli %arg1, %mul3A_103 : i32
    %mul3A_105 = arith.constant 625 : i32
    %mul3A_106 = arith.muli %arg1, %mul3A_105 : i32
    "tpu.region"() ({
      %run_scoped3A = tpu.sem_alloc : memref<!tpu.dma_semaphore, #tpu.memory_space<semaphore_mem>>
      %dma_start3A_107 = arith.constant 0 : i32
      %dma_start3A_108 = tpu.memref_slice %arg4[%arg0, %mul3A_106, %dma_start3A_107] : memref<2x10000x16xf32, #tpu.memory_space<hbm>> -> memref<1x625x16xf32, #tpu.memory_space<hbm>>
      %dma_start3A_109 = tpu.memref_squeeze %dma_start3A_108 : memref<1x625x16xf32, #tpu.memory_space<hbm>> -> memref<625x16xf32, #tpu.memory_space<hbm>>
      %dma_start3A_110 = arith.constant 0 : i32
      %dma_start3A_111 = tpu.memref_slice %arg11[%mul3A_104, %dma_start3A_110] : memref<10000x16xf32, #tpu.memory_space<vmem_shared>> -> memref<625x16xf32, #tpu.memory_space<vmem_shared>>
      tpu.enqueue_dma source(%dma_start3A_111 : memref<625x16xf32, #tpu.memory_space<vmem_shared>>) target(%dma_start3A_109 : memref<625x16xf32, #tpu.memory_space<hbm>>) target_semaphore(%run_scoped3A : memref<!tpu.dma_semaphore, #tpu.memory_space<semaphore_mem>>)
      %dma_wait3A_112 = arith.constant 0 : i32
      %dma_wait3A_113 = tpu.memref_slice %arg4[%arg0, %mul3A_106, %dma_wait3A_112] : memref<2x10000x16xf32, #tpu.memory_space<hbm>> -> memref<1x625x16xf32, #tpu.memory_space<hbm>>
      %dma_wait3A_114 = tpu.memref_squeeze %dma_wait3A_113 : memref<1x625x16xf32, #tpu.memory_space<hbm>> -> memref<625x16xf32, #tpu.memory_space<hbm>>
      %dma_wait3A_115 = arith.constant 0 : i32
      %dma_wait3A_116 = tpu.memref_slice %arg11[%mul3A_104, %dma_wait3A_115] : memref<10000x16xf32, #tpu.memory_space<vmem_shared>> -> memref<625x16xf32, #tpu.memory_space<vmem_shared>>
      tpu.wait_dma2 semaphore(%run_scoped3A : memref<!tpu.dma_semaphore, #tpu.memory_space<semaphore_mem>>) src(%dma_wait3A_116 : memref<625x16xf32, #tpu.memory_space<vmem_shared>>) dst(%dma_wait3A_114 : memref<625x16xf32, #tpu.memory_space<hbm>>)
      tpu.yield
    }) : () -> ()
    return
  }
}

#map = affine_map<(d0, d1) -> (0, 0)>
#map1 = affine_map<(d0, d1) -> (0)>
module attributes {stable_mosaic.version = 14 : i64} {
  func.func @gather_k(%arg0: i32, %arg1: i32, %arg2: memref<10000x64xf32, #tpu.memory_space<hbm>>, %arg3: memref<10000x64xf32, #tpu.memory_space<hbm>>, %arg4: memref<320000xi32, #tpu.memory_space<hbm>>, %arg5: memref<320000xi32, #tpu.memory_space<hbm>>, %arg6: memref<320000x64xf32, #tpu.memory_space<hbm>>, %arg7: memref<10000xi32, #tpu.memory_space<vmem>>, %arg8: memref<10000xi32, #tpu.memory_space<vmem>>, %arg9: memref<80x64xf32, #tpu.memory_space<vmem>>, %arg10: memref<80x64xf32, #tpu.memory_space<vmem>>, %arg11: memref<80x64xf32, #tpu.memory_space<vmem>>, %arg12: memref<80x64xf32, #tpu.memory_space<vmem>>, %arg13: memref<80x64xf32, #tpu.memory_space<vmem>>, %arg14: memref<80x64xf32, #tpu.memory_space<vmem>>, %arg15: memref<!tpu.dma_semaphore, #tpu.memory_space<semaphore_mem>>, %arg16: memref<!tpu.dma_semaphore, #tpu.memory_space<semaphore_mem>>, %arg17: memref<!tpu.dma_semaphore, #tpu.memory_space<semaphore_mem>>, %arg18: memref<!tpu.dma_semaphore, #tpu.memory_space<semaphore_mem>>, %arg19: memref<!tpu.dma_semaphore, #tpu.memory_space<semaphore_mem>>) attributes {dimension_semantics = [#tpu.dimension_semantics<core_parallel>, #tpu.dimension_semantics<subcore_parallel>], iteration_bounds = array<i64: 2, 16>, scalar_prefetch = 0 : i64, scratch_operands = 13 : i64, tpu.core_type = #tpu.core_type<sc_vector_subcore>, window_params = [{transform_indices = #map}, {transform_indices = #map}, {transform_indices = #map1}, {transform_indices = #map1}, {transform_indices = #map}]} {
    %mul3A = arith.constant 2 : i32
    %mul3A_0 = arith.muli %arg1, %mul3A : i32
    %add3A = arith.addi %mul3A_0, %arg0 : i32
    %mul3A_1 = arith.constant 10000 : i32
    %mul3A_2 = arith.muli %add3A, %mul3A_1 : i32
    %dma_start3A = tpu.memref_slice %arg4[%mul3A_2] : memref<320000xi32, #tpu.memory_space<hbm>> -> memref<10000xi32, #tpu.memory_space<hbm>>
    %dma_start3A_3 = tpu.memref_slice %arg4[%mul3A_2] : memref<320000xi32, #tpu.memory_space<hbm>> -> memref<10000xi32, #tpu.memory_space<hbm>>
    tpu.enqueue_dma source(%dma_start3A_3 : memref<10000xi32, #tpu.memory_space<hbm>>) target(%arg7 : memref<10000xi32, #tpu.memory_space<vmem>>) target_semaphore(%arg15 : memref<!tpu.dma_semaphore, #tpu.memory_space<semaphore_mem>>)
    %dma_start3A_4 = tpu.memref_slice %arg5[%mul3A_2] : memref<320000xi32, #tpu.memory_space<hbm>> -> memref<10000xi32, #tpu.memory_space<hbm>>
    %dma_start3A_5 = tpu.memref_slice %arg5[%mul3A_2] : memref<320000xi32, #tpu.memory_space<hbm>> -> memref<10000xi32, #tpu.memory_space<hbm>>
    tpu.enqueue_dma source(%dma_start3A_5 : memref<10000xi32, #tpu.memory_space<hbm>>) target(%arg8 : memref<10000xi32, #tpu.memory_space<vmem>>) target_semaphore(%arg15 : memref<!tpu.dma_semaphore, #tpu.memory_space<semaphore_mem>>)
    %dma_wait3A = tpu.memref_slice %arg4[%mul3A_2] : memref<320000xi32, #tpu.memory_space<hbm>> -> memref<10000xi32, #tpu.memory_space<hbm>>
    %dma_wait3A_6 = tpu.memref_slice %arg4[%mul3A_2] : memref<320000xi32, #tpu.memory_space<hbm>> -> memref<10000xi32, #tpu.memory_space<hbm>>
    tpu.wait_dma2 semaphore(%arg15 : memref<!tpu.dma_semaphore, #tpu.memory_space<semaphore_mem>>) src(%dma_wait3A_6 : memref<10000xi32, #tpu.memory_space<hbm>>) dst(%arg7 : memref<10000xi32, #tpu.memory_space<vmem>>)
    %dma_wait3A_7 = tpu.memref_slice %arg5[%mul3A_2] : memref<320000xi32, #tpu.memory_space<hbm>> -> memref<10000xi32, #tpu.memory_space<hbm>>
    %dma_wait3A_8 = tpu.memref_slice %arg5[%mul3A_2] : memref<320000xi32, #tpu.memory_space<hbm>> -> memref<10000xi32, #tpu.memory_space<hbm>>
    tpu.wait_dma2 semaphore(%arg15 : memref<!tpu.dma_semaphore, #tpu.memory_space<semaphore_mem>>) src(%dma_wait3A_8 : memref<10000xi32, #tpu.memory_space<hbm>>) dst(%arg8 : memref<10000xi32, #tpu.memory_space<vmem>>)
    %dma_start3A_9 = arith.constant 0 : i32
    %dma_start3A_10 = tpu.memref_slice %arg7[%dma_start3A_9] : memref<10000xi32, #tpu.memory_space<vmem>> -> memref<80xi32, #tpu.memory_space<vmem>>
    %dma_start3A_11 = arith.constant 0 : i32
    %dma_start3A_12 = arith.constant 0 : i32
    %dma_start3A_13 = tpu.memref_slice %arg2[%dma_start3A_11, %dma_start3A_12] : memref<10000x64xf32, #tpu.memory_space<hbm>> -> memref<10000x64xf32, #tpu.memory_space<hbm>>
    tpu.enqueue_indirect_dma source(%dma_start3A_13 : memref<10000x64xf32, #tpu.memory_space<hbm>>) target(%arg9 : memref<80x64xf32, #tpu.memory_space<vmem>>) offsets(%dma_start3A_10 : memref<80xi32, #tpu.memory_space<vmem>>) semaphore(%arg16 : memref<!tpu.dma_semaphore, #tpu.memory_space<semaphore_mem>>)
    %dma_start3A_14 = arith.constant 0 : i32
    %dma_start3A_15 = tpu.memref_slice %arg8[%dma_start3A_14] : memref<10000xi32, #tpu.memory_space<vmem>> -> memref<80xi32, #tpu.memory_space<vmem>>
    %dma_start3A_16 = arith.constant 0 : i32
    %dma_start3A_17 = arith.constant 0 : i32
    %dma_start3A_18 = tpu.memref_slice %arg3[%dma_start3A_16, %dma_start3A_17] : memref<10000x64xf32, #tpu.memory_space<hbm>> -> memref<10000x64xf32, #tpu.memory_space<hbm>>
    tpu.enqueue_indirect_dma source(%dma_start3A_18 : memref<10000x64xf32, #tpu.memory_space<hbm>>) target(%arg10 : memref<80x64xf32, #tpu.memory_space<vmem>>) offsets(%dma_start3A_15 : memref<80xi32, #tpu.memory_space<vmem>>) semaphore(%arg16 : memref<!tpu.dma_semaphore, #tpu.memory_space<semaphore_mem>>)
    %dma_start3A_19 = arith.constant 80 : i32
    %dma_start3A_20 = tpu.memref_slice %arg7[%dma_start3A_19] : memref<10000xi32, #tpu.memory_space<vmem>> -> memref<80xi32, #tpu.memory_space<vmem>>
    %dma_start3A_21 = arith.constant 0 : i32
    %dma_start3A_22 = arith.constant 0 : i32
    %dma_start3A_23 = tpu.memref_slice %arg2[%dma_start3A_21, %dma_start3A_22] : memref<10000x64xf32, #tpu.memory_space<hbm>> -> memref<10000x64xf32, #tpu.memory_space<hbm>>
    tpu.enqueue_indirect_dma source(%dma_start3A_23 : memref<10000x64xf32, #tpu.memory_space<hbm>>) target(%arg12 : memref<80x64xf32, #tpu.memory_space<vmem>>) offsets(%dma_start3A_20 : memref<80xi32, #tpu.memory_space<vmem>>) semaphore(%arg17 : memref<!tpu.dma_semaphore, #tpu.memory_space<semaphore_mem>>)
    %dma_start3A_24 = arith.constant 80 : i32
    %dma_start3A_25 = tpu.memref_slice %arg8[%dma_start3A_24] : memref<10000xi32, #tpu.memory_space<vmem>> -> memref<80xi32, #tpu.memory_space<vmem>>
    %dma_start3A_26 = arith.constant 0 : i32
    %dma_start3A_27 = arith.constant 0 : i32
    %dma_start3A_28 = tpu.memref_slice %arg3[%dma_start3A_26, %dma_start3A_27] : memref<10000x64xf32, #tpu.memory_space<hbm>> -> memref<10000x64xf32, #tpu.memory_space<hbm>>
    tpu.enqueue_indirect_dma source(%dma_start3A_28 : memref<10000x64xf32, #tpu.memory_space<hbm>>) target(%arg13 : memref<80x64xf32, #tpu.memory_space<vmem>>) offsets(%dma_start3A_25 : memref<80xi32, #tpu.memory_space<vmem>>) semaphore(%arg17 : memref<!tpu.dma_semaphore, #tpu.memory_space<semaphore_mem>>)
    %scan3A = arith.constant 0 : i32
    %scan3A_29 = arith.constant 0 : i32
    %scan3A_30 = arith.constant 63 : i32
    %scan3A_31 = arith.addi %scan3A_29, %scan3A_30 : i32
    %scan3A_32 = arith.constant 1 : i32
    scf.for %scan3A_46 = %scan3A_29 to %scan3A_31 step %scan3A_32  : i32 {
      %mul3A_47 = arith.constant 2 : i32
      %mul3A_48 = arith.muli %mul3A_47, %scan3A_46 : i32
      %add3A_49 = arith.constant 0 : i32
      %add3A_50 = arith.addi %mul3A_48, %add3A_49 : i32
      %lt3A = arith.constant 125 : i32
      %lt3A_51 = arith.cmpi slt, %add3A_50, %lt3A : i32
      %convert_element_type3A = arith.extui %lt3A_51 : i1 to i32
      %cond3A = arith.constant 0 : i32
      %cond3A_52 = arith.cmpi ne, %convert_element_type3A, %cond3A : i32
      scf.if %cond3A_52 {
        %mul3A_62 = arith.constant 80 : i32
        %mul3A_63 = arith.muli %add3A_50, %mul3A_62 : i32
        %add3A_64 = arith.addi %mul3A_2, %mul3A_63 : i32
        %dma_wait3A_65 = arith.constant 0 : i32
        %dma_wait3A_66 = arith.constant 0 : i32
        %dma_wait3A_67 = tpu.memref_slice %arg2[%dma_wait3A_65, %dma_wait3A_66] : memref<10000x64xf32, #tpu.memory_space<hbm>> -> memref<80x64xf32, #tpu.memory_space<hbm>>
        %dma_wait3A_68 = arith.constant 0 : i32
        %dma_wait3A_69 = arith.constant 0 : i32
        %dma_wait3A_70 = tpu.memref_slice %arg2[%dma_wait3A_68, %dma_wait3A_69] : memref<10000x64xf32, #tpu.memory_space<hbm>> -> memref<80x64xf32, #tpu.memory_space<hbm>>
        tpu.wait_dma2 semaphore(%arg16 : memref<!tpu.dma_semaphore, #tpu.memory_space<semaphore_mem>>) src(%dma_wait3A_70 : memref<80x64xf32, #tpu.memory_space<hbm>>) dst(%arg9 : memref<80x64xf32, #tpu.memory_space<vmem>>)
        %dma_wait3A_71 = arith.constant 0 : i32
        %dma_wait3A_72 = arith.constant 0 : i32
        %dma_wait3A_73 = tpu.memref_slice %arg3[%dma_wait3A_71, %dma_wait3A_72] : memref<10000x64xf32, #tpu.memory_space<hbm>> -> memref<80x64xf32, #tpu.memory_space<hbm>>
        %dma_wait3A_74 = arith.constant 0 : i32
        %dma_wait3A_75 = arith.constant 0 : i32
        %dma_wait3A_76 = tpu.memref_slice %arg3[%dma_wait3A_74, %dma_wait3A_75] : memref<10000x64xf32, #tpu.memory_space<hbm>> -> memref<80x64xf32, #tpu.memory_space<hbm>>
        tpu.wait_dma2 semaphore(%arg16 : memref<!tpu.dma_semaphore, #tpu.memory_space<semaphore_mem>>) src(%dma_wait3A_76 : memref<80x64xf32, #tpu.memory_space<hbm>>) dst(%arg10 : memref<80x64xf32, #tpu.memory_space<vmem>>)
        %ge3A = arith.constant 2 : i32
        %ge3A_77 = arith.cmpi sge, %add3A_50, %ge3A : i32
        %convert_element_type3A_78 = arith.extui %ge3A_77 : i1 to i32
        %cond3A_79 = arith.constant 0 : i32
        %cond3A_80 = arith.cmpi ne, %convert_element_type3A_78, %cond3A_79 : i32
        scf.if %cond3A_80 {
          %dma_wait3A_98 = arith.constant 0 : i32
          %dma_wait3A_99 = arith.constant 0 : i32
          %dma_wait3A_100 = tpu.memref_slice %arg6[%dma_wait3A_98, %dma_wait3A_99] : memref<320000x64xf32, #tpu.memory_space<hbm>> -> memref<80x64xf32, #tpu.memory_space<hbm>>
          %dma_wait3A_101 = arith.constant 0 : i32
          %dma_wait3A_102 = arith.constant 0 : i32
          %dma_wait3A_103 = tpu.memref_slice %arg6[%dma_wait3A_101, %dma_wait3A_102] : memref<320000x64xf32, #tpu.memory_space<hbm>> -> memref<80x64xf32, #tpu.memory_space<hbm>>
          tpu.wait_dma2 semaphore(%arg18 : memref<!tpu.dma_semaphore, #tpu.memory_space<semaphore_mem>>) src(%arg11 : memref<80x64xf32, #tpu.memory_space<vmem>>) dst(%dma_wait3A_103 : memref<80x64xf32, #tpu.memory_space<hbm>>)
        } else {
        }
        %scan3A_81 = arith.constant 0 : i32
        %scan3A_82 = arith.constant 0 : i32
        %scan3A_83 = arith.constant 10 : i32
        %scan3A_84 = arith.addi %scan3A_82, %scan3A_83 : i32
        %scan3A_85 = arith.constant 1 : i32
        scf.for %scan3A_98 = %scan3A_82 to %scan3A_84 step %scan3A_85  : i32 {
          %mul3A_99 = arith.constant 8 : i32
          %mul3A_100 = arith.muli %scan3A_98, %mul3A_99 : i32
          %add3A_101 = arith.constant 0 : i32
          %add3A_102 = arith.addi %mul3A_100, %add3A_101 : i32
          %get3A = arith.index_cast %add3A_102 : i32 to index
          %get3A_103 = arith.constant 0 : index
          %get3A_104 = tpu.vector_load %arg9[%get3A, %get3A_103] {strides = array<i32>} : memref<80x64xf32, #tpu.memory_space<vmem>>, vector<1x16xf32>,
          %get3A_105 = vector.shape_cast %get3A_104 : vector<1x16xf32> to vector<16xf32>
          %get3A_106 = arith.index_cast %add3A_102 : i32 to index
          %get3A_107 = arith.constant 0 : index
          %get3A_108 = tpu.vector_load %arg10[%get3A_106, %get3A_107] {strides = array<i32>} : memref<80x64xf32, #tpu.memory_space<vmem>>, vector<1x16xf32>,
          %get3A_109 = vector.shape_cast %get3A_108 : vector<1x16xf32> to vector<16xf32>
          %add3A_110 = arith.addf %get3A_105, %get3A_109 : vector<16xf32>
          %swap3A = arith.index_cast %add3A_102 : i32 to index
          %swap3A_111 = arith.constant 0 : index
          %swap3A_112 = tpu.vector_load %arg11[%swap3A, %swap3A_111] {strides = array<i32>} : memref<80x64xf32, #tpu.memory_space<vmem>>, vector<1x16xf32>,
          %swap3A_113 = vector.shape_cast %swap3A_112 : vector<1x16xf32> to vector<16xf32>
          %swap3A_114 = vector.shape_cast %add3A_110 : vector<16xf32> to vector<1x16xf32>
          tpu.vector_store %arg11[%swap3A, %swap3A_111], %swap3A_114 {strides = array<i32>} : memref<80x64xf32, #tpu.memory_space<vmem>>, vector<1x16xf32>,
          %get3A_115 = arith.index_cast %add3A_102 : i32 to index
          %get3A_116 = arith.constant 16 : index
          %get3A_117 = tpu.vector_load %arg9[%get3A_115, %get3A_116] {strides = array<i32>} : memref<80x64xf32, #tpu.memory_space<vmem>>, vector<1x16xf32>,
          %get3A_118 = vector.shape_cast %get3A_117 : vector<1x16xf32> to vector<16xf32>
          %get3A_119 = arith.index_cast %add3A_102 : i32 to index
          %get3A_120 = arith.constant 16 : index
          %get3A_121 = tpu.vector_load %arg10[%get3A_119, %get3A_120] {strides = array<i32>} : memref<80x64xf32, #tpu.memory_space<vmem>>, vector<1x16xf32>,
          %get3A_122 = vector.shape_cast %get3A_121 : vector<1x16xf32> to vector<16xf32>
          %add3A_123 = arith.addf %get3A_118, %get3A_122 : vector<16xf32>
          %swap3A_124 = arith.index_cast %add3A_102 : i32 to index
          %swap3A_125 = arith.constant 16 : index
          %swap3A_126 = tpu.vector_load %arg11[%swap3A_124, %swap3A_125] {strides = array<i32>} : memref<80x64xf32, #tpu.memory_space<vmem>>, vector<1x16xf32>,
          %swap3A_127 = vector.shape_cast %swap3A_126 : vector<1x16xf32> to vector<16xf32>
          %swap3A_128 = vector.shape_cast %add3A_123 : vector<16xf32> to vector<1x16xf32>
          tpu.vector_store %arg11[%swap3A_124, %swap3A_125], %swap3A_128 {strides = array<i32>} : memref<80x64xf32, #tpu.memory_space<vmem>>, vector<1x16xf32>,
          %get3A_129 = arith.index_cast %add3A_102 : i32 to index
          %get3A_130 = arith.constant 32 : index
          %get3A_131 = tpu.vector_load %arg9[%get3A_129, %get3A_130] {strides = array<i32>} : memref<80x64xf32, #tpu.memory_space<vmem>>, vector<1x16xf32>,
          %get3A_132 = vector.shape_cast %get3A_131 : vector<1x16xf32> to vector<16xf32>
          %get3A_133 = arith.index_cast %add3A_102 : i32 to index
          %get3A_134 = arith.constant 32 : index
          %get3A_135 = tpu.vector_load %arg10[%get3A_133, %get3A_134] {strides = array<i32>} : memref<80x64xf32, #tpu.memory_space<vmem>>, vector<1x16xf32>,
          %get3A_136 = vector.shape_cast %get3A_135 : vector<1x16xf32> to vector<16xf32>
          %add3A_137 = arith.addf %get3A_132, %get3A_136 : vector<16xf32>
          %swap3A_138 = arith.index_cast %add3A_102 : i32 to index
          %swap3A_139 = arith.constant 32 : index
          %swap3A_140 = tpu.vector_load %arg11[%swap3A_138, %swap3A_139] {strides = array<i32>} : memref<80x64xf32, #tpu.memory_space<vmem>>, vector<1x16xf32>,
          %swap3A_141 = vector.shape_cast %swap3A_140 : vector<1x16xf32> to vector<16xf32>
          %swap3A_142 = vector.shape_cast %add3A_137 : vector<16xf32> to vector<1x16xf32>
          tpu.vector_store %arg11[%swap3A_138, %swap3A_139], %swap3A_142 {strides = array<i32>} : memref<80x64xf32, #tpu.memory_space<vmem>>, vector<1x16xf32>,
          %get3A_143 = arith.index_cast %add3A_102 : i32 to index
          %get3A_144 = arith.constant 48 : index
          %get3A_145 = tpu.vector_load %arg9[%get3A_143, %get3A_144] {strides = array<i32>} : memref<80x64xf32, #tpu.memory_space<vmem>>, vector<1x16xf32>,
          %get3A_146 = vector.shape_cast %get3A_145 : vector<1x16xf32> to vector<16xf32>
          %get3A_147 = arith.index_cast %add3A_102 : i32 to index
          %get3A_148 = arith.constant 48 : index
          %get3A_149 = tpu.vector_load %arg10[%get3A_147, %get3A_148] {strides = array<i32>} : memref<80x64xf32, #tpu.memory_space<vmem>>, vector<1x16xf32>,
          %get3A_150 = vector.shape_cast %get3A_149 : vector<1x16xf32> to vector<16xf32>
          %add3A_151 = arith.addf %get3A_146, %get3A_150 : vector<16xf32>
          %swap3A_152 = arith.index_cast %add3A_102 : i32 to index
          %swap3A_153 = arith.constant 48 : index
          %swap3A_154 = tpu.vector_load %arg11[%swap3A_152, %swap3A_153] {strides = array<i32>} : memref<80x64xf32, #tpu.memory_space<vmem>>, vector<1x16xf32>,
          %swap3A_155 = vector.shape_cast %swap3A_154 : vector<1x16xf32> to vector<16xf32>
          %swap3A_156 = vector.shape_cast %add3A_151 : vector<16xf32> to vector<1x16xf32>
          tpu.vector_store %arg11[%swap3A_152, %swap3A_153], %swap3A_156 {strides = array<i32>} : memref<80x64xf32, #tpu.memory_space<vmem>>, vector<1x16xf32>,
          %mul3A_157 = arith.constant 8 : i32
          %mul3A_158 = arith.muli %scan3A_98, %mul3A_157 : i32
          %add3A_159 = arith.constant 1 : i32
          %add3A_160 = arith.addi %mul3A_158, %add3A_159 : i32
          %get3A_161 = arith.index_cast %add3A_160 : i32 to index
          %get3A_162 = arith.constant 0 : index
          %get3A_163 = tpu.vector_load %arg9[%get3A_161, %get3A_162] {strides = array<i32>} : memref<80x64xf32, #tpu.memory_space<vmem>>, vector<1x16xf32>,
          %get3A_164 = vector.shape_cast %get3A_163 : vector<1x16xf32> to vector<16xf32>
          %get3A_165 = arith.index_cast %add3A_160 : i32 to index
          %get3A_166 = arith.constant 0 : index
          %get3A_167 = tpu.vector_load %arg10[%get3A_165, %get3A_166] {strides = array<i32>} : memref<80x64xf32, #tpu.memory_space<vmem>>, vector<1x16xf32>,
          %get3A_168 = vector.shape_cast %get3A_167 : vector<1x16xf32> to vector<16xf32>
          %add3A_169 = arith.addf %get3A_164, %get3A_168 : vector<16xf32>
          %swap3A_170 = arith.index_cast %add3A_160 : i32 to index
          %swap3A_171 = arith.constant 0 : index
          %swap3A_172 = tpu.vector_load %arg11[%swap3A_170, %swap3A_171] {strides = array<i32>} : memref<80x64xf32, #tpu.memory_space<vmem>>, vector<1x16xf32>,
          %swap3A_173 = vector.shape_cast %swap3A_172 : vector<1x16xf32> to vector<16xf32>
          %swap3A_174 = vector.shape_cast %add3A_169 : vector<16xf32> to vector<1x16xf32>
          tpu.vector_store %arg11[%swap3A_170, %swap3A_171], %swap3A_174 {strides = array<i32>} : memref<80x64xf32, #tpu.memory_space<vmem>>, vector<1x16xf32>,
          %get3A_175 = arith.index_cast %add3A_160 : i32 to index
          %get3A_176 = arith.constant 16 : index
          %get3A_177 = tpu.vector_load %arg9[%get3A_175, %get3A_176] {strides = array<i32>} : memref<80x64xf32, #tpu.memory_space<vmem>>, vector<1x16xf32>,
          %get3A_178 = vector.shape_cast %get3A_177 : vector<1x16xf32> to vector<16xf32>
          %get3A_179 = arith.index_cast %add3A_160 : i32 to index
          %get3A_180 = arith.constant 16 : index
          %get3A_181 = tpu.vector_load %arg10[%get3A_179, %get3A_180] {strides = array<i32>} : memref<80x64xf32, #tpu.memory_space<vmem>>, vector<1x16xf32>,
          %get3A_182 = vector.shape_cast %get3A_181 : vector<1x16xf32> to vector<16xf32>
          %add3A_183 = arith.addf %get3A_178, %get3A_182 : vector<16xf32>
          %swap3A_184 = arith.index_cast %add3A_160 : i32 to index
          %swap3A_185 = arith.constant 16 : index
          %swap3A_186 = tpu.vector_load %arg11[%swap3A_184, %swap3A_185] {strides = array<i32>} : memref<80x64xf32, #tpu.memory_space<vmem>>, vector<1x16xf32>,
          %swap3A_187 = vector.shape_cast %swap3A_186 : vector<1x16xf32> to vector<16xf32>
          %swap3A_188 = vector.shape_cast %add3A_183 : vector<16xf32> to vector<1x16xf32>
          tpu.vector_store %arg11[%swap3A_184, %swap3A_185], %swap3A_188 {strides = array<i32>} : memref<80x64xf32, #tpu.memory_space<vmem>>, vector<1x16xf32>,
          %get3A_189 = arith.index_cast %add3A_160 : i32 to index
          %get3A_190 = arith.constant 32 : index
          %get3A_191 = tpu.vector_load %arg9[%get3A_189, %get3A_190] {strides = array<i32>} : memref<80x64xf32, #tpu.memory_space<vmem>>, vector<1x16xf32>,
          %get3A_192 = vector.shape_cast %get3A_191 : vector<1x16xf32> to vector<16xf32>
          %get3A_193 = arith.index_cast %add3A_160 : i32 to index
          %get3A_194 = arith.constant 32 : index
          %get3A_195 = tpu.vector_load %arg10[%get3A_193, %get3A_194] {strides = array<i32>} : memref<80x64xf32, #tpu.memory_space<vmem>>, vector<1x16xf32>,
          %get3A_196 = vector.shape_cast %get3A_195 : vector<1x16xf32> to vector<16xf32>
          %add3A_197 = arith.addf %get3A_192, %get3A_196 : vector<16xf32>
          %swap3A_198 = arith.index_cast %add3A_160 : i32 to index
          %swap3A_199 = arith.constant 32 : index
          %swap3A_200 = tpu.vector_load %arg11[%swap3A_198, %swap3A_199] {strides = array<i32>} : memref<80x64xf32, #tpu.memory_space<vmem>>, vector<1x16xf32>,
          %swap3A_201 = vector.shape_cast %swap3A_200 : vector<1x16xf32> to vector<16xf32>
          %swap3A_202 = vector.shape_cast %add3A_197 : vector<16xf32> to vector<1x16xf32>
          tpu.vector_store %arg11[%swap3A_198, %swap3A_199], %swap3A_202 {strides = array<i32>} : memref<80x64xf32, #tpu.memory_space<vmem>>, vector<1x16xf32>,
          %get3A_203 = arith.index_cast %add3A_160 : i32 to index
          %get3A_204 = arith.constant 48 : index
          %get3A_205 = tpu.vector_load %arg9[%get3A_203, %get3A_204] {strides = array<i32>} : memref<80x64xf32, #tpu.memory_space<vmem>>, vector<1x16xf32>,
          %get3A_206 = vector.shape_cast %get3A_205 : vector<1x16xf32> to vector<16xf32>
          %get3A_207 = arith.index_cast %add3A_160 : i32 to index
          %get3A_208 = arith.constant 48 : index
          %get3A_209 = tpu.vector_load %arg10[%get3A_207, %get3A_208] {strides = array<i32>} : memref<80x64xf32, #tpu.memory_space<vmem>>, vector<1x16xf32>,
          %get3A_210 = vector.shape_cast %get3A_209 : vector<1x16xf32> to vector<16xf32>
          %add3A_211 = arith.addf %get3A_206, %get3A_210 : vector<16xf32>
          %swap3A_212 = arith.index_cast %add3A_160 : i32 to index
          %swap3A_213 = arith.constant 48 : index
          %swap3A_214 = tpu.vector_load %arg11[%swap3A_212, %swap3A_213] {strides = array<i32>} : memref<80x64xf32, #tpu.memory_space<vmem>>, vector<1x16xf32>,
          %swap3A_215 = vector.shape_cast %swap3A_214 : vector<1x16xf32> to vector<16xf32>
          %swap3A_216 = vector.shape_cast %add3A_211 : vector<16xf32> to vector<1x16xf32>
          tpu.vector_store %arg11[%swap3A_212, %swap3A_213], %swap3A_216 {strides = array<i32>} : memref<80x64xf32, #tpu.memory_space<vmem>>, vector<1x16xf32>,
          %mul3A_217 = arith.constant 8 : i32
          %mul3A_218 = arith.muli %scan3A_98, %mul3A_217 : i32
          %add3A_219 = arith.constant 2 : i32
          %add3A_220 = arith.addi %mul3A_218, %add3A_219 : i32
          %get3A_221 = arith.index_cast %add3A_220 : i32 to index
          %get3A_222 = arith.constant 0 : index
          %get3A_223 = tpu.vector_load %arg9[%get3A_221, %get3A_222] {strides = array<i32>} : memref<80x64xf32, #tpu.memory_space<vmem>>, vector<1x16xf32>,
          %get3A_224 = vector.shape_cast %get3A_223 : vector<1x16xf32> to vector<16xf32>
          %get3A_225 = arith.index_cast %add3A_220 : i32 to index
          %get3A_226 = arith.constant 0 : index
          %get3A_227 = tpu.vector_load %arg10[%get3A_225, %get3A_226] {strides = array<i32>} : memref<80x64xf32, #tpu.memory_space<vmem>>, vector<1x16xf32>,
          %get3A_228 = vector.shape_cast %get3A_227 : vector<1x16xf32> to vector<16xf32>
          %add3A_229 = arith.addf %get3A_224, %get3A_228 : vector<16xf32>
          %swap3A_230 = arith.index_cast %add3A_220 : i32 to index
          %swap3A_231 = arith.constant 0 : index
          %swap3A_232 = tpu.vector_load %arg11[%swap3A_230, %swap3A_231] {strides = array<i32>} : memref<80x64xf32, #tpu.memory_space<vmem>>, vector<1x16xf32>,
          %swap3A_233 = vector.shape_cast %swap3A_232 : vector<1x16xf32> to vector<16xf32>
          %swap3A_234 = vector.shape_cast %add3A_229 : vector<16xf32> to vector<1x16xf32>
          tpu.vector_store %arg11[%swap3A_230, %swap3A_231], %swap3A_234 {strides = array<i32>} : memref<80x64xf32, #tpu.memory_space<vmem>>, vector<1x16xf32>,
          %get3A_235 = arith.index_cast %add3A_220 : i32 to index
          %get3A_236 = arith.constant 16 : index
          %get3A_237 = tpu.vector_load %arg9[%get3A_235, %get3A_236] {strides = array<i32>} : memref<80x64xf32, #tpu.memory_space<vmem>>, vector<1x16xf32>,
          %get3A_238 = vector.shape_cast %get3A_237 : vector<1x16xf32> to vector<16xf32>
          %get3A_239 = arith.index_cast %add3A_220 : i32 to index
          %get3A_240 = arith.constant 16 : index
          %get3A_241 = tpu.vector_load %arg10[%get3A_239, %get3A_240] {strides = array<i32>} : memref<80x64xf32, #tpu.memory_space<vmem>>, vector<1x16xf32>,
          %get3A_242 = vector.shape_cast %get3A_241 : vector<1x16xf32> to vector<16xf32>
          %add3A_243 = arith.addf %get3A_238, %get3A_242 : vector<16xf32>
          %swap3A_244 = arith.index_cast %add3A_220 : i32 to index
          %swap3A_245 = arith.constant 16 : index
          %swap3A_246 = tpu.vector_load %arg11[%swap3A_244, %swap3A_245] {strides = array<i32>} : memref<80x64xf32, #tpu.memory_space<vmem>>, vector<1x16xf32>,
          %swap3A_247 = vector.shape_cast %swap3A_246 : vector<1x16xf32> to vector<16xf32>
          %swap3A_248 = vector.shape_cast %add3A_243 : vector<16xf32> to vector<1x16xf32>
          tpu.vector_store %arg11[%swap3A_244, %swap3A_245], %swap3A_248 {strides = array<i32>} : memref<80x64xf32, #tpu.memory_space<vmem>>, vector<1x16xf32>,
          %get3A_249 = arith.index_cast %add3A_220 : i32 to index
          %get3A_250 = arith.constant 32 : index
          %get3A_251 = tpu.vector_load %arg9[%get3A_249, %get3A_250] {strides = array<i32>} : memref<80x64xf32, #tpu.memory_space<vmem>>, vector<1x16xf32>,
          %get3A_252 = vector.shape_cast %get3A_251 : vector<1x16xf32> to vector<16xf32>
          %get3A_253 = arith.index_cast %add3A_220 : i32 to index
          %get3A_254 = arith.constant 32 : index
          %get3A_255 = tpu.vector_load %arg10[%get3A_253, %get3A_254] {strides = array<i32>} : memref<80x64xf32, #tpu.memory_space<vmem>>, vector<1x16xf32>,
          %get3A_256 = vector.shape_cast %get3A_255 : vector<1x16xf32> to vector<16xf32>
          %add3A_257 = arith.addf %get3A_252, %get3A_256 : vector<16xf32>
          %swap3A_258 = arith.index_cast %add3A_220 : i32 to index
          %swap3A_259 = arith.constant 32 : index
          %swap3A_260 = tpu.vector_load %arg11[%swap3A_258, %swap3A_259] {strides = array<i32>} : memref<80x64xf32, #tpu.memory_space<vmem>>, vector<1x16xf32>,
          %swap3A_261 = vector.shape_cast %swap3A_260 : vector<1x16xf32> to vector<16xf32>
          %swap3A_262 = vector.shape_cast %add3A_257 : vector<16xf32> to vector<1x16xf32>
          tpu.vector_store %arg11[%swap3A_258, %swap3A_259], %swap3A_262 {strides = array<i32>} : memref<80x64xf32, #tpu.memory_space<vmem>>, vector<1x16xf32>,
          %get3A_263 = arith.index_cast %add3A_220 : i32 to index
          %get3A_264 = arith.constant 48 : index
          %get3A_265 = tpu.vector_load %arg9[%get3A_263, %get3A_264] {strides = array<i32>} : memref<80x64xf32, #tpu.memory_space<vmem>>, vector<1x16xf32>,
          %get3A_266 = vector.shape_cast %get3A_265 : vector<1x16xf32> to vector<16xf32>
          %get3A_267 = arith.index_cast %add3A_220 : i32 to index
          %get3A_268 = arith.constant 48 : index
          %get3A_269 = tpu.vector_load %arg10[%get3A_267, %get3A_268] {strides = array<i32>} : memref<80x64xf32, #tpu.memory_space<vmem>>, vector<1x16xf32>,
          %get3A_270 = vector.shape_cast %get3A_269 : vector<1x16xf32> to vector<16xf32>
          %add3A_271 = arith.addf %get3A_266, %get3A_270 : vector<16xf32>
          %swap3A_272 = arith.index_cast %add3A_220 : i32 to index
          %swap3A_273 = arith.constant 48 : index
          %swap3A_274 = tpu.vector_load %arg11[%swap3A_272, %swap3A_273] {strides = array<i32>} : memref<80x64xf32, #tpu.memory_space<vmem>>, vector<1x16xf32>,
          %swap3A_275 = vector.shape_cast %swap3A_274 : vector<1x16xf32> to vector<16xf32>
          %swap3A_276 = vector.shape_cast %add3A_271 : vector<16xf32> to vector<1x16xf32>
          tpu.vector_store %arg11[%swap3A_272, %swap3A_273], %swap3A_276 {strides = array<i32>} : memref<80x64xf32, #tpu.memory_space<vmem>>, vector<1x16xf32>,
          %mul3A_277 = arith.constant 8 : i32
          %mul3A_278 = arith.muli %scan3A_98, %mul3A_277 : i32
          %add3A_279 = arith.constant 3 : i32
          %add3A_280 = arith.addi %mul3A_278, %add3A_279 : i32
          %get3A_281 = arith.index_cast %add3A_280 : i32 to index
          %get3A_282 = arith.constant 0 : index
          %get3A_283 = tpu.vector_load %arg9[%get3A_281, %get3A_282] {strides = array<i32>} : memref<80x64xf32, #tpu.memory_space<vmem>>, vector<1x16xf32>,
          %get3A_284 = vector.shape_cast %get3A_283 : vector<1x16xf32> to vector<16xf32>
          %get3A_285 = arith.index_cast %add3A_280 : i32 to index
          %get3A_286 = arith.constant 0 : index
          %get3A_287 = tpu.vector_load %arg10[%get3A_285, %get3A_286] {strides = array<i32>} : memref<80x64xf32, #tpu.memory_space<vmem>>, vector<1x16xf32>,
          %get3A_288 = vector.shape_cast %get3A_287 : vector<1x16xf32> to vector<16xf32>
          %add3A_289 = arith.addf %get3A_284, %get3A_288 : vector<16xf32>
          %swap3A_290 = arith.index_cast %add3A_280 : i32 to index
          %swap3A_291 = arith.constant 0 : index
          %swap3A_292 = tpu.vector_load %arg11[%swap3A_290, %swap3A_291] {strides = array<i32>} : memref<80x64xf32, #tpu.memory_space<vmem>>, vector<1x16xf32>,
          %swap3A_293 = vector.shape_cast %swap3A_292 : vector<1x16xf32> to vector<16xf32>
          %swap3A_294 = vector.shape_cast %add3A_289 : vector<16xf32> to vector<1x16xf32>
          tpu.vector_store %arg11[%swap3A_290, %swap3A_291], %swap3A_294 {strides = array<i32>} : memref<80x64xf32, #tpu.memory_space<vmem>>, vector<1x16xf32>,
          %get3A_295 = arith.index_cast %add3A_280 : i32 to index
          %get3A_296 = arith.constant 16 : index
          %get3A_297 = tpu.vector_load %arg9[%get3A_295, %get3A_296] {strides = array<i32>} : memref<80x64xf32, #tpu.memory_space<vmem>>, vector<1x16xf32>,
          %get3A_298 = vector.shape_cast %get3A_297 : vector<1x16xf32> to vector<16xf32>
          %get3A_299 = arith.index_cast %add3A_280 : i32 to index
          %get3A_300 = arith.constant 16 : index
          %get3A_301 = tpu.vector_load %arg10[%get3A_299, %get3A_300] {strides = array<i32>} : memref<80x64xf32, #tpu.memory_space<vmem>>, vector<1x16xf32>,
          %get3A_302 = vector.shape_cast %get3A_301 : vector<1x16xf32> to vector<16xf32>
          %add3A_303 = arith.addf %get3A_298, %get3A_302 : vector<16xf32>
          %swap3A_304 = arith.index_cast %add3A_280 : i32 to index
          %swap3A_305 = arith.constant 16 : index
          %swap3A_306 = tpu.vector_load %arg11[%swap3A_304, %swap3A_305] {strides = array<i32>} : memref<80x64xf32, #tpu.memory_space<vmem>>, vector<1x16xf32>,
          %swap3A_307 = vector.shape_cast %swap3A_306 : vector<1x16xf32> to vector<16xf32>
          %swap3A_308 = vector.shape_cast %add3A_303 : vector<16xf32> to vector<1x16xf32>
          tpu.vector_store %arg11[%swap3A_304, %swap3A_305], %swap3A_308 {strides = array<i32>} : memref<80x64xf32, #tpu.memory_space<vmem>>, vector<1x16xf32>,
          %get3A_309 = arith.index_cast %add3A_280 : i32 to index
          %get3A_310 = arith.constant 32 : index
          %get3A_311 = tpu.vector_load %arg9[%get3A_309, %get3A_310] {strides = array<i32>} : memref<80x64xf32, #tpu.memory_space<vmem>>, vector<1x16xf32>,
          %get3A_312 = vector.shape_cast %get3A_311 : vector<1x16xf32> to vector<16xf32>
          %get3A_313 = arith.index_cast %add3A_280 : i32 to index
          %get3A_314 = arith.constant 32 : index
          %get3A_315 = tpu.vector_load %arg10[%get3A_313, %get3A_314] {strides = array<i32>} : memref<80x64xf32, #tpu.memory_space<vmem>>, vector<1x16xf32>,
          %get3A_316 = vector.shape_cast %get3A_315 : vector<1x16xf32> to vector<16xf32>
          %add3A_317 = arith.addf %get3A_312, %get3A_316 : vector<16xf32>
          %swap3A_318 = arith.index_cast %add3A_280 : i32 to index
          %swap3A_319 = arith.constant 32 : index
          %swap3A_320 = tpu.vector_load %arg11[%swap3A_318, %swap3A_319] {strides = array<i32>} : memref<80x64xf32, #tpu.memory_space<vmem>>, vector<1x16xf32>,
          %swap3A_321 = vector.shape_cast %swap3A_320 : vector<1x16xf32> to vector<16xf32>
          %swap3A_322 = vector.shape_cast %add3A_317 : vector<16xf32> to vector<1x16xf32>
          tpu.vector_store %arg11[%swap3A_318, %swap3A_319], %swap3A_322 {strides = array<i32>} : memref<80x64xf32, #tpu.memory_space<vmem>>, vector<1x16xf32>,
          %get3A_323 = arith.index_cast %add3A_280 : i32 to index
          %get3A_324 = arith.constant 48 : index
          %get3A_325 = tpu.vector_load %arg9[%get3A_323, %get3A_324] {strides = array<i32>} : memref<80x64xf32, #tpu.memory_space<vmem>>, vector<1x16xf32>,
          %get3A_326 = vector.shape_cast %get3A_325 : vector<1x16xf32> to vector<16xf32>
          %get3A_327 = arith.index_cast %add3A_280 : i32 to index
          %get3A_328 = arith.constant 48 : index
          %get3A_329 = tpu.vector_load %arg10[%get3A_327, %get3A_328] {strides = array<i32>} : memref<80x64xf32, #tpu.memory_space<vmem>>, vector<1x16xf32>,
          %get3A_330 = vector.shape_cast %get3A_329 : vector<1x16xf32> to vector<16xf32>
          %add3A_331 = arith.addf %get3A_326, %get3A_330 : vector<16xf32>
          %swap3A_332 = arith.index_cast %add3A_280 : i32 to index
          %swap3A_333 = arith.constant 48 : index
          %swap3A_334 = tpu.vector_load %arg11[%swap3A_332, %swap3A_333] {strides = array<i32>} : memref<80x64xf32, #tpu.memory_space<vmem>>, vector<1x16xf32>,
          %swap3A_335 = vector.shape_cast %swap3A_334 : vector<1x16xf32> to vector<16xf32>
          %swap3A_336 = vector.shape_cast %add3A_331 : vector<16xf32> to vector<1x16xf32>
          tpu.vector_store %arg11[%swap3A_332, %swap3A_333], %swap3A_336 {strides = array<i32>} : memref<80x64xf32, #tpu.memory_space<vmem>>, vector<1x16xf32>,
          %mul3A_337 = arith.constant 8 : i32
          %mul3A_338 = arith.muli %scan3A_98, %mul3A_337 : i32
          %add3A_339 = arith.constant 4 : i32
          %add3A_340 = arith.addi %mul3A_338, %add3A_339 : i32
          %get3A_341 = arith.index_cast %add3A_340 : i32 to index
          %get3A_342 = arith.constant 0 : index
          %get3A_343 = tpu.vector_load %arg9[%get3A_341, %get3A_342] {strides = array<i32>} : memref<80x64xf32, #tpu.memory_space<vmem>>, vector<1x16xf32>,
          %get3A_344 = vector.shape_cast %get3A_343 : vector<1x16xf32> to vector<16xf32>
          %get3A_345 = arith.index_cast %add3A_340 : i32 to index
          %get3A_346 = arith.constant 0 : index
          %get3A_347 = tpu.vector_load %arg10[%get3A_345, %get3A_346] {strides = array<i32>} : memref<80x64xf32, #tpu.memory_space<vmem>>, vector<1x16xf32>,
          %get3A_348 = vector.shape_cast %get3A_347 : vector<1x16xf32> to vector<16xf32>
          %add3A_349 = arith.addf %get3A_344, %get3A_348 : vector<16xf32>
          %swap3A_350 = arith.index_cast %add3A_340 : i32 to index
          %swap3A_351 = arith.constant 0 : index
          %swap3A_352 = tpu.vector_load %arg11[%swap3A_350, %swap3A_351] {strides = array<i32>} : memref<80x64xf32, #tpu.memory_space<vmem>>, vector<1x16xf32>,
          %swap3A_353 = vector.shape_cast %swap3A_352 : vector<1x16xf32> to vector<16xf32>
          %swap3A_354 = vector.shape_cast %add3A_349 : vector<16xf32> to vector<1x16xf32>
          tpu.vector_store %arg11[%swap3A_350, %swap3A_351], %swap3A_354 {strides = array<i32>} : memref<80x64xf32, #tpu.memory_space<vmem>>, vector<1x16xf32>,
          %get3A_355 = arith.index_cast %add3A_340 : i32 to index
          %get3A_356 = arith.constant 16 : index
          %get3A_357 = tpu.vector_load %arg9[%get3A_355, %get3A_356] {strides = array<i32>} : memref<80x64xf32, #tpu.memory_space<vmem>>, vector<1x16xf32>,
          %get3A_358 = vector.shape_cast %get3A_357 : vector<1x16xf32> to vector<16xf32>
          %get3A_359 = arith.index_cast %add3A_340 : i32 to index
          %get3A_360 = arith.constant 16 : index
          %get3A_361 = tpu.vector_load %arg10[%get3A_359, %get3A_360] {strides = array<i32>} : memref<80x64xf32, #tpu.memory_space<vmem>>, vector<1x16xf32>,
          %get3A_362 = vector.shape_cast %get3A_361 : vector<1x16xf32> to vector<16xf32>
          %add3A_363 = arith.addf %get3A_358, %get3A_362 : vector<16xf32>
          %swap3A_364 = arith.index_cast %add3A_340 : i32 to index
          %swap3A_365 = arith.constant 16 : index
          %swap3A_366 = tpu.vector_load %arg11[%swap3A_364, %swap3A_365] {strides = array<i32>} : memref<80x64xf32, #tpu.memory_space<vmem>>, vector<1x16xf32>,
          %swap3A_367 = vector.shape_cast %swap3A_366 : vector<1x16xf32> to vector<16xf32>
          %swap3A_368 = vector.shape_cast %add3A_363 : vector<16xf32> to vector<1x16xf32>
          tpu.vector_store %arg11[%swap3A_364, %swap3A_365], %swap3A_368 {strides = array<i32>} : memref<80x64xf32, #tpu.memory_space<vmem>>, vector<1x16xf32>,
          %get3A_369 = arith.index_cast %add3A_340 : i32 to index
          %get3A_370 = arith.constant 32 : index
          %get3A_371 = tpu.vector_load %arg9[%get3A_369, %get3A_370] {strides = array<i32>} : memref<80x64xf32, #tpu.memory_space<vmem>>, vector<1x16xf32>,
          %get3A_372 = vector.shape_cast %get3A_371 : vector<1x16xf32> to vector<16xf32>
          %get3A_373 = arith.index_cast %add3A_340 : i32 to index
          %get3A_374 = arith.constant 32 : index
          %get3A_375 = tpu.vector_load %arg10[%get3A_373, %get3A_374] {strides = array<i32>} : memref<80x64xf32, #tpu.memory_space<vmem>>, vector<1x16xf32>,
          %get3A_376 = vector.shape_cast %get3A_375 : vector<1x16xf32> to vector<16xf32>
          %add3A_377 = arith.addf %get3A_372, %get3A_376 : vector<16xf32>
          %swap3A_378 = arith.index_cast %add3A_340 : i32 to index
          %swap3A_379 = arith.constant 32 : index
          %swap3A_380 = tpu.vector_load %arg11[%swap3A_378, %swap3A_379] {strides = array<i32>} : memref<80x64xf32, #tpu.memory_space<vmem>>, vector<1x16xf32>,
          %swap3A_381 = vector.shape_cast %swap3A_380 : vector<1x16xf32> to vector<16xf32>
          %swap3A_382 = vector.shape_cast %add3A_377 : vector<16xf32> to vector<1x16xf32>
          tpu.vector_store %arg11[%swap3A_378, %swap3A_379], %swap3A_382 {strides = array<i32>} : memref<80x64xf32, #tpu.memory_space<vmem>>, vector<1x16xf32>,
          %get3A_383 = arith.index_cast %add3A_340 : i32 to index
          %get3A_384 = arith.constant 48 : index
          %get3A_385 = tpu.vector_load %arg9[%get3A_383, %get3A_384] {strides = array<i32>} : memref<80x64xf32, #tpu.memory_space<vmem>>, vector<1x16xf32>,
          %get3A_386 = vector.shape_cast %get3A_385 : vector<1x16xf32> to vector<16xf32>
          %get3A_387 = arith.index_cast %add3A_340 : i32 to index
          %get3A_388 = arith.constant 48 : index
          %get3A_389 = tpu.vector_load %arg10[%get3A_387, %get3A_388] {strides = array<i32>} : memref<80x64xf32, #tpu.memory_space<vmem>>, vector<1x16xf32>,
          %get3A_390 = vector.shape_cast %get3A_389 : vector<1x16xf32> to vector<16xf32>
          %add3A_391 = arith.addf %get3A_386, %get3A_390 : vector<16xf32>
          %swap3A_392 = arith.index_cast %add3A_340 : i32 to index
          %swap3A_393 = arith.constant 48 : index
          %swap3A_394 = tpu.vector_load %arg11[%swap3A_392, %swap3A_393] {strides = array<i32>} : memref<80x64xf32, #tpu.memory_space<vmem>>, vector<1x16xf32>,
          %swap3A_395 = vector.shape_cast %swap3A_394 : vector<1x16xf32> to vector<16xf32>
          %swap3A_396 = vector.shape_cast %add3A_391 : vector<16xf32> to vector<1x16xf32>
          tpu.vector_store %arg11[%swap3A_392, %swap3A_393], %swap3A_396 {strides = array<i32>} : memref<80x64xf32, #tpu.memory_space<vmem>>, vector<1x16xf32>,
          %mul3A_397 = arith.constant 8 : i32
          %mul3A_398 = arith.muli %scan3A_98, %mul3A_397 : i32
          %add3A_399 = arith.constant 5 : i32
          %add3A_400 = arith.addi %mul3A_398, %add3A_399 : i32
          %get3A_401 = arith.index_cast %add3A_400 : i32 to index
          %get3A_402 = arith.constant 0 : index
          %get3A_403 = tpu.vector_load %arg9[%get3A_401, %get3A_402] {strides = array<i32>} : memref<80x64xf32, #tpu.memory_space<vmem>>, vector<1x16xf32>,
          %get3A_404 = vector.shape_cast %get3A_403 : vector<1x16xf32> to vector<16xf32>
          %get3A_405 = arith.index_cast %add3A_400 : i32 to index
          %get3A_406 = arith.constant 0 : index
          %get3A_407 = tpu.vector_load %arg10[%get3A_405, %get3A_406] {strides = array<i32>} : memref<80x64xf32, #tpu.memory_space<vmem>>, vector<1x16xf32>,
          %get3A_408 = vector.shape_cast %get3A_407 : vector<1x16xf32> to vector<16xf32>
          %add3A_409 = arith.addf %get3A_404, %get3A_408 : vector<16xf32>
          %swap3A_410 = arith.index_cast %add3A_400 : i32 to index
          %swap3A_411 = arith.constant 0 : index
          %swap3A_412 = tpu.vector_load %arg11[%swap3A_410, %swap3A_411] {strides = array<i32>} : memref<80x64xf32, #tpu.memory_space<vmem>>, vector<1x16xf32>,
          %swap3A_413 = vector.shape_cast %swap3A_412 : vector<1x16xf32> to vector<16xf32>
          %swap3A_414 = vector.shape_cast %add3A_409 : vector<16xf32> to vector<1x16xf32>
          tpu.vector_store %arg11[%swap3A_410, %swap3A_411], %swap3A_414 {strides = array<i32>} : memref<80x64xf32, #tpu.memory_space<vmem>>, vector<1x16xf32>,
          %get3A_415 = arith.index_cast %add3A_400 : i32 to index
          %get3A_416 = arith.constant 16 : index
          %get3A_417 = tpu.vector_load %arg9[%get3A_415, %get3A_416] {strides = array<i32>} : memref<80x64xf32, #tpu.memory_space<vmem>>, vector<1x16xf32>,
          %get3A_418 = vector.shape_cast %get3A_417 : vector<1x16xf32> to vector<16xf32>
          %get3A_419 = arith.index_cast %add3A_400 : i32 to index
          %get3A_420 = arith.constant 16 : index
          %get3A_421 = tpu.vector_load %arg10[%get3A_419, %get3A_420] {strides = array<i32>} : memref<80x64xf32, #tpu.memory_space<vmem>>, vector<1x16xf32>,
          %get3A_422 = vector.shape_cast %get3A_421 : vector<1x16xf32> to vector<16xf32>
          %add3A_423 = arith.addf %get3A_418, %get3A_422 : vector<16xf32>
          %swap3A_424 = arith.index_cast %add3A_400 : i32 to index
          %swap3A_425 = arith.constant 16 : index
          %swap3A_426 = tpu.vector_load %arg11[%swap3A_424, %swap3A_425] {strides = array<i32>} : memref<80x64xf32, #tpu.memory_space<vmem>>, vector<1x16xf32>,
          %swap3A_427 = vector.shape_cast %swap3A_426 : vector<1x16xf32> to vector<16xf32>
          %swap3A_428 = vector.shape_cast %add3A_423 : vector<16xf32> to vector<1x16xf32>
          tpu.vector_store %arg11[%swap3A_424, %swap3A_425], %swap3A_428 {strides = array<i32>} : memref<80x64xf32, #tpu.memory_space<vmem>>, vector<1x16xf32>,
          %get3A_429 = arith.index_cast %add3A_400 : i32 to index
          %get3A_430 = arith.constant 32 : index
          %get3A_431 = tpu.vector_load %arg9[%get3A_429, %get3A_430] {strides = array<i32>} : memref<80x64xf32, #tpu.memory_space<vmem>>, vector<1x16xf32>,
          %get3A_432 = vector.shape_cast %get3A_431 : vector<1x16xf32> to vector<16xf32>
          %get3A_433 = arith.index_cast %add3A_400 : i32 to index
          %get3A_434 = arith.constant 32 : index
          %get3A_435 = tpu.vector_load %arg10[%get3A_433, %get3A_434] {strides = array<i32>} : memref<80x64xf32, #tpu.memory_space<vmem>>, vector<1x16xf32>,
          %get3A_436 = vector.shape_cast %get3A_435 : vector<1x16xf32> to vector<16xf32>
          %add3A_437 = arith.addf %get3A_432, %get3A_436 : vector<16xf32>
          %swap3A_438 = arith.index_cast %add3A_400 : i32 to index
          %swap3A_439 = arith.constant 32 : index
          %swap3A_440 = tpu.vector_load %arg11[%swap3A_438, %swap3A_439] {strides = array<i32>} : memref<80x64xf32, #tpu.memory_space<vmem>>, vector<1x16xf32>,
          %swap3A_441 = vector.shape_cast %swap3A_440 : vector<1x16xf32> to vector<16xf32>
          %swap3A_442 = vector.shape_cast %add3A_437 : vector<16xf32> to vector<1x16xf32>
          tpu.vector_store %arg11[%swap3A_438, %swap3A_439], %swap3A_442 {strides = array<i32>} : memref<80x64xf32, #tpu.memory_space<vmem>>, vector<1x16xf32>,
          %get3A_443 = arith.index_cast %add3A_400 : i32 to index
          %get3A_444 = arith.constant 48 : index
          %get3A_445 = tpu.vector_load %arg9[%get3A_443, %get3A_444] {strides = array<i32>} : memref<80x64xf32, #tpu.memory_space<vmem>>, vector<1x16xf32>,
          %get3A_446 = vector.shape_cast %get3A_445 : vector<1x16xf32> to vector<16xf32>
          %get3A_447 = arith.index_cast %add3A_400 : i32 to index
          %get3A_448 = arith.constant 48 : index
          %get3A_449 = tpu.vector_load %arg10[%get3A_447, %get3A_448] {strides = array<i32>} : memref<80x64xf32, #tpu.memory_space<vmem>>, vector<1x16xf32>,
          %get3A_450 = vector.shape_cast %get3A_449 : vector<1x16xf32> to vector<16xf32>
          %add3A_451 = arith.addf %get3A_446, %get3A_450 : vector<16xf32>
          %swap3A_452 = arith.index_cast %add3A_400 : i32 to index
          %swap3A_453 = arith.constant 48 : index
          %swap3A_454 = tpu.vector_load %arg11[%swap3A_452, %swap3A_453] {strides = array<i32>} : memref<80x64xf32, #tpu.memory_space<vmem>>, vector<1x16xf32>,
          %swap3A_455 = vector.shape_cast %swap3A_454 : vector<1x16xf32> to vector<16xf32>
          %swap3A_456 = vector.shape_cast %add3A_451 : vector<16xf32> to vector<1x16xf32>
          tpu.vector_store %arg11[%swap3A_452, %swap3A_453], %swap3A_456 {strides = array<i32>} : memref<80x64xf32, #tpu.memory_space<vmem>>, vector<1x16xf32>,
          %mul3A_457 = arith.constant 8 : i32
          %mul3A_458 = arith.muli %scan3A_98, %mul3A_457 : i32
          %add3A_459 = arith.constant 6 : i32
          %add3A_460 = arith.addi %mul3A_458, %add3A_459 : i32
          %get3A_461 = arith.index_cast %add3A_460 : i32 to index
          %get3A_462 = arith.constant 0 : index
          %get3A_463 = tpu.vector_load %arg9[%get3A_461, %get3A_462] {strides = array<i32>} : memref<80x64xf32, #tpu.memory_space<vmem>>, vector<1x16xf32>,
          %get3A_464 = vector.shape_cast %get3A_463 : vector<1x16xf32> to vector<16xf32>
          %get3A_465 = arith.index_cast %add3A_460 : i32 to index
          %get3A_466 = arith.constant 0 : index
          %get3A_467 = tpu.vector_load %arg10[%get3A_465, %get3A_466] {strides = array<i32>} : memref<80x64xf32, #tpu.memory_space<vmem>>, vector<1x16xf32>,
          %get3A_468 = vector.shape_cast %get3A_467 : vector<1x16xf32> to vector<16xf32>
          %add3A_469 = arith.addf %get3A_464, %get3A_468 : vector<16xf32>
          %swap3A_470 = arith.index_cast %add3A_460 : i32 to index
          %swap3A_471 = arith.constant 0 : index
          %swap3A_472 = tpu.vector_load %arg11[%swap3A_470, %swap3A_471] {strides = array<i32>} : memref<80x64xf32, #tpu.memory_space<vmem>>, vector<1x16xf32>,
          %swap3A_473 = vector.shape_cast %swap3A_472 : vector<1x16xf32> to vector<16xf32>
          %swap3A_474 = vector.shape_cast %add3A_469 : vector<16xf32> to vector<1x16xf32>
          tpu.vector_store %arg11[%swap3A_470, %swap3A_471], %swap3A_474 {strides = array<i32>} : memref<80x64xf32, #tpu.memory_space<vmem>>, vector<1x16xf32>,
          %get3A_475 = arith.index_cast %add3A_460 : i32 to index
          %get3A_476 = arith.constant 16 : index
          %get3A_477 = tpu.vector_load %arg9[%get3A_475, %get3A_476] {strides = array<i32>} : memref<80x64xf32, #tpu.memory_space<vmem>>, vector<1x16xf32>,
          %get3A_478 = vector.shape_cast %get3A_477 : vector<1x16xf32> to vector<16xf32>
          %get3A_479 = arith.index_cast %add3A_460 : i32 to index
          %get3A_480 = arith.constant 16 : index
          %get3A_481 = tpu.vector_load %arg10[%get3A_479, %get3A_480] {strides = array<i32>} : memref<80x64xf32, #tpu.memory_space<vmem>>, vector<1x16xf32>,
          %get3A_482 = vector.shape_cast %get3A_481 : vector<1x16xf32> to vector<16xf32>
          %add3A_483 = arith.addf %get3A_478, %get3A_482 : vector<16xf32>
          %swap3A_484 = arith.index_cast %add3A_460 : i32 to index
          %swap3A_485 = arith.constant 16 : index
          %swap3A_486 = tpu.vector_load %arg11[%swap3A_484, %swap3A_485] {strides = array<i32>} : memref<80x64xf32, #tpu.memory_space<vmem>>, vector<1x16xf32>,
          %swap3A_487 = vector.shape_cast %swap3A_486 : vector<1x16xf32> to vector<16xf32>
          %swap3A_488 = vector.shape_cast %add3A_483 : vector<16xf32> to vector<1x16xf32>
          tpu.vector_store %arg11[%swap3A_484, %swap3A_485], %swap3A_488 {strides = array<i32>} : memref<80x64xf32, #tpu.memory_space<vmem>>, vector<1x16xf32>,
          %get3A_489 = arith.index_cast %add3A_460 : i32 to index
          %get3A_490 = arith.constant 32 : index
          %get3A_491 = tpu.vector_load %arg9[%get3A_489, %get3A_490] {strides = array<i32>} : memref<80x64xf32, #tpu.memory_space<vmem>>, vector<1x16xf32>,
          %get3A_492 = vector.shape_cast %get3A_491 : vector<1x16xf32> to vector<16xf32>
          %get3A_493 = arith.index_cast %add3A_460 : i32 to index
          %get3A_494 = arith.constant 32 : index
          %get3A_495 = tpu.vector_load %arg10[%get3A_493, %get3A_494] {strides = array<i32>} : memref<80x64xf32, #tpu.memory_space<vmem>>, vector<1x16xf32>,
          %get3A_496 = vector.shape_cast %get3A_495 : vector<1x16xf32> to vector<16xf32>
          %add3A_497 = arith.addf %get3A_492, %get3A_496 : vector<16xf32>
          %swap3A_498 = arith.index_cast %add3A_460 : i32 to index
          %swap3A_499 = arith.constant 32 : index
          %swap3A_500 = tpu.vector_load %arg11[%swap3A_498, %swap3A_499] {strides = array<i32>} : memref<80x64xf32, #tpu.memory_space<vmem>>, vector<1x16xf32>,
          %swap3A_501 = vector.shape_cast %swap3A_500 : vector<1x16xf32> to vector<16xf32>
          %swap3A_502 = vector.shape_cast %add3A_497 : vector<16xf32> to vector<1x16xf32>
          tpu.vector_store %arg11[%swap3A_498, %swap3A_499], %swap3A_502 {strides = array<i32>} : memref<80x64xf32, #tpu.memory_space<vmem>>, vector<1x16xf32>,
          %get3A_503 = arith.index_cast %add3A_460 : i32 to index
          %get3A_504 = arith.constant 48 : index
          %get3A_505 = tpu.vector_load %arg9[%get3A_503, %get3A_504] {strides = array<i32>} : memref<80x64xf32, #tpu.memory_space<vmem>>, vector<1x16xf32>,
          %get3A_506 = vector.shape_cast %get3A_505 : vector<1x16xf32> to vector<16xf32>
          %get3A_507 = arith.index_cast %add3A_460 : i32 to index
          %get3A_508 = arith.constant 48 : index
          %get3A_509 = tpu.vector_load %arg10[%get3A_507, %get3A_508] {strides = array<i32>} : memref<80x64xf32, #tpu.memory_space<vmem>>, vector<1x16xf32>,
          %get3A_510 = vector.shape_cast %get3A_509 : vector<1x16xf32> to vector<16xf32>
          %add3A_511 = arith.addf %get3A_506, %get3A_510 : vector<16xf32>
          %swap3A_512 = arith.index_cast %add3A_460 : i32 to index
          %swap3A_513 = arith.constant 48 : index
          %swap3A_514 = tpu.vector_load %arg11[%swap3A_512, %swap3A_513] {strides = array<i32>} : memref<80x64xf32, #tpu.memory_space<vmem>>, vector<1x16xf32>,
          %swap3A_515 = vector.shape_cast %swap3A_514 : vector<1x16xf32> to vector<16xf32>
          %swap3A_516 = vector.shape_cast %add3A_511 : vector<16xf32> to vector<1x16xf32>
          tpu.vector_store %arg11[%swap3A_512, %swap3A_513], %swap3A_516 {strides = array<i32>} : memref<80x64xf32, #tpu.memory_space<vmem>>, vector<1x16xf32>,
          %mul3A_517 = arith.constant 8 : i32
          %mul3A_518 = arith.muli %scan3A_98, %mul3A_517 : i32
          %add3A_519 = arith.constant 7 : i32
          %add3A_520 = arith.addi %mul3A_518, %add3A_519 : i32
          %get3A_521 = arith.index_cast %add3A_520 : i32 to index
          %get3A_522 = arith.constant 0 : index
          %get3A_523 = tpu.vector_load %arg9[%get3A_521, %get3A_522] {strides = array<i32>} : memref<80x64xf32, #tpu.memory_space<vmem>>, vector<1x16xf32>,
          %get3A_524 = vector.shape_cast %get3A_523 : vector<1x16xf32> to vector<16xf32>
          %get3A_525 = arith.index_cast %add3A_520 : i32 to index
          %get3A_526 = arith.constant 0 : index
          %get3A_527 = tpu.vector_load %arg10[%get3A_525, %get3A_526] {strides = array<i32>} : memref<80x64xf32, #tpu.memory_space<vmem>>, vector<1x16xf32>,
          %get3A_528 = vector.shape_cast %get3A_527 : vector<1x16xf32> to vector<16xf32>
          %add3A_529 = arith.addf %get3A_524, %get3A_528 : vector<16xf32>
          %swap3A_530 = arith.index_cast %add3A_520 : i32 to index
          %swap3A_531 = arith.constant 0 : index
          %swap3A_532 = tpu.vector_load %arg11[%swap3A_530, %swap3A_531] {strides = array<i32>} : memref<80x64xf32, #tpu.memory_space<vmem>>, vector<1x16xf32>,
          %swap3A_533 = vector.shape_cast %swap3A_532 : vector<1x16xf32> to vector<16xf32>
          %swap3A_534 = vector.shape_cast %add3A_529 : vector<16xf32> to vector<1x16xf32>
          tpu.vector_store %arg11[%swap3A_530, %swap3A_531], %swap3A_534 {strides = array<i32>} : memref<80x64xf32, #tpu.memory_space<vmem>>, vector<1x16xf32>,
          %get3A_535 = arith.index_cast %add3A_520 : i32 to index
          %get3A_536 = arith.constant 16 : index
          %get3A_537 = tpu.vector_load %arg9[%get3A_535, %get3A_536] {strides = array<i32>} : memref<80x64xf32, #tpu.memory_space<vmem>>, vector<1x16xf32>,
          %get3A_538 = vector.shape_cast %get3A_537 : vector<1x16xf32> to vector<16xf32>
          %get3A_539 = arith.index_cast %add3A_520 : i32 to index
          %get3A_540 = arith.constant 16 : index
          %get3A_541 = tpu.vector_load %arg10[%get3A_539, %get3A_540] {strides = array<i32>} : memref<80x64xf32, #tpu.memory_space<vmem>>, vector<1x16xf32>,
          %get3A_542 = vector.shape_cast %get3A_541 : vector<1x16xf32> to vector<16xf32>
          %add3A_543 = arith.addf %get3A_538, %get3A_542 : vector<16xf32>
          %swap3A_544 = arith.index_cast %add3A_520 : i32 to index
          %swap3A_545 = arith.constant 16 : index
          %swap3A_546 = tpu.vector_load %arg11[%swap3A_544, %swap3A_545] {strides = array<i32>} : memref<80x64xf32, #tpu.memory_space<vmem>>, vector<1x16xf32>,
          %swap3A_547 = vector.shape_cast %swap3A_546 : vector<1x16xf32> to vector<16xf32>
          %swap3A_548 = vector.shape_cast %add3A_543 : vector<16xf32> to vector<1x16xf32>
          tpu.vector_store %arg11[%swap3A_544, %swap3A_545], %swap3A_548 {strides = array<i32>} : memref<80x64xf32, #tpu.memory_space<vmem>>, vector<1x16xf32>,
          %get3A_549 = arith.index_cast %add3A_520 : i32 to index
          %get3A_550 = arith.constant 32 : index
          %get3A_551 = tpu.vector_load %arg9[%get3A_549, %get3A_550] {strides = array<i32>} : memref<80x64xf32, #tpu.memory_space<vmem>>, vector<1x16xf32>,
          %get3A_552 = vector.shape_cast %get3A_551 : vector<1x16xf32> to vector<16xf32>
          %get3A_553 = arith.index_cast %add3A_520 : i32 to index
          %get3A_554 = arith.constant 32 : index
          %get3A_555 = tpu.vector_load %arg10[%get3A_553, %get3A_554] {strides = array<i32>} : memref<80x64xf32, #tpu.memory_space<vmem>>, vector<1x16xf32>,
          %get3A_556 = vector.shape_cast %get3A_555 : vector<1x16xf32> to vector<16xf32>
          %add3A_557 = arith.addf %get3A_552, %get3A_556 : vector<16xf32>
          %swap3A_558 = arith.index_cast %add3A_520 : i32 to index
          %swap3A_559 = arith.constant 32 : index
          %swap3A_560 = tpu.vector_load %arg11[%swap3A_558, %swap3A_559] {strides = array<i32>} : memref<80x64xf32, #tpu.memory_space<vmem>>, vector<1x16xf32>,
          %swap3A_561 = vector.shape_cast %swap3A_560 : vector<1x16xf32> to vector<16xf32>
          %swap3A_562 = vector.shape_cast %add3A_557 : vector<16xf32> to vector<1x16xf32>
          tpu.vector_store %arg11[%swap3A_558, %swap3A_559], %swap3A_562 {strides = array<i32>} : memref<80x64xf32, #tpu.memory_space<vmem>>, vector<1x16xf32>,
          %get3A_563 = arith.index_cast %add3A_520 : i32 to index
          %get3A_564 = arith.constant 48 : index
          %get3A_565 = tpu.vector_load %arg9[%get3A_563, %get3A_564] {strides = array<i32>} : memref<80x64xf32, #tpu.memory_space<vmem>>, vector<1x16xf32>,
          %get3A_566 = vector.shape_cast %get3A_565 : vector<1x16xf32> to vector<16xf32>
          %get3A_567 = arith.index_cast %add3A_520 : i32 to index
          %get3A_568 = arith.constant 48 : index
          %get3A_569 = tpu.vector_load %arg10[%get3A_567, %get3A_568] {strides = array<i32>} : memref<80x64xf32, #tpu.memory_space<vmem>>, vector<1x16xf32>,
          %get3A_570 = vector.shape_cast %get3A_569 : vector<1x16xf32> to vector<16xf32>
          %add3A_571 = arith.addf %get3A_566, %get3A_570 : vector<16xf32>
          %swap3A_572 = arith.index_cast %add3A_520 : i32 to index
          %swap3A_573 = arith.constant 48 : index
          %swap3A_574 = tpu.vector_load %arg11[%swap3A_572, %swap3A_573] {strides = array<i32>} : memref<80x64xf32, #tpu.memory_space<vmem>>, vector<1x16xf32>,
          %swap3A_575 = vector.shape_cast %swap3A_574 : vector<1x16xf32> to vector<16xf32>
          %swap3A_576 = vector.shape_cast %add3A_571 : vector<16xf32> to vector<1x16xf32>
          tpu.vector_store %arg11[%swap3A_572, %swap3A_573], %swap3A_576 {strides = array<i32>} : memref<80x64xf32, #tpu.memory_space<vmem>>, vector<1x16xf32>,
        }
        %scan3A_86 = arith.constant 10 : i32
        %dma_start3A_87 = arith.constant 0 : i32
        %dma_start3A_88 = tpu.memref_slice %arg6[%add3A_64, %dma_start3A_87] : memref<320000x64xf32, #tpu.memory_space<hbm>> -> memref<80x64xf32, #tpu.memory_space<hbm>>
        %dma_start3A_89 = arith.constant 0 : i32
        %dma_start3A_90 = tpu.memref_slice %arg6[%add3A_64, %dma_start3A_89] : memref<320000x64xf32, #tpu.memory_space<hbm>> -> memref<80x64xf32, #tpu.memory_space<hbm>>
        tpu.enqueue_dma source(%arg11 : memref<80x64xf32, #tpu.memory_space<vmem>>) target(%dma_start3A_90 : memref<80x64xf32, #tpu.memory_space<hbm>>) target_semaphore(%arg18 : memref<!tpu.dma_semaphore, #tpu.memory_space<semaphore_mem>>)
        %add3A_91 = arith.constant 2 : i32
        %add3A_92 = arith.addi %add3A_50, %add3A_91 : i32
        %lt3A_93 = arith.constant 125 : i32
        %lt3A_94 = arith.cmpi slt, %add3A_92, %lt3A_93 : i32
        %convert_element_type3A_95 = arith.extui %lt3A_94 : i1 to i32
        %cond3A_96 = arith.constant 0 : i32
        %cond3A_97 = arith.cmpi ne, %convert_element_type3A_95, %cond3A_96 : i32
        scf.if %cond3A_97 {
          %add3A_98 = arith.constant 2 : i32
          %add3A_99 = arith.addi %add3A_50, %add3A_98 : i32
          %mul3A_100 = arith.constant 80 : i32
          %mul3A_101 = arith.muli %add3A_99, %mul3A_100 : i32
          %mul3A_102 = arith.constant 80 : i32
          %mul3A_103 = arith.muli %add3A_99, %mul3A_102 : i32
          %dma_start3A_104 = tpu.memref_slice %arg7[%mul3A_101] : memref<10000xi32, #tpu.memory_space<vmem>> -> memref<80xi32, #tpu.memory_space<vmem>>
          %dma_start3A_105 = arith.constant 0 : i32
          %dma_start3A_106 = arith.constant 0 : i32
          %dma_start3A_107 = tpu.memref_slice %arg2[%dma_start3A_105, %dma_start3A_106] : memref<10000x64xf32, #tpu.memory_space<hbm>> -> memref<10000x64xf32, #tpu.memory_space<hbm>>
          tpu.enqueue_indirect_dma source(%dma_start3A_107 : memref<10000x64xf32, #tpu.memory_space<hbm>>) target(%arg9 : memref<80x64xf32, #tpu.memory_space<vmem>>) offsets(%dma_start3A_104 : memref<80xi32, #tpu.memory_space<vmem>>) semaphore(%arg16 : memref<!tpu.dma_semaphore, #tpu.memory_space<semaphore_mem>>)
          %dma_start3A_108 = tpu.memref_slice %arg8[%mul3A_103] : memref<10000xi32, #tpu.memory_space<vmem>> -> memref<80xi32, #tpu.memory_space<vmem>>
          %dma_start3A_109 = arith.constant 0 : i32
          %dma_start3A_110 = arith.constant 0 : i32
          %dma_start3A_111 = tpu.memref_slice %arg3[%dma_start3A_109, %dma_start3A_110] : memref<10000x64xf32, #tpu.memory_space<hbm>> -> memref<10000x64xf32, #tpu.memory_space<hbm>>
          tpu.enqueue_indirect_dma source(%dma_start3A_111 : memref<10000x64xf32, #tpu.memory_space<hbm>>) target(%arg10 : memref<80x64xf32, #tpu.memory_space<vmem>>) offsets(%dma_start3A_108 : memref<80xi32, #tpu.memory_space<vmem>>) semaphore(%arg16 : memref<!tpu.dma_semaphore, #tpu.memory_space<semaphore_mem>>)
        } else {
        }
      } else {
      }
      %mul3A_53 = arith.constant 2 : i32
      %mul3A_54 = arith.muli %mul3A_53, %scan3A_46 : i32
      %add3A_55 = arith.constant 1 : i32
      %add3A_56 = arith.addi %mul3A_54, %add3A_55 : i32
      %lt3A_57 = arith.constant 125 : i32
      %lt3A_58 = arith.cmpi slt, %add3A_56, %lt3A_57 : i32
      %convert_element_type3A_59 = arith.extui %lt3A_58 : i1 to i32
      %cond3A_60 = arith.constant 0 : i32
      %cond3A_61 = arith.cmpi ne, %convert_element_type3A_59, %cond3A_60 : i32
      scf.if %cond3A_61 {
        %mul3A_62 = arith.constant 80 : i32
        %mul3A_63 = arith.muli %add3A_56, %mul3A_62 : i32
        %add3A_64 = arith.addi %mul3A_2, %mul3A_63 : i32
        %dma_wait3A_65 = arith.constant 0 : i32
        %dma_wait3A_66 = arith.constant 0 : i32
        %dma_wait3A_67 = tpu.memref_slice %arg2[%dma_wait3A_65, %dma_wait3A_66] : memref<10000x64xf32, #tpu.memory_space<hbm>> -> memref<80x64xf32, #tpu.memory_space<hbm>>
        %dma_wait3A_68 = arith.constant 0 : i32
        %dma_wait3A_69 = arith.constant 0 : i32
        %dma_wait3A_70 = tpu.memref_slice %arg2[%dma_wait3A_68, %dma_wait3A_69] : memref<10000x64xf32, #tpu.memory_space<hbm>> -> memref<80x64xf32, #tpu.memory_space<hbm>>
        tpu.wait_dma2 semaphore(%arg17 : memref<!tpu.dma_semaphore, #tpu.memory_space<semaphore_mem>>) src(%dma_wait3A_70 : memref<80x64xf32, #tpu.memory_space<hbm>>) dst(%arg12 : memref<80x64xf32, #tpu.memory_space<vmem>>)
        %dma_wait3A_71 = arith.constant 0 : i32
        %dma_wait3A_72 = arith.constant 0 : i32
        %dma_wait3A_73 = tpu.memref_slice %arg3[%dma_wait3A_71, %dma_wait3A_72] : memref<10000x64xf32, #tpu.memory_space<hbm>> -> memref<80x64xf32, #tpu.memory_space<hbm>>
        %dma_wait3A_74 = arith.constant 0 : i32
        %dma_wait3A_75 = arith.constant 0 : i32
        %dma_wait3A_76 = tpu.memref_slice %arg3[%dma_wait3A_74, %dma_wait3A_75] : memref<10000x64xf32, #tpu.memory_space<hbm>> -> memref<80x64xf32, #tpu.memory_space<hbm>>
        tpu.wait_dma2 semaphore(%arg17 : memref<!tpu.dma_semaphore, #tpu.memory_space<semaphore_mem>>) src(%dma_wait3A_76 : memref<80x64xf32, #tpu.memory_space<hbm>>) dst(%arg13 : memref<80x64xf32, #tpu.memory_space<vmem>>)
        %ge3A = arith.constant 2 : i32
        %ge3A_77 = arith.cmpi sge, %add3A_56, %ge3A : i32
        %convert_element_type3A_78 = arith.extui %ge3A_77 : i1 to i32
        %cond3A_79 = arith.constant 0 : i32
        %cond3A_80 = arith.cmpi ne, %convert_element_type3A_78, %cond3A_79 : i32
        scf.if %cond3A_80 {
          %dma_wait3A_98 = arith.constant 0 : i32
          %dma_wait3A_99 = arith.constant 0 : i32
          %dma_wait3A_100 = tpu.memref_slice %arg6[%dma_wait3A_98, %dma_wait3A_99] : memref<320000x64xf32, #tpu.memory_space<hbm>> -> memref<80x64xf32, #tpu.memory_space<hbm>>
          %dma_wait3A_101 = arith.constant 0 : i32
          %dma_wait3A_102 = arith.constant 0 : i32
          %dma_wait3A_103 = tpu.memref_slice %arg6[%dma_wait3A_101, %dma_wait3A_102] : memref<320000x64xf32, #tpu.memory_space<hbm>> -> memref<80x64xf32, #tpu.memory_space<hbm>>
          tpu.wait_dma2 semaphore(%arg19 : memref<!tpu.dma_semaphore, #tpu.memory_space<semaphore_mem>>) src(%arg14 : memref<80x64xf32, #tpu.memory_space<vmem>>) dst(%dma_wait3A_103 : memref<80x64xf32, #tpu.memory_space<hbm>>)
        } else {
        }
        %scan3A_81 = arith.constant 0 : i32
        %scan3A_82 = arith.constant 0 : i32
        %scan3A_83 = arith.constant 10 : i32
        %scan3A_84 = arith.addi %scan3A_82, %scan3A_83 : i32
        %scan3A_85 = arith.constant 1 : i32
        scf.for %scan3A_98 = %scan3A_82 to %scan3A_84 step %scan3A_85  : i32 {
          %mul3A_99 = arith.constant 8 : i32
          %mul3A_100 = arith.muli %scan3A_98, %mul3A_99 : i32
          %add3A_101 = arith.constant 0 : i32
          %add3A_102 = arith.addi %mul3A_100, %add3A_101 : i32
          %get3A = arith.index_cast %add3A_102 : i32 to index
          %get3A_103 = arith.constant 0 : index
          %get3A_104 = tpu.vector_load %arg12[%get3A, %get3A_103] {strides = array<i32>} : memref<80x64xf32, #tpu.memory_space<vmem>>, vector<1x16xf32>,
          %get3A_105 = vector.shape_cast %get3A_104 : vector<1x16xf32> to vector<16xf32>
          %get3A_106 = arith.index_cast %add3A_102 : i32 to index
          %get3A_107 = arith.constant 0 : index
          %get3A_108 = tpu.vector_load %arg13[%get3A_106, %get3A_107] {strides = array<i32>} : memref<80x64xf32, #tpu.memory_space<vmem>>, vector<1x16xf32>,
          %get3A_109 = vector.shape_cast %get3A_108 : vector<1x16xf32> to vector<16xf32>
          %add3A_110 = arith.addf %get3A_105, %get3A_109 : vector<16xf32>
          %swap3A = arith.index_cast %add3A_102 : i32 to index
          %swap3A_111 = arith.constant 0 : index
          %swap3A_112 = tpu.vector_load %arg14[%swap3A, %swap3A_111] {strides = array<i32>} : memref<80x64xf32, #tpu.memory_space<vmem>>, vector<1x16xf32>,
          %swap3A_113 = vector.shape_cast %swap3A_112 : vector<1x16xf32> to vector<16xf32>
          %swap3A_114 = vector.shape_cast %add3A_110 : vector<16xf32> to vector<1x16xf32>
          tpu.vector_store %arg14[%swap3A, %swap3A_111], %swap3A_114 {strides = array<i32>} : memref<80x64xf32, #tpu.memory_space<vmem>>, vector<1x16xf32>,
          %get3A_115 = arith.index_cast %add3A_102 : i32 to index
          %get3A_116 = arith.constant 16 : index
          %get3A_117 = tpu.vector_load %arg12[%get3A_115, %get3A_116] {strides = array<i32>} : memref<80x64xf32, #tpu.memory_space<vmem>>, vector<1x16xf32>,
          %get3A_118 = vector.shape_cast %get3A_117 : vector<1x16xf32> to vector<16xf32>
          %get3A_119 = arith.index_cast %add3A_102 : i32 to index
          %get3A_120 = arith.constant 16 : index
          %get3A_121 = tpu.vector_load %arg13[%get3A_119, %get3A_120] {strides = array<i32>} : memref<80x64xf32, #tpu.memory_space<vmem>>, vector<1x16xf32>,
          %get3A_122 = vector.shape_cast %get3A_121 : vector<1x16xf32> to vector<16xf32>
          %add3A_123 = arith.addf %get3A_118, %get3A_122 : vector<16xf32>
          %swap3A_124 = arith.index_cast %add3A_102 : i32 to index
          %swap3A_125 = arith.constant 16 : index
          %swap3A_126 = tpu.vector_load %arg14[%swap3A_124, %swap3A_125] {strides = array<i32>} : memref<80x64xf32, #tpu.memory_space<vmem>>, vector<1x16xf32>,
          %swap3A_127 = vector.shape_cast %swap3A_126 : vector<1x16xf32> to vector<16xf32>
          %swap3A_128 = vector.shape_cast %add3A_123 : vector<16xf32> to vector<1x16xf32>
          tpu.vector_store %arg14[%swap3A_124, %swap3A_125], %swap3A_128 {strides = array<i32>} : memref<80x64xf32, #tpu.memory_space<vmem>>, vector<1x16xf32>,
          %get3A_129 = arith.index_cast %add3A_102 : i32 to index
          %get3A_130 = arith.constant 32 : index
          %get3A_131 = tpu.vector_load %arg12[%get3A_129, %get3A_130] {strides = array<i32>} : memref<80x64xf32, #tpu.memory_space<vmem>>, vector<1x16xf32>,
          %get3A_132 = vector.shape_cast %get3A_131 : vector<1x16xf32> to vector<16xf32>
          %get3A_133 = arith.index_cast %add3A_102 : i32 to index
          %get3A_134 = arith.constant 32 : index
          %get3A_135 = tpu.vector_load %arg13[%get3A_133, %get3A_134] {strides = array<i32>} : memref<80x64xf32, #tpu.memory_space<vmem>>, vector<1x16xf32>,
          %get3A_136 = vector.shape_cast %get3A_135 : vector<1x16xf32> to vector<16xf32>
          %add3A_137 = arith.addf %get3A_132, %get3A_136 : vector<16xf32>
          %swap3A_138 = arith.index_cast %add3A_102 : i32 to index
          %swap3A_139 = arith.constant 32 : index
          %swap3A_140 = tpu.vector_load %arg14[%swap3A_138, %swap3A_139] {strides = array<i32>} : memref<80x64xf32, #tpu.memory_space<vmem>>, vector<1x16xf32>,
          %swap3A_141 = vector.shape_cast %swap3A_140 : vector<1x16xf32> to vector<16xf32>
          %swap3A_142 = vector.shape_cast %add3A_137 : vector<16xf32> to vector<1x16xf32>
          tpu.vector_store %arg14[%swap3A_138, %swap3A_139], %swap3A_142 {strides = array<i32>} : memref<80x64xf32, #tpu.memory_space<vmem>>, vector<1x16xf32>,
          %get3A_143 = arith.index_cast %add3A_102 : i32 to index
          %get3A_144 = arith.constant 48 : index
          %get3A_145 = tpu.vector_load %arg12[%get3A_143, %get3A_144] {strides = array<i32>} : memref<80x64xf32, #tpu.memory_space<vmem>>, vector<1x16xf32>,
          %get3A_146 = vector.shape_cast %get3A_145 : vector<1x16xf32> to vector<16xf32>
          %get3A_147 = arith.index_cast %add3A_102 : i32 to index
          %get3A_148 = arith.constant 48 : index
          %get3A_149 = tpu.vector_load %arg13[%get3A_147, %get3A_148] {strides = array<i32>} : memref<80x64xf32, #tpu.memory_space<vmem>>, vector<1x16xf32>,
          %get3A_150 = vector.shape_cast %get3A_149 : vector<1x16xf32> to vector<16xf32>
          %add3A_151 = arith.addf %get3A_146, %get3A_150 : vector<16xf32>
          %swap3A_152 = arith.index_cast %add3A_102 : i32 to index
          %swap3A_153 = arith.constant 48 : index
          %swap3A_154 = tpu.vector_load %arg14[%swap3A_152, %swap3A_153] {strides = array<i32>} : memref<80x64xf32, #tpu.memory_space<vmem>>, vector<1x16xf32>,
          %swap3A_155 = vector.shape_cast %swap3A_154 : vector<1x16xf32> to vector<16xf32>
          %swap3A_156 = vector.shape_cast %add3A_151 : vector<16xf32> to vector<1x16xf32>
          tpu.vector_store %arg14[%swap3A_152, %swap3A_153], %swap3A_156 {strides = array<i32>} : memref<80x64xf32, #tpu.memory_space<vmem>>, vector<1x16xf32>,
          %mul3A_157 = arith.constant 8 : i32
          %mul3A_158 = arith.muli %scan3A_98, %mul3A_157 : i32
          %add3A_159 = arith.constant 1 : i32
          %add3A_160 = arith.addi %mul3A_158, %add3A_159 : i32
          %get3A_161 = arith.index_cast %add3A_160 : i32 to index
          %get3A_162 = arith.constant 0 : index
          %get3A_163 = tpu.vector_load %arg12[%get3A_161, %get3A_162] {strides = array<i32>} : memref<80x64xf32, #tpu.memory_space<vmem>>, vector<1x16xf32>,
          %get3A_164 = vector.shape_cast %get3A_163 : vector<1x16xf32> to vector<16xf32>
          %get3A_165 = arith.index_cast %add3A_160 : i32 to index
          %get3A_166 = arith.constant 0 : index
          %get3A_167 = tpu.vector_load %arg13[%get3A_165, %get3A_166] {strides = array<i32>} : memref<80x64xf32, #tpu.memory_space<vmem>>, vector<1x16xf32>,
          %get3A_168 = vector.shape_cast %get3A_167 : vector<1x16xf32> to vector<16xf32>
          %add3A_169 = arith.addf %get3A_164, %get3A_168 : vector<16xf32>
          %swap3A_170 = arith.index_cast %add3A_160 : i32 to index
          %swap3A_171 = arith.constant 0 : index
          %swap3A_172 = tpu.vector_load %arg14[%swap3A_170, %swap3A_171] {strides = array<i32>} : memref<80x64xf32, #tpu.memory_space<vmem>>, vector<1x16xf32>,
          %swap3A_173 = vector.shape_cast %swap3A_172 : vector<1x16xf32> to vector<16xf32>
          %swap3A_174 = vector.shape_cast %add3A_169 : vector<16xf32> to vector<1x16xf32>
          tpu.vector_store %arg14[%swap3A_170, %swap3A_171], %swap3A_174 {strides = array<i32>} : memref<80x64xf32, #tpu.memory_space<vmem>>, vector<1x16xf32>,
          %get3A_175 = arith.index_cast %add3A_160 : i32 to index
          %get3A_176 = arith.constant 16 : index
          %get3A_177 = tpu.vector_load %arg12[%get3A_175, %get3A_176] {strides = array<i32>} : memref<80x64xf32, #tpu.memory_space<vmem>>, vector<1x16xf32>,
          %get3A_178 = vector.shape_cast %get3A_177 : vector<1x16xf32> to vector<16xf32>
          %get3A_179 = arith.index_cast %add3A_160 : i32 to index
          %get3A_180 = arith.constant 16 : index
          %get3A_181 = tpu.vector_load %arg13[%get3A_179, %get3A_180] {strides = array<i32>} : memref<80x64xf32, #tpu.memory_space<vmem>>, vector<1x16xf32>,
          %get3A_182 = vector.shape_cast %get3A_181 : vector<1x16xf32> to vector<16xf32>
          %add3A_183 = arith.addf %get3A_178, %get3A_182 : vector<16xf32>
          %swap3A_184 = arith.index_cast %add3A_160 : i32 to index
          %swap3A_185 = arith.constant 16 : index
          %swap3A_186 = tpu.vector_load %arg14[%swap3A_184, %swap3A_185] {strides = array<i32>} : memref<80x64xf32, #tpu.memory_space<vmem>>, vector<1x16xf32>,
          %swap3A_187 = vector.shape_cast %swap3A_186 : vector<1x16xf32> to vector<16xf32>
          %swap3A_188 = vector.shape_cast %add3A_183 : vector<16xf32> to vector<1x16xf32>
          tpu.vector_store %arg14[%swap3A_184, %swap3A_185], %swap3A_188 {strides = array<i32>} : memref<80x64xf32, #tpu.memory_space<vmem>>, vector<1x16xf32>,
          %get3A_189 = arith.index_cast %add3A_160 : i32 to index
          %get3A_190 = arith.constant 32 : index
          %get3A_191 = tpu.vector_load %arg12[%get3A_189, %get3A_190] {strides = array<i32>} : memref<80x64xf32, #tpu.memory_space<vmem>>, vector<1x16xf32>,
          %get3A_192 = vector.shape_cast %get3A_191 : vector<1x16xf32> to vector<16xf32>
          %get3A_193 = arith.index_cast %add3A_160 : i32 to index
          %get3A_194 = arith.constant 32 : index
          %get3A_195 = tpu.vector_load %arg13[%get3A_193, %get3A_194] {strides = array<i32>} : memref<80x64xf32, #tpu.memory_space<vmem>>, vector<1x16xf32>,
          %get3A_196 = vector.shape_cast %get3A_195 : vector<1x16xf32> to vector<16xf32>
          %add3A_197 = arith.addf %get3A_192, %get3A_196 : vector<16xf32>
          %swap3A_198 = arith.index_cast %add3A_160 : i32 to index
          %swap3A_199 = arith.constant 32 : index
          %swap3A_200 = tpu.vector_load %arg14[%swap3A_198, %swap3A_199] {strides = array<i32>} : memref<80x64xf32, #tpu.memory_space<vmem>>, vector<1x16xf32>,
          %swap3A_201 = vector.shape_cast %swap3A_200 : vector<1x16xf32> to vector<16xf32>
          %swap3A_202 = vector.shape_cast %add3A_197 : vector<16xf32> to vector<1x16xf32>
          tpu.vector_store %arg14[%swap3A_198, %swap3A_199], %swap3A_202 {strides = array<i32>} : memref<80x64xf32, #tpu.memory_space<vmem>>, vector<1x16xf32>,
          %get3A_203 = arith.index_cast %add3A_160 : i32 to index
          %get3A_204 = arith.constant 48 : index
          %get3A_205 = tpu.vector_load %arg12[%get3A_203, %get3A_204] {strides = array<i32>} : memref<80x64xf32, #tpu.memory_space<vmem>>, vector<1x16xf32>,
          %get3A_206 = vector.shape_cast %get3A_205 : vector<1x16xf32> to vector<16xf32>
          %get3A_207 = arith.index_cast %add3A_160 : i32 to index
          %get3A_208 = arith.constant 48 : index
          %get3A_209 = tpu.vector_load %arg13[%get3A_207, %get3A_208] {strides = array<i32>} : memref<80x64xf32, #tpu.memory_space<vmem>>, vector<1x16xf32>,
          %get3A_210 = vector.shape_cast %get3A_209 : vector<1x16xf32> to vector<16xf32>
          %add3A_211 = arith.addf %get3A_206, %get3A_210 : vector<16xf32>
          %swap3A_212 = arith.index_cast %add3A_160 : i32 to index
          %swap3A_213 = arith.constant 48 : index
          %swap3A_214 = tpu.vector_load %arg14[%swap3A_212, %swap3A_213] {strides = array<i32>} : memref<80x64xf32, #tpu.memory_space<vmem>>, vector<1x16xf32>,
          %swap3A_215 = vector.shape_cast %swap3A_214 : vector<1x16xf32> to vector<16xf32>
          %swap3A_216 = vector.shape_cast %add3A_211 : vector<16xf32> to vector<1x16xf32>
          tpu.vector_store %arg14[%swap3A_212, %swap3A_213], %swap3A_216 {strides = array<i32>} : memref<80x64xf32, #tpu.memory_space<vmem>>, vector<1x16xf32>,
          %mul3A_217 = arith.constant 8 : i32
          %mul3A_218 = arith.muli %scan3A_98, %mul3A_217 : i32
          %add3A_219 = arith.constant 2 : i32
          %add3A_220 = arith.addi %mul3A_218, %add3A_219 : i32
          %get3A_221 = arith.index_cast %add3A_220 : i32 to index
          %get3A_222 = arith.constant 0 : index
          %get3A_223 = tpu.vector_load %arg12[%get3A_221, %get3A_222] {strides = array<i32>} : memref<80x64xf32, #tpu.memory_space<vmem>>, vector<1x16xf32>,
          %get3A_224 = vector.shape_cast %get3A_223 : vector<1x16xf32> to vector<16xf32>
          %get3A_225 = arith.index_cast %add3A_220 : i32 to index
          %get3A_226 = arith.constant 0 : index
          %get3A_227 = tpu.vector_load %arg13[%get3A_225, %get3A_226] {strides = array<i32>} : memref<80x64xf32, #tpu.memory_space<vmem>>, vector<1x16xf32>,
          %get3A_228 = vector.shape_cast %get3A_227 : vector<1x16xf32> to vector<16xf32>
          %add3A_229 = arith.addf %get3A_224, %get3A_228 : vector<16xf32>
          %swap3A_230 = arith.index_cast %add3A_220 : i32 to index
          %swap3A_231 = arith.constant 0 : index
          %swap3A_232 = tpu.vector_load %arg14[%swap3A_230, %swap3A_231] {strides = array<i32>} : memref<80x64xf32, #tpu.memory_space<vmem>>, vector<1x16xf32>,
          %swap3A_233 = vector.shape_cast %swap3A_232 : vector<1x16xf32> to vector<16xf32>
          %swap3A_234 = vector.shape_cast %add3A_229 : vector<16xf32> to vector<1x16xf32>
          tpu.vector_store %arg14[%swap3A_230, %swap3A_231], %swap3A_234 {strides = array<i32>} : memref<80x64xf32, #tpu.memory_space<vmem>>, vector<1x16xf32>,
          %get3A_235 = arith.index_cast %add3A_220 : i32 to index
          %get3A_236 = arith.constant 16 : index
          %get3A_237 = tpu.vector_load %arg12[%get3A_235, %get3A_236] {strides = array<i32>} : memref<80x64xf32, #tpu.memory_space<vmem>>, vector<1x16xf32>,
          %get3A_238 = vector.shape_cast %get3A_237 : vector<1x16xf32> to vector<16xf32>
          %get3A_239 = arith.index_cast %add3A_220 : i32 to index
          %get3A_240 = arith.constant 16 : index
          %get3A_241 = tpu.vector_load %arg13[%get3A_239, %get3A_240] {strides = array<i32>} : memref<80x64xf32, #tpu.memory_space<vmem>>, vector<1x16xf32>,
          %get3A_242 = vector.shape_cast %get3A_241 : vector<1x16xf32> to vector<16xf32>
          %add3A_243 = arith.addf %get3A_238, %get3A_242 : vector<16xf32>
          %swap3A_244 = arith.index_cast %add3A_220 : i32 to index
          %swap3A_245 = arith.constant 16 : index
          %swap3A_246 = tpu.vector_load %arg14[%swap3A_244, %swap3A_245] {strides = array<i32>} : memref<80x64xf32, #tpu.memory_space<vmem>>, vector<1x16xf32>,
          %swap3A_247 = vector.shape_cast %swap3A_246 : vector<1x16xf32> to vector<16xf32>
          %swap3A_248 = vector.shape_cast %add3A_243 : vector<16xf32> to vector<1x16xf32>
          tpu.vector_store %arg14[%swap3A_244, %swap3A_245], %swap3A_248 {strides = array<i32>} : memref<80x64xf32, #tpu.memory_space<vmem>>, vector<1x16xf32>,
          %get3A_249 = arith.index_cast %add3A_220 : i32 to index
          %get3A_250 = arith.constant 32 : index
          %get3A_251 = tpu.vector_load %arg12[%get3A_249, %get3A_250] {strides = array<i32>} : memref<80x64xf32, #tpu.memory_space<vmem>>, vector<1x16xf32>,
          %get3A_252 = vector.shape_cast %get3A_251 : vector<1x16xf32> to vector<16xf32>
          %get3A_253 = arith.index_cast %add3A_220 : i32 to index
          %get3A_254 = arith.constant 32 : index
          %get3A_255 = tpu.vector_load %arg13[%get3A_253, %get3A_254] {strides = array<i32>} : memref<80x64xf32, #tpu.memory_space<vmem>>, vector<1x16xf32>,
          %get3A_256 = vector.shape_cast %get3A_255 : vector<1x16xf32> to vector<16xf32>
          %add3A_257 = arith.addf %get3A_252, %get3A_256 : vector<16xf32>
          %swap3A_258 = arith.index_cast %add3A_220 : i32 to index
          %swap3A_259 = arith.constant 32 : index
          %swap3A_260 = tpu.vector_load %arg14[%swap3A_258, %swap3A_259] {strides = array<i32>} : memref<80x64xf32, #tpu.memory_space<vmem>>, vector<1x16xf32>,
          %swap3A_261 = vector.shape_cast %swap3A_260 : vector<1x16xf32> to vector<16xf32>
          %swap3A_262 = vector.shape_cast %add3A_257 : vector<16xf32> to vector<1x16xf32>
          tpu.vector_store %arg14[%swap3A_258, %swap3A_259], %swap3A_262 {strides = array<i32>} : memref<80x64xf32, #tpu.memory_space<vmem>>, vector<1x16xf32>,
          %get3A_263 = arith.index_cast %add3A_220 : i32 to index
          %get3A_264 = arith.constant 48 : index
          %get3A_265 = tpu.vector_load %arg12[%get3A_263, %get3A_264] {strides = array<i32>} : memref<80x64xf32, #tpu.memory_space<vmem>>, vector<1x16xf32>,
          %get3A_266 = vector.shape_cast %get3A_265 : vector<1x16xf32> to vector<16xf32>
          %get3A_267 = arith.index_cast %add3A_220 : i32 to index
          %get3A_268 = arith.constant 48 : index
          %get3A_269 = tpu.vector_load %arg13[%get3A_267, %get3A_268] {strides = array<i32>} : memref<80x64xf32, #tpu.memory_space<vmem>>, vector<1x16xf32>,
          %get3A_270 = vector.shape_cast %get3A_269 : vector<1x16xf32> to vector<16xf32>
          %add3A_271 = arith.addf %get3A_266, %get3A_270 : vector<16xf32>
          %swap3A_272 = arith.index_cast %add3A_220 : i32 to index
          %swap3A_273 = arith.constant 48 : index
          %swap3A_274 = tpu.vector_load %arg14[%swap3A_272, %swap3A_273] {strides = array<i32>} : memref<80x64xf32, #tpu.memory_space<vmem>>, vector<1x16xf32>,
          %swap3A_275 = vector.shape_cast %swap3A_274 : vector<1x16xf32> to vector<16xf32>
          %swap3A_276 = vector.shape_cast %add3A_271 : vector<16xf32> to vector<1x16xf32>
          tpu.vector_store %arg14[%swap3A_272, %swap3A_273], %swap3A_276 {strides = array<i32>} : memref<80x64xf32, #tpu.memory_space<vmem>>, vector<1x16xf32>,
          %mul3A_277 = arith.constant 8 : i32
          %mul3A_278 = arith.muli %scan3A_98, %mul3A_277 : i32
          %add3A_279 = arith.constant 3 : i32
          %add3A_280 = arith.addi %mul3A_278, %add3A_279 : i32
          %get3A_281 = arith.index_cast %add3A_280 : i32 to index
          %get3A_282 = arith.constant 0 : index
          %get3A_283 = tpu.vector_load %arg12[%get3A_281, %get3A_282] {strides = array<i32>} : memref<80x64xf32, #tpu.memory_space<vmem>>, vector<1x16xf32>,
          %get3A_284 = vector.shape_cast %get3A_283 : vector<1x16xf32> to vector<16xf32>
          %get3A_285 = arith.index_cast %add3A_280 : i32 to index
          %get3A_286 = arith.constant 0 : index
          %get3A_287 = tpu.vector_load %arg13[%get3A_285, %get3A_286] {strides = array<i32>} : memref<80x64xf32, #tpu.memory_space<vmem>>, vector<1x16xf32>,
          %get3A_288 = vector.shape_cast %get3A_287 : vector<1x16xf32> to vector<16xf32>
          %add3A_289 = arith.addf %get3A_284, %get3A_288 : vector<16xf32>
          %swap3A_290 = arith.index_cast %add3A_280 : i32 to index
          %swap3A_291 = arith.constant 0 : index
          %swap3A_292 = tpu.vector_load %arg14[%swap3A_290, %swap3A_291] {strides = array<i32>} : memref<80x64xf32, #tpu.memory_space<vmem>>, vector<1x16xf32>,
          %swap3A_293 = vector.shape_cast %swap3A_292 : vector<1x16xf32> to vector<16xf32>
          %swap3A_294 = vector.shape_cast %add3A_289 : vector<16xf32> to vector<1x16xf32>
          tpu.vector_store %arg14[%swap3A_290, %swap3A_291], %swap3A_294 {strides = array<i32>} : memref<80x64xf32, #tpu.memory_space<vmem>>, vector<1x16xf32>,
          %get3A_295 = arith.index_cast %add3A_280 : i32 to index
          %get3A_296 = arith.constant 16 : index
          %get3A_297 = tpu.vector_load %arg12[%get3A_295, %get3A_296] {strides = array<i32>} : memref<80x64xf32, #tpu.memory_space<vmem>>, vector<1x16xf32>,
          %get3A_298 = vector.shape_cast %get3A_297 : vector<1x16xf32> to vector<16xf32>
          %get3A_299 = arith.index_cast %add3A_280 : i32 to index
          %get3A_300 = arith.constant 16 : index
          %get3A_301 = tpu.vector_load %arg13[%get3A_299, %get3A_300] {strides = array<i32>} : memref<80x64xf32, #tpu.memory_space<vmem>>, vector<1x16xf32>,
          %get3A_302 = vector.shape_cast %get3A_301 : vector<1x16xf32> to vector<16xf32>
          %add3A_303 = arith.addf %get3A_298, %get3A_302 : vector<16xf32>
          %swap3A_304 = arith.index_cast %add3A_280 : i32 to index
          %swap3A_305 = arith.constant 16 : index
          %swap3A_306 = tpu.vector_load %arg14[%swap3A_304, %swap3A_305] {strides = array<i32>} : memref<80x64xf32, #tpu.memory_space<vmem>>, vector<1x16xf32>,
          %swap3A_307 = vector.shape_cast %swap3A_306 : vector<1x16xf32> to vector<16xf32>
          %swap3A_308 = vector.shape_cast %add3A_303 : vector<16xf32> to vector<1x16xf32>
          tpu.vector_store %arg14[%swap3A_304, %swap3A_305], %swap3A_308 {strides = array<i32>} : memref<80x64xf32, #tpu.memory_space<vmem>>, vector<1x16xf32>,
          %get3A_309 = arith.index_cast %add3A_280 : i32 to index
          %get3A_310 = arith.constant 32 : index
          %get3A_311 = tpu.vector_load %arg12[%get3A_309, %get3A_310] {strides = array<i32>} : memref<80x64xf32, #tpu.memory_space<vmem>>, vector<1x16xf32>,
          %get3A_312 = vector.shape_cast %get3A_311 : vector<1x16xf32> to vector<16xf32>
          %get3A_313 = arith.index_cast %add3A_280 : i32 to index
          %get3A_314 = arith.constant 32 : index
          %get3A_315 = tpu.vector_load %arg13[%get3A_313, %get3A_314] {strides = array<i32>} : memref<80x64xf32, #tpu.memory_space<vmem>>, vector<1x16xf32>,
          %get3A_316 = vector.shape_cast %get3A_315 : vector<1x16xf32> to vector<16xf32>
          %add3A_317 = arith.addf %get3A_312, %get3A_316 : vector<16xf32>
          %swap3A_318 = arith.index_cast %add3A_280 : i32 to index
          %swap3A_319 = arith.constant 32 : index
          %swap3A_320 = tpu.vector_load %arg14[%swap3A_318, %swap3A_319] {strides = array<i32>} : memref<80x64xf32, #tpu.memory_space<vmem>>, vector<1x16xf32>,
          %swap3A_321 = vector.shape_cast %swap3A_320 : vector<1x16xf32> to vector<16xf32>
          %swap3A_322 = vector.shape_cast %add3A_317 : vector<16xf32> to vector<1x16xf32>
          tpu.vector_store %arg14[%swap3A_318, %swap3A_319], %swap3A_322 {strides = array<i32>} : memref<80x64xf32, #tpu.memory_space<vmem>>, vector<1x16xf32>,
          %get3A_323 = arith.index_cast %add3A_280 : i32 to index
          %get3A_324 = arith.constant 48 : index
          %get3A_325 = tpu.vector_load %arg12[%get3A_323, %get3A_324] {strides = array<i32>} : memref<80x64xf32, #tpu.memory_space<vmem>>, vector<1x16xf32>,
          %get3A_326 = vector.shape_cast %get3A_325 : vector<1x16xf32> to vector<16xf32>
          %get3A_327 = arith.index_cast %add3A_280 : i32 to index
          %get3A_328 = arith.constant 48 : index
          %get3A_329 = tpu.vector_load %arg13[%get3A_327, %get3A_328] {strides = array<i32>} : memref<80x64xf32, #tpu.memory_space<vmem>>, vector<1x16xf32>,
          %get3A_330 = vector.shape_cast %get3A_329 : vector<1x16xf32> to vector<16xf32>
          %add3A_331 = arith.addf %get3A_326, %get3A_330 : vector<16xf32>
          %swap3A_332 = arith.index_cast %add3A_280 : i32 to index
          %swap3A_333 = arith.constant 48 : index
          %swap3A_334 = tpu.vector_load %arg14[%swap3A_332, %swap3A_333] {strides = array<i32>} : memref<80x64xf32, #tpu.memory_space<vmem>>, vector<1x16xf32>,
          %swap3A_335 = vector.shape_cast %swap3A_334 : vector<1x16xf32> to vector<16xf32>
          %swap3A_336 = vector.shape_cast %add3A_331 : vector<16xf32> to vector<1x16xf32>
          tpu.vector_store %arg14[%swap3A_332, %swap3A_333], %swap3A_336 {strides = array<i32>} : memref<80x64xf32, #tpu.memory_space<vmem>>, vector<1x16xf32>,
          %mul3A_337 = arith.constant 8 : i32
          %mul3A_338 = arith.muli %scan3A_98, %mul3A_337 : i32
          %add3A_339 = arith.constant 4 : i32
          %add3A_340 = arith.addi %mul3A_338, %add3A_339 : i32
          %get3A_341 = arith.index_cast %add3A_340 : i32 to index
          %get3A_342 = arith.constant 0 : index
          %get3A_343 = tpu.vector_load %arg12[%get3A_341, %get3A_342] {strides = array<i32>} : memref<80x64xf32, #tpu.memory_space<vmem>>, vector<1x16xf32>,
          %get3A_344 = vector.shape_cast %get3A_343 : vector<1x16xf32> to vector<16xf32>
          %get3A_345 = arith.index_cast %add3A_340 : i32 to index
          %get3A_346 = arith.constant 0 : index
          %get3A_347 = tpu.vector_load %arg13[%get3A_345, %get3A_346] {strides = array<i32>} : memref<80x64xf32, #tpu.memory_space<vmem>>, vector<1x16xf32>,
          %get3A_348 = vector.shape_cast %get3A_347 : vector<1x16xf32> to vector<16xf32>
          %add3A_349 = arith.addf %get3A_344, %get3A_348 : vector<16xf32>
          %swap3A_350 = arith.index_cast %add3A_340 : i32 to index
          %swap3A_351 = arith.constant 0 : index
          %swap3A_352 = tpu.vector_load %arg14[%swap3A_350, %swap3A_351] {strides = array<i32>} : memref<80x64xf32, #tpu.memory_space<vmem>>, vector<1x16xf32>,
          %swap3A_353 = vector.shape_cast %swap3A_352 : vector<1x16xf32> to vector<16xf32>
          %swap3A_354 = vector.shape_cast %add3A_349 : vector<16xf32> to vector<1x16xf32>
          tpu.vector_store %arg14[%swap3A_350, %swap3A_351], %swap3A_354 {strides = array<i32>} : memref<80x64xf32, #tpu.memory_space<vmem>>, vector<1x16xf32>,
          %get3A_355 = arith.index_cast %add3A_340 : i32 to index
          %get3A_356 = arith.constant 16 : index
          %get3A_357 = tpu.vector_load %arg12[%get3A_355, %get3A_356] {strides = array<i32>} : memref<80x64xf32, #tpu.memory_space<vmem>>, vector<1x16xf32>,
          %get3A_358 = vector.shape_cast %get3A_357 : vector<1x16xf32> to vector<16xf32>
          %get3A_359 = arith.index_cast %add3A_340 : i32 to index
          %get3A_360 = arith.constant 16 : index
          %get3A_361 = tpu.vector_load %arg13[%get3A_359, %get3A_360] {strides = array<i32>} : memref<80x64xf32, #tpu.memory_space<vmem>>, vector<1x16xf32>,
          %get3A_362 = vector.shape_cast %get3A_361 : vector<1x16xf32> to vector<16xf32>
          %add3A_363 = arith.addf %get3A_358, %get3A_362 : vector<16xf32>
          %swap3A_364 = arith.index_cast %add3A_340 : i32 to index
          %swap3A_365 = arith.constant 16 : index
          %swap3A_366 = tpu.vector_load %arg14[%swap3A_364, %swap3A_365] {strides = array<i32>} : memref<80x64xf32, #tpu.memory_space<vmem>>, vector<1x16xf32>,
          %swap3A_367 = vector.shape_cast %swap3A_366 : vector<1x16xf32> to vector<16xf32>
          %swap3A_368 = vector.shape_cast %add3A_363 : vector<16xf32> to vector<1x16xf32>
          tpu.vector_store %arg14[%swap3A_364, %swap3A_365], %swap3A_368 {strides = array<i32>} : memref<80x64xf32, #tpu.memory_space<vmem>>, vector<1x16xf32>,
          %get3A_369 = arith.index_cast %add3A_340 : i32 to index
          %get3A_370 = arith.constant 32 : index
          %get3A_371 = tpu.vector_load %arg12[%get3A_369, %get3A_370] {strides = array<i32>} : memref<80x64xf32, #tpu.memory_space<vmem>>, vector<1x16xf32>,
          %get3A_372 = vector.shape_cast %get3A_371 : vector<1x16xf32> to vector<16xf32>
          %get3A_373 = arith.index_cast %add3A_340 : i32 to index
          %get3A_374 = arith.constant 32 : index
          %get3A_375 = tpu.vector_load %arg13[%get3A_373, %get3A_374] {strides = array<i32>} : memref<80x64xf32, #tpu.memory_space<vmem>>, vector<1x16xf32>,
          %get3A_376 = vector.shape_cast %get3A_375 : vector<1x16xf32> to vector<16xf32>
          %add3A_377 = arith.addf %get3A_372, %get3A_376 : vector<16xf32>
          %swap3A_378 = arith.index_cast %add3A_340 : i32 to index
          %swap3A_379 = arith.constant 32 : index
          %swap3A_380 = tpu.vector_load %arg14[%swap3A_378, %swap3A_379] {strides = array<i32>} : memref<80x64xf32, #tpu.memory_space<vmem>>, vector<1x16xf32>,
          %swap3A_381 = vector.shape_cast %swap3A_380 : vector<1x16xf32> to vector<16xf32>
          %swap3A_382 = vector.shape_cast %add3A_377 : vector<16xf32> to vector<1x16xf32>
          tpu.vector_store %arg14[%swap3A_378, %swap3A_379], %swap3A_382 {strides = array<i32>} : memref<80x64xf32, #tpu.memory_space<vmem>>, vector<1x16xf32>,
          %get3A_383 = arith.index_cast %add3A_340 : i32 to index
          %get3A_384 = arith.constant 48 : index
          %get3A_385 = tpu.vector_load %arg12[%get3A_383, %get3A_384] {strides = array<i32>} : memref<80x64xf32, #tpu.memory_space<vmem>>, vector<1x16xf32>,
          %get3A_386 = vector.shape_cast %get3A_385 : vector<1x16xf32> to vector<16xf32>
          %get3A_387 = arith.index_cast %add3A_340 : i32 to index
          %get3A_388 = arith.constant 48 : index
          %get3A_389 = tpu.vector_load %arg13[%get3A_387, %get3A_388] {strides = array<i32>} : memref<80x64xf32, #tpu.memory_space<vmem>>, vector<1x16xf32>,
          %get3A_390 = vector.shape_cast %get3A_389 : vector<1x16xf32> to vector<16xf32>
          %add3A_391 = arith.addf %get3A_386, %get3A_390 : vector<16xf32>
          %swap3A_392 = arith.index_cast %add3A_340 : i32 to index
          %swap3A_393 = arith.constant 48 : index
          %swap3A_394 = tpu.vector_load %arg14[%swap3A_392, %swap3A_393] {strides = array<i32>} : memref<80x64xf32, #tpu.memory_space<vmem>>, vector<1x16xf32>,
          %swap3A_395 = vector.shape_cast %swap3A_394 : vector<1x16xf32> to vector<16xf32>
          %swap3A_396 = vector.shape_cast %add3A_391 : vector<16xf32> to vector<1x16xf32>
          tpu.vector_store %arg14[%swap3A_392, %swap3A_393], %swap3A_396 {strides = array<i32>} : memref<80x64xf32, #tpu.memory_space<vmem>>, vector<1x16xf32>,
          %mul3A_397 = arith.constant 8 : i32
          %mul3A_398 = arith.muli %scan3A_98, %mul3A_397 : i32
          %add3A_399 = arith.constant 5 : i32
          %add3A_400 = arith.addi %mul3A_398, %add3A_399 : i32
          %get3A_401 = arith.index_cast %add3A_400 : i32 to index
          %get3A_402 = arith.constant 0 : index
          %get3A_403 = tpu.vector_load %arg12[%get3A_401, %get3A_402] {strides = array<i32>} : memref<80x64xf32, #tpu.memory_space<vmem>>, vector<1x16xf32>,
          %get3A_404 = vector.shape_cast %get3A_403 : vector<1x16xf32> to vector<16xf32>
          %get3A_405 = arith.index_cast %add3A_400 : i32 to index
          %get3A_406 = arith.constant 0 : index
          %get3A_407 = tpu.vector_load %arg13[%get3A_405, %get3A_406] {strides = array<i32>} : memref<80x64xf32, #tpu.memory_space<vmem>>, vector<1x16xf32>,
          %get3A_408 = vector.shape_cast %get3A_407 : vector<1x16xf32> to vector<16xf32>
          %add3A_409 = arith.addf %get3A_404, %get3A_408 : vector<16xf32>
          %swap3A_410 = arith.index_cast %add3A_400 : i32 to index
          %swap3A_411 = arith.constant 0 : index
          %swap3A_412 = tpu.vector_load %arg14[%swap3A_410, %swap3A_411] {strides = array<i32>} : memref<80x64xf32, #tpu.memory_space<vmem>>, vector<1x16xf32>,
          %swap3A_413 = vector.shape_cast %swap3A_412 : vector<1x16xf32> to vector<16xf32>
          %swap3A_414 = vector.shape_cast %add3A_409 : vector<16xf32> to vector<1x16xf32>
          tpu.vector_store %arg14[%swap3A_410, %swap3A_411], %swap3A_414 {strides = array<i32>} : memref<80x64xf32, #tpu.memory_space<vmem>>, vector<1x16xf32>,
          %get3A_415 = arith.index_cast %add3A_400 : i32 to index
          %get3A_416 = arith.constant 16 : index
          %get3A_417 = tpu.vector_load %arg12[%get3A_415, %get3A_416] {strides = array<i32>} : memref<80x64xf32, #tpu.memory_space<vmem>>, vector<1x16xf32>,
          %get3A_418 = vector.shape_cast %get3A_417 : vector<1x16xf32> to vector<16xf32>
          %get3A_419 = arith.index_cast %add3A_400 : i32 to index
          %get3A_420 = arith.constant 16 : index
          %get3A_421 = tpu.vector_load %arg13[%get3A_419, %get3A_420] {strides = array<i32>} : memref<80x64xf32, #tpu.memory_space<vmem>>, vector<1x16xf32>,
          %get3A_422 = vector.shape_cast %get3A_421 : vector<1x16xf32> to vector<16xf32>
          %add3A_423 = arith.addf %get3A_418, %get3A_422 : vector<16xf32>
          %swap3A_424 = arith.index_cast %add3A_400 : i32 to index
          %swap3A_425 = arith.constant 16 : index
          %swap3A_426 = tpu.vector_load %arg14[%swap3A_424, %swap3A_425] {strides = array<i32>} : memref<80x64xf32, #tpu.memory_space<vmem>>, vector<1x16xf32>,
          %swap3A_427 = vector.shape_cast %swap3A_426 : vector<1x16xf32> to vector<16xf32>
          %swap3A_428 = vector.shape_cast %add3A_423 : vector<16xf32> to vector<1x16xf32>
          tpu.vector_store %arg14[%swap3A_424, %swap3A_425], %swap3A_428 {strides = array<i32>} : memref<80x64xf32, #tpu.memory_space<vmem>>, vector<1x16xf32>,
          %get3A_429 = arith.index_cast %add3A_400 : i32 to index
          %get3A_430 = arith.constant 32 : index
          %get3A_431 = tpu.vector_load %arg12[%get3A_429, %get3A_430] {strides = array<i32>} : memref<80x64xf32, #tpu.memory_space<vmem>>, vector<1x16xf32>,
          %get3A_432 = vector.shape_cast %get3A_431 : vector<1x16xf32> to vector<16xf32>
          %get3A_433 = arith.index_cast %add3A_400 : i32 to index
          %get3A_434 = arith.constant 32 : index
          %get3A_435 = tpu.vector_load %arg13[%get3A_433, %get3A_434] {strides = array<i32>} : memref<80x64xf32, #tpu.memory_space<vmem>>, vector<1x16xf32>,
          %get3A_436 = vector.shape_cast %get3A_435 : vector<1x16xf32> to vector<16xf32>
          %add3A_437 = arith.addf %get3A_432, %get3A_436 : vector<16xf32>
          %swap3A_438 = arith.index_cast %add3A_400 : i32 to index
          %swap3A_439 = arith.constant 32 : index
          %swap3A_440 = tpu.vector_load %arg14[%swap3A_438, %swap3A_439] {strides = array<i32>} : memref<80x64xf32, #tpu.memory_space<vmem>>, vector<1x16xf32>,
          %swap3A_441 = vector.shape_cast %swap3A_440 : vector<1x16xf32> to vector<16xf32>
          %swap3A_442 = vector.shape_cast %add3A_437 : vector<16xf32> to vector<1x16xf32>
          tpu.vector_store %arg14[%swap3A_438, %swap3A_439], %swap3A_442 {strides = array<i32>} : memref<80x64xf32, #tpu.memory_space<vmem>>, vector<1x16xf32>,
          %get3A_443 = arith.index_cast %add3A_400 : i32 to index
          %get3A_444 = arith.constant 48 : index
          %get3A_445 = tpu.vector_load %arg12[%get3A_443, %get3A_444] {strides = array<i32>} : memref<80x64xf32, #tpu.memory_space<vmem>>, vector<1x16xf32>,
          %get3A_446 = vector.shape_cast %get3A_445 : vector<1x16xf32> to vector<16xf32>
          %get3A_447 = arith.index_cast %add3A_400 : i32 to index
          %get3A_448 = arith.constant 48 : index
          %get3A_449 = tpu.vector_load %arg13[%get3A_447, %get3A_448] {strides = array<i32>} : memref<80x64xf32, #tpu.memory_space<vmem>>, vector<1x16xf32>,
          %get3A_450 = vector.shape_cast %get3A_449 : vector<1x16xf32> to vector<16xf32>
          %add3A_451 = arith.addf %get3A_446, %get3A_450 : vector<16xf32>
          %swap3A_452 = arith.index_cast %add3A_400 : i32 to index
          %swap3A_453 = arith.constant 48 : index
          %swap3A_454 = tpu.vector_load %arg14[%swap3A_452, %swap3A_453] {strides = array<i32>} : memref<80x64xf32, #tpu.memory_space<vmem>>, vector<1x16xf32>,
          %swap3A_455 = vector.shape_cast %swap3A_454 : vector<1x16xf32> to vector<16xf32>
          %swap3A_456 = vector.shape_cast %add3A_451 : vector<16xf32> to vector<1x16xf32>
          tpu.vector_store %arg14[%swap3A_452, %swap3A_453], %swap3A_456 {strides = array<i32>} : memref<80x64xf32, #tpu.memory_space<vmem>>, vector<1x16xf32>,
          %mul3A_457 = arith.constant 8 : i32
          %mul3A_458 = arith.muli %scan3A_98, %mul3A_457 : i32
          %add3A_459 = arith.constant 6 : i32
          %add3A_460 = arith.addi %mul3A_458, %add3A_459 : i32
          %get3A_461 = arith.index_cast %add3A_460 : i32 to index
          %get3A_462 = arith.constant 0 : index
          %get3A_463 = tpu.vector_load %arg12[%get3A_461, %get3A_462] {strides = array<i32>} : memref<80x64xf32, #tpu.memory_space<vmem>>, vector<1x16xf32>,
          %get3A_464 = vector.shape_cast %get3A_463 : vector<1x16xf32> to vector<16xf32>
          %get3A_465 = arith.index_cast %add3A_460 : i32 to index
          %get3A_466 = arith.constant 0 : index
          %get3A_467 = tpu.vector_load %arg13[%get3A_465, %get3A_466] {strides = array<i32>} : memref<80x64xf32, #tpu.memory_space<vmem>>, vector<1x16xf32>,
          %get3A_468 = vector.shape_cast %get3A_467 : vector<1x16xf32> to vector<16xf32>
          %add3A_469 = arith.addf %get3A_464, %get3A_468 : vector<16xf32>
          %swap3A_470 = arith.index_cast %add3A_460 : i32 to index
          %swap3A_471 = arith.constant 0 : index
          %swap3A_472 = tpu.vector_load %arg14[%swap3A_470, %swap3A_471] {strides = array<i32>} : memref<80x64xf32, #tpu.memory_space<vmem>>, vector<1x16xf32>,
          %swap3A_473 = vector.shape_cast %swap3A_472 : vector<1x16xf32> to vector<16xf32>
          %swap3A_474 = vector.shape_cast %add3A_469 : vector<16xf32> to vector<1x16xf32>
          tpu.vector_store %arg14[%swap3A_470, %swap3A_471], %swap3A_474 {strides = array<i32>} : memref<80x64xf32, #tpu.memory_space<vmem>>, vector<1x16xf32>,
          %get3A_475 = arith.index_cast %add3A_460 : i32 to index
          %get3A_476 = arith.constant 16 : index
          %get3A_477 = tpu.vector_load %arg12[%get3A_475, %get3A_476] {strides = array<i32>} : memref<80x64xf32, #tpu.memory_space<vmem>>, vector<1x16xf32>,
          %get3A_478 = vector.shape_cast %get3A_477 : vector<1x16xf32> to vector<16xf32>
          %get3A_479 = arith.index_cast %add3A_460 : i32 to index
          %get3A_480 = arith.constant 16 : index
          %get3A_481 = tpu.vector_load %arg13[%get3A_479, %get3A_480] {strides = array<i32>} : memref<80x64xf32, #tpu.memory_space<vmem>>, vector<1x16xf32>,
          %get3A_482 = vector.shape_cast %get3A_481 : vector<1x16xf32> to vector<16xf32>
          %add3A_483 = arith.addf %get3A_478, %get3A_482 : vector<16xf32>
          %swap3A_484 = arith.index_cast %add3A_460 : i32 to index
          %swap3A_485 = arith.constant 16 : index
          %swap3A_486 = tpu.vector_load %arg14[%swap3A_484, %swap3A_485] {strides = array<i32>} : memref<80x64xf32, #tpu.memory_space<vmem>>, vector<1x16xf32>,
          %swap3A_487 = vector.shape_cast %swap3A_486 : vector<1x16xf32> to vector<16xf32>
          %swap3A_488 = vector.shape_cast %add3A_483 : vector<16xf32> to vector<1x16xf32>
          tpu.vector_store %arg14[%swap3A_484, %swap3A_485], %swap3A_488 {strides = array<i32>} : memref<80x64xf32, #tpu.memory_space<vmem>>, vector<1x16xf32>,
          %get3A_489 = arith.index_cast %add3A_460 : i32 to index
          %get3A_490 = arith.constant 32 : index
          %get3A_491 = tpu.vector_load %arg12[%get3A_489, %get3A_490] {strides = array<i32>} : memref<80x64xf32, #tpu.memory_space<vmem>>, vector<1x16xf32>,
          %get3A_492 = vector.shape_cast %get3A_491 : vector<1x16xf32> to vector<16xf32>
          %get3A_493 = arith.index_cast %add3A_460 : i32 to index
          %get3A_494 = arith.constant 32 : index
          %get3A_495 = tpu.vector_load %arg13[%get3A_493, %get3A_494] {strides = array<i32>} : memref<80x64xf32, #tpu.memory_space<vmem>>, vector<1x16xf32>,
          %get3A_496 = vector.shape_cast %get3A_495 : vector<1x16xf32> to vector<16xf32>
          %add3A_497 = arith.addf %get3A_492, %get3A_496 : vector<16xf32>
          %swap3A_498 = arith.index_cast %add3A_460 : i32 to index
          %swap3A_499 = arith.constant 32 : index
          %swap3A_500 = tpu.vector_load %arg14[%swap3A_498, %swap3A_499] {strides = array<i32>} : memref<80x64xf32, #tpu.memory_space<vmem>>, vector<1x16xf32>,
          %swap3A_501 = vector.shape_cast %swap3A_500 : vector<1x16xf32> to vector<16xf32>
          %swap3A_502 = vector.shape_cast %add3A_497 : vector<16xf32> to vector<1x16xf32>
          tpu.vector_store %arg14[%swap3A_498, %swap3A_499], %swap3A_502 {strides = array<i32>} : memref<80x64xf32, #tpu.memory_space<vmem>>, vector<1x16xf32>,
          %get3A_503 = arith.index_cast %add3A_460 : i32 to index
          %get3A_504 = arith.constant 48 : index
          %get3A_505 = tpu.vector_load %arg12[%get3A_503, %get3A_504] {strides = array<i32>} : memref<80x64xf32, #tpu.memory_space<vmem>>, vector<1x16xf32>,
          %get3A_506 = vector.shape_cast %get3A_505 : vector<1x16xf32> to vector<16xf32>
          %get3A_507 = arith.index_cast %add3A_460 : i32 to index
          %get3A_508 = arith.constant 48 : index
          %get3A_509 = tpu.vector_load %arg13[%get3A_507, %get3A_508] {strides = array<i32>} : memref<80x64xf32, #tpu.memory_space<vmem>>, vector<1x16xf32>,
          %get3A_510 = vector.shape_cast %get3A_509 : vector<1x16xf32> to vector<16xf32>
          %add3A_511 = arith.addf %get3A_506, %get3A_510 : vector<16xf32>
          %swap3A_512 = arith.index_cast %add3A_460 : i32 to index
          %swap3A_513 = arith.constant 48 : index
          %swap3A_514 = tpu.vector_load %arg14[%swap3A_512, %swap3A_513] {strides = array<i32>} : memref<80x64xf32, #tpu.memory_space<vmem>>, vector<1x16xf32>,
          %swap3A_515 = vector.shape_cast %swap3A_514 : vector<1x16xf32> to vector<16xf32>
          %swap3A_516 = vector.shape_cast %add3A_511 : vector<16xf32> to vector<1x16xf32>
          tpu.vector_store %arg14[%swap3A_512, %swap3A_513], %swap3A_516 {strides = array<i32>} : memref<80x64xf32, #tpu.memory_space<vmem>>, vector<1x16xf32>,
          %mul3A_517 = arith.constant 8 : i32
          %mul3A_518 = arith.muli %scan3A_98, %mul3A_517 : i32
          %add3A_519 = arith.constant 7 : i32
          %add3A_520 = arith.addi %mul3A_518, %add3A_519 : i32
          %get3A_521 = arith.index_cast %add3A_520 : i32 to index
          %get3A_522 = arith.constant 0 : index
          %get3A_523 = tpu.vector_load %arg12[%get3A_521, %get3A_522] {strides = array<i32>} : memref<80x64xf32, #tpu.memory_space<vmem>>, vector<1x16xf32>,
          %get3A_524 = vector.shape_cast %get3A_523 : vector<1x16xf32> to vector<16xf32>
          %get3A_525 = arith.index_cast %add3A_520 : i32 to index
          %get3A_526 = arith.constant 0 : index
          %get3A_527 = tpu.vector_load %arg13[%get3A_525, %get3A_526] {strides = array<i32>} : memref<80x64xf32, #tpu.memory_space<vmem>>, vector<1x16xf32>,
          %get3A_528 = vector.shape_cast %get3A_527 : vector<1x16xf32> to vector<16xf32>
          %add3A_529 = arith.addf %get3A_524, %get3A_528 : vector<16xf32>
          %swap3A_530 = arith.index_cast %add3A_520 : i32 to index
          %swap3A_531 = arith.constant 0 : index
          %swap3A_532 = tpu.vector_load %arg14[%swap3A_530, %swap3A_531] {strides = array<i32>} : memref<80x64xf32, #tpu.memory_space<vmem>>, vector<1x16xf32>,
          %swap3A_533 = vector.shape_cast %swap3A_532 : vector<1x16xf32> to vector<16xf32>
          %swap3A_534 = vector.shape_cast %add3A_529 : vector<16xf32> to vector<1x16xf32>
          tpu.vector_store %arg14[%swap3A_530, %swap3A_531], %swap3A_534 {strides = array<i32>} : memref<80x64xf32, #tpu.memory_space<vmem>>, vector<1x16xf32>,
          %get3A_535 = arith.index_cast %add3A_520 : i32 to index
          %get3A_536 = arith.constant 16 : index
          %get3A_537 = tpu.vector_load %arg12[%get3A_535, %get3A_536] {strides = array<i32>} : memref<80x64xf32, #tpu.memory_space<vmem>>, vector<1x16xf32>,
          %get3A_538 = vector.shape_cast %get3A_537 : vector<1x16xf32> to vector<16xf32>
          %get3A_539 = arith.index_cast %add3A_520 : i32 to index
          %get3A_540 = arith.constant 16 : index
          %get3A_541 = tpu.vector_load %arg13[%get3A_539, %get3A_540] {strides = array<i32>} : memref<80x64xf32, #tpu.memory_space<vmem>>, vector<1x16xf32>,
          %get3A_542 = vector.shape_cast %get3A_541 : vector<1x16xf32> to vector<16xf32>
          %add3A_543 = arith.addf %get3A_538, %get3A_542 : vector<16xf32>
          %swap3A_544 = arith.index_cast %add3A_520 : i32 to index
          %swap3A_545 = arith.constant 16 : index
          %swap3A_546 = tpu.vector_load %arg14[%swap3A_544, %swap3A_545] {strides = array<i32>} : memref<80x64xf32, #tpu.memory_space<vmem>>, vector<1x16xf32>,
          %swap3A_547 = vector.shape_cast %swap3A_546 : vector<1x16xf32> to vector<16xf32>
          %swap3A_548 = vector.shape_cast %add3A_543 : vector<16xf32> to vector<1x16xf32>
          tpu.vector_store %arg14[%swap3A_544, %swap3A_545], %swap3A_548 {strides = array<i32>} : memref<80x64xf32, #tpu.memory_space<vmem>>, vector<1x16xf32>,
          %get3A_549 = arith.index_cast %add3A_520 : i32 to index
          %get3A_550 = arith.constant 32 : index
          %get3A_551 = tpu.vector_load %arg12[%get3A_549, %get3A_550] {strides = array<i32>} : memref<80x64xf32, #tpu.memory_space<vmem>>, vector<1x16xf32>,
          %get3A_552 = vector.shape_cast %get3A_551 : vector<1x16xf32> to vector<16xf32>
          %get3A_553 = arith.index_cast %add3A_520 : i32 to index
          %get3A_554 = arith.constant 32 : index
          %get3A_555 = tpu.vector_load %arg13[%get3A_553, %get3A_554] {strides = array<i32>} : memref<80x64xf32, #tpu.memory_space<vmem>>, vector<1x16xf32>,
          %get3A_556 = vector.shape_cast %get3A_555 : vector<1x16xf32> to vector<16xf32>
          %add3A_557 = arith.addf %get3A_552, %get3A_556 : vector<16xf32>
          %swap3A_558 = arith.index_cast %add3A_520 : i32 to index
          %swap3A_559 = arith.constant 32 : index
          %swap3A_560 = tpu.vector_load %arg14[%swap3A_558, %swap3A_559] {strides = array<i32>} : memref<80x64xf32, #tpu.memory_space<vmem>>, vector<1x16xf32>,
          %swap3A_561 = vector.shape_cast %swap3A_560 : vector<1x16xf32> to vector<16xf32>
          %swap3A_562 = vector.shape_cast %add3A_557 : vector<16xf32> to vector<1x16xf32>
          tpu.vector_store %arg14[%swap3A_558, %swap3A_559], %swap3A_562 {strides = array<i32>} : memref<80x64xf32, #tpu.memory_space<vmem>>, vector<1x16xf32>,
          %get3A_563 = arith.index_cast %add3A_520 : i32 to index
          %get3A_564 = arith.constant 48 : index
          %get3A_565 = tpu.vector_load %arg12[%get3A_563, %get3A_564] {strides = array<i32>} : memref<80x64xf32, #tpu.memory_space<vmem>>, vector<1x16xf32>,
          %get3A_566 = vector.shape_cast %get3A_565 : vector<1x16xf32> to vector<16xf32>
          %get3A_567 = arith.index_cast %add3A_520 : i32 to index
          %get3A_568 = arith.constant 48 : index
          %get3A_569 = tpu.vector_load %arg13[%get3A_567, %get3A_568] {strides = array<i32>} : memref<80x64xf32, #tpu.memory_space<vmem>>, vector<1x16xf32>,
          %get3A_570 = vector.shape_cast %get3A_569 : vector<1x16xf32> to vector<16xf32>
          %add3A_571 = arith.addf %get3A_566, %get3A_570 : vector<16xf32>
          %swap3A_572 = arith.index_cast %add3A_520 : i32 to index
          %swap3A_573 = arith.constant 48 : index
          %swap3A_574 = tpu.vector_load %arg14[%swap3A_572, %swap3A_573] {strides = array<i32>} : memref<80x64xf32, #tpu.memory_space<vmem>>, vector<1x16xf32>,
          %swap3A_575 = vector.shape_cast %swap3A_574 : vector<1x16xf32> to vector<16xf32>
          %swap3A_576 = vector.shape_cast %add3A_571 : vector<16xf32> to vector<1x16xf32>
          tpu.vector_store %arg14[%swap3A_572, %swap3A_573], %swap3A_576 {strides = array<i32>} : memref<80x64xf32, #tpu.memory_space<vmem>>, vector<1x16xf32>,
        }
        %scan3A_86 = arith.constant 10 : i32
        %dma_start3A_87 = arith.constant 0 : i32
        %dma_start3A_88 = tpu.memref_slice %arg6[%add3A_64, %dma_start3A_87] : memref<320000x64xf32, #tpu.memory_space<hbm>> -> memref<80x64xf32, #tpu.memory_space<hbm>>
        %dma_start3A_89 = arith.constant 0 : i32
        %dma_start3A_90 = tpu.memref_slice %arg6[%add3A_64, %dma_start3A_89] : memref<320000x64xf32, #tpu.memory_space<hbm>> -> memref<80x64xf32, #tpu.memory_space<hbm>>
        tpu.enqueue_dma source(%arg14 : memref<80x64xf32, #tpu.memory_space<vmem>>) target(%dma_start3A_90 : memref<80x64xf32, #tpu.memory_space<hbm>>) target_semaphore(%arg19 : memref<!tpu.dma_semaphore, #tpu.memory_space<semaphore_mem>>)
        %add3A_91 = arith.constant 2 : i32
        %add3A_92 = arith.addi %add3A_56, %add3A_91 : i32
        %lt3A_93 = arith.constant 125 : i32
        %lt3A_94 = arith.cmpi slt, %add3A_92, %lt3A_93 : i32
        %convert_element_type3A_95 = arith.extui %lt3A_94 : i1 to i32
        %cond3A_96 = arith.constant 0 : i32
        %cond3A_97 = arith.cmpi ne, %convert_element_type3A_95, %cond3A_96 : i32
        scf.if %cond3A_97 {
          %add3A_98 = arith.constant 2 : i32
          %add3A_99 = arith.addi %add3A_56, %add3A_98 : i32
          %mul3A_100 = arith.constant 80 : i32
          %mul3A_101 = arith.muli %add3A_99, %mul3A_100 : i32
          %mul3A_102 = arith.constant 80 : i32
          %mul3A_103 = arith.muli %add3A_99, %mul3A_102 : i32
          %dma_start3A_104 = tpu.memref_slice %arg7[%mul3A_101] : memref<10000xi32, #tpu.memory_space<vmem>> -> memref<80xi32, #tpu.memory_space<vmem>>
          %dma_start3A_105 = arith.constant 0 : i32
          %dma_start3A_106 = arith.constant 0 : i32
          %dma_start3A_107 = tpu.memref_slice %arg2[%dma_start3A_105, %dma_start3A_106] : memref<10000x64xf32, #tpu.memory_space<hbm>> -> memref<10000x64xf32, #tpu.memory_space<hbm>>
          tpu.enqueue_indirect_dma source(%dma_start3A_107 : memref<10000x64xf32, #tpu.memory_space<hbm>>) target(%arg12 : memref<80x64xf32, #tpu.memory_space<vmem>>) offsets(%dma_start3A_104 : memref<80xi32, #tpu.memory_space<vmem>>) semaphore(%arg17 : memref<!tpu.dma_semaphore, #tpu.memory_space<semaphore_mem>>)
          %dma_start3A_108 = tpu.memref_slice %arg8[%mul3A_103] : memref<10000xi32, #tpu.memory_space<vmem>> -> memref<80xi32, #tpu.memory_space<vmem>>
          %dma_start3A_109 = arith.constant 0 : i32
          %dma_start3A_110 = arith.constant 0 : i32
          %dma_start3A_111 = tpu.memref_slice %arg3[%dma_start3A_109, %dma_start3A_110] : memref<10000x64xf32, #tpu.memory_space<hbm>> -> memref<10000x64xf32, #tpu.memory_space<hbm>>
          tpu.enqueue_indirect_dma source(%dma_start3A_111 : memref<10000x64xf32, #tpu.memory_space<hbm>>) target(%arg13 : memref<80x64xf32, #tpu.memory_space<vmem>>) offsets(%dma_start3A_108 : memref<80xi32, #tpu.memory_space<vmem>>) semaphore(%arg17 : memref<!tpu.dma_semaphore, #tpu.memory_space<semaphore_mem>>)
        } else {
        }
      } else {
      }
    }
    %scan3A_33 = arith.constant 63 : i32
    %dma_wait3A_34 = arith.constant 0 : i32
    %dma_wait3A_35 = arith.constant 0 : i32
    %dma_wait3A_36 = tpu.memref_slice %arg6[%dma_wait3A_34, %dma_wait3A_35] : memref<320000x64xf32, #tpu.memory_space<hbm>> -> memref<80x64xf32, #tpu.memory_space<hbm>>
    %dma_wait3A_37 = arith.constant 0 : i32
    %dma_wait3A_38 = arith.constant 0 : i32
    %dma_wait3A_39 = tpu.memref_slice %arg6[%dma_wait3A_37, %dma_wait3A_38] : memref<320000x64xf32, #tpu.memory_space<hbm>> -> memref<80x64xf32, #tpu.memory_space<hbm>>
    tpu.wait_dma2 semaphore(%arg18 : memref<!tpu.dma_semaphore, #tpu.memory_space<semaphore_mem>>) src(%arg11 : memref<80x64xf32, #tpu.memory_space<vmem>>) dst(%dma_wait3A_39 : memref<80x64xf32, #tpu.memory_space<hbm>>)
    %dma_wait3A_40 = arith.constant 0 : i32
    %dma_wait3A_41 = arith.constant 0 : i32
    %dma_wait3A_42 = tpu.memref_slice %arg6[%dma_wait3A_40, %dma_wait3A_41] : memref<320000x64xf32, #tpu.memory_space<hbm>> -> memref<80x64xf32, #tpu.memory_space<hbm>>
    %dma_wait3A_43 = arith.constant 0 : i32
    %dma_wait3A_44 = arith.constant 0 : i32
    %dma_wait3A_45 = tpu.memref_slice %arg6[%dma_wait3A_43, %dma_wait3A_44] : memref<320000x64xf32, #tpu.memory_space<hbm>> -> memref<80x64xf32, #tpu.memory_space<hbm>>
    tpu.wait_dma2 semaphore(%arg19 : memref<!tpu.dma_semaphore, #tpu.memory_space<semaphore_mem>>) src(%arg14 : memref<80x64xf32, #tpu.memory_space<vmem>>) dst(%dma_wait3A_45 : memref<80x64xf32, #tpu.memory_space<hbm>>)
    return
  }
}

module attributes {stable_mosaic.version = 14 : i64} {
  func.func @_pre_body(%arg0: memref<10000x128xf32, #tpu.memory_space<vmem>>, %arg1: memref<128x64xf32, #tpu.memory_space<vmem>>, %arg2: memref<128x64xf32, #tpu.memory_space<vmem>>, %arg3: memref<10000x64xf32, #tpu.memory_space<vmem>>, %arg4: memref<10000x64xf32, #tpu.memory_space<vmem>>) attributes {dimension_semantics = [], scalar_prefetch = 0 : i64, scratch_operands = 0 : i64, tpu.core_type = #tpu.core_type<tc>} {
    %get3A = arith.constant 0 : index
    %get3A_0 = arith.constant 0 : index
    %get3A_1 = vector.load %arg0[%get3A, %get3A_0] : memref<10000x128xf32, #tpu.memory_space<vmem>>, vector<10000x128xf32>
    %get3A_2 = arith.constant 0 : index
    %get3A_3 = arith.constant 0 : index
    %get3A_4 = vector.load %arg1[%get3A_2, %get3A_3] : memref<128x64xf32, #tpu.memory_space<vmem>>, vector<128x64xf32>
    %dot_general3A = arith.constant dense<0.000000e+00> : vector<10000x64xf32>
    %dot_general3A_5 = tpu.matmul %get3A_1, %get3A_4, %dot_general3A {dimension_numbers = #tpu.dot_dimension_numbers<[1], [0], [0], [1], [0, 0, 1, 1], [], []>, transpose_lhs_hint = false} : vector<10000x128xf32>, vector<128x64xf32>, vector<10000x64xf32> -> vector<10000x64xf32>
    %swap3A = arith.constant 0 : index
    %swap3A_6 = arith.constant 0 : index
    %swap3A_7 = vector.load %arg3[%swap3A, %swap3A_6] : memref<10000x64xf32, #tpu.memory_space<vmem>>, vector<10000x64xf32>
    tpu.vector_store %arg3[%swap3A, %swap3A_6], %dot_general3A_5 {strides = array<i32>} : memref<10000x64xf32, #tpu.memory_space<vmem>>, vector<10000x64xf32>,
    %get3A_8 = arith.constant 0 : index
    %get3A_9 = arith.constant 0 : index
    %get3A_10 = vector.load %arg2[%get3A_8, %get3A_9] : memref<128x64xf32, #tpu.memory_space<vmem>>, vector<128x64xf32>
    %dot_general3A_11 = arith.constant dense<0.000000e+00> : vector<10000x64xf32>
    %dot_general3A_12 = tpu.matmul %get3A_1, %get3A_10, %dot_general3A_11 {dimension_numbers = #tpu.dot_dimension_numbers<[1], [0], [0], [1], [0, 0, 1, 1], [], []>, transpose_lhs_hint = false} : vector<10000x128xf32>, vector<128x64xf32>, vector<10000x64xf32> -> vector<10000x64xf32>
    %swap3A_13 = arith.constant 0 : index
    %swap3A_14 = arith.constant 0 : index
    %swap3A_15 = vector.load %arg4[%swap3A_13, %swap3A_14] : memref<10000x64xf32, #tpu.memory_space<vmem>>, vector<10000x64xf32>
    tpu.vector_store %arg4[%swap3A_13, %swap3A_14], %dot_general3A_12 {strides = array<i32>} : memref<10000x64xf32, #tpu.memory_space<vmem>>, vector<10000x64xf32>,
    return
  }
}

module attributes {stable_mosaic.version = 14 : i64} {
  func.func @_edge_body(%arg0: i32, %arg1: memref<4000x128xf32, #tpu.memory_space<vmem>>, %arg2: memref<4000x32xbf16, #tpu.memory_space<vmem>>, %arg3: memref<4000x32xbf16, #tpu.memory_space<vmem>>, %arg4: memref<32x128xbf16, #tpu.memory_space<vmem>>, %arg5: memref<32x128xbf16, #tpu.memory_space<vmem>>, %arg6: memref<1x128xf32, #tpu.memory_space<vmem>>, %arg7: memref<128x32xf32, #tpu.memory_space<vmem>>, %arg8: memref<1x32xf32, #tpu.memory_space<vmem>>, %arg9: memref<4000x32xf32, #tpu.memory_space<vmem>>) attributes {dimension_semantics = [#tpu.dimension_semantics<arbitrary>], iteration_bounds = array<i64: 40>, scalar_prefetch = 0 : i64, scratch_operands = 0 : i64, tpu.core_type = #tpu.core_type<tc>, window_params = [{transform_indices = @transform_0, window_bounds = array<i64: 4000, 128>}, {transform_indices = @transform_1, window_bounds = array<i64: 4000, 32>}, {transform_indices = @transform_2, window_bounds = array<i64: 4000, 32>}, {pipeline_mode = #tpu.pipeline_mode<synchronous>, transform_indices = @transform_3, window_bounds = array<i64: 32, 128>}, {pipeline_mode = #tpu.pipeline_mode<synchronous>, transform_indices = @transform_4, window_bounds = array<i64: 32, 128>}, {pipeline_mode = #tpu.pipeline_mode<synchronous>, transform_indices = @transform_5, window_bounds = array<i64: 1, 128>}, {pipeline_mode = #tpu.pipeline_mode<synchronous>, transform_indices = @transform_6, window_bounds = array<i64: 128, 32>}, {pipeline_mode = #tpu.pipeline_mode<synchronous>, transform_indices = @transform_7, window_bounds = array<i64: 1, 32>}, {transform_indices = @transform_8, window_bounds = array<i64: 4000, 32>}]} {
    %get3A = arith.constant 0 : index
    %get3A_0 = arith.constant 0 : index
    %get3A_1 = vector.load %arg2[%get3A, %get3A_0] : memref<4000x32xbf16, #tpu.memory_space<vmem>>, vector<4000x32xbf16>
    %get3A_2 = arith.constant 0 : index
    %get3A_3 = arith.constant 0 : index
    %get3A_4 = vector.load %arg4[%get3A_2, %get3A_3] : memref<32x128xbf16, #tpu.memory_space<vmem>>, vector<32x128xbf16>
    %dot_general3A = arith.constant dense<0.000000e+00> : vector<4000x128xf32>
    %dot_general3A_5 = tpu.matmul %get3A_1, %get3A_4, %dot_general3A {dimension_numbers = #tpu.dot_dimension_numbers<[1], [0], [0], [1], [0, 0, 1, 1], [], []>, transpose_lhs_hint = false} : vector<4000x32xbf16>, vector<32x128xbf16>, vector<4000x128xf32> -> vector<4000x128xf32>
    %get3A_6 = arith.constant 0 : index
    %get3A_7 = arith.constant 0 : index
    %get3A_8 = vector.load %arg3[%get3A_6, %get3A_7] : memref<4000x32xbf16, #tpu.memory_space<vmem>>, vector<4000x32xbf16>
    %get3A_9 = arith.constant 0 : index
    %get3A_10 = arith.constant 0 : index
    %get3A_11 = vector.load %arg5[%get3A_9, %get3A_10] : memref<32x128xbf16, #tpu.memory_space<vmem>>, vector<32x128xbf16>
    %dot_general3A_12 = arith.constant dense<0.000000e+00> : vector<4000x128xf32>
    %dot_general3A_13 = tpu.matmul %get3A_8, %get3A_11, %dot_general3A_12 {dimension_numbers = #tpu.dot_dimension_numbers<[1], [0], [0], [1], [0, 0, 1, 1], [], []>, transpose_lhs_hint = false} : vector<4000x32xbf16>, vector<32x128xbf16>, vector<4000x128xf32> -> vector<4000x128xf32>
    %add3A = arith.addf %dot_general3A_5, %dot_general3A_13 : vector<4000x128xf32>
    %get3A_14 = arith.constant 0 : index
    %get3A_15 = arith.constant 0 : index
    %get3A_16 = vector.load %arg1[%get3A_14, %get3A_15] : memref<4000x128xf32, #tpu.memory_space<vmem>>, vector<4000x128xf32>
    %add3A_17 = arith.addf %get3A_16, %add3A : vector<4000x128xf32>
    %get3A_18 = arith.constant 0 : index
    %get3A_19 = arith.constant 0 : index
    %get3A_20 = vector.load %arg6[%get3A_18, %get3A_19] : memref<1x128xf32, #tpu.memory_space<vmem>>, vector<1x128xf32>
    %add3A_21 = vector.broadcast %get3A_20 : vector<1x128xf32> to vector<4000x128xf32>
    %add3A_22 = arith.addf %add3A_17, %add3A_21 : vector<4000x128xf32>
    %mul3A = arith.constant 5.000000e-01 : f32
    %mul3A_23 = vector.broadcast %mul3A : f32 to vector<4000x128xf32>
    %mul3A_24 = arith.mulf %mul3A_23, %add3A_22 : vector<4000x128xf32>
    %mul3A_25 = arith.constant 0.707106769 : f32
    %mul3A_26 = vector.broadcast %mul3A_25 : f32 to vector<4000x128xf32>
    %mul3A_27 = arith.mulf %add3A_22, %mul3A_26 : vector<4000x128xf32>
    %erf3A = math.erf %mul3A_27 : vector<4000x128xf32>
    %add3A_28 = arith.constant 1.000000e+00 : f32
    %add3A_29 = vector.broadcast %add3A_28 : f32 to vector<4000x128xf32>
    %add3A_30 = arith.addf %add3A_29, %erf3A : vector<4000x128xf32>
    %mul3A_31 = arith.mulf %mul3A_24, %add3A_30 : vector<4000x128xf32>
    %get3A_32 = arith.constant 0 : index
    %get3A_33 = arith.constant 0 : index
    %get3A_34 = vector.load %arg7[%get3A_32, %get3A_33] : memref<128x32xf32, #tpu.memory_space<vmem>>, vector<128x32xf32>
    %dot_general3A_35 = arith.constant dense<0.000000e+00> : vector<4000x32xf32>
    %dot_general3A_36 = tpu.matmul %mul3A_31, %get3A_34, %dot_general3A_35 {dimension_numbers = #tpu.dot_dimension_numbers<[1], [0], [0], [1], [0, 0, 1, 1], [], []>, transpose_lhs_hint = false} : vector<4000x128xf32>, vector<128x32xf32>, vector<4000x32xf32> -> vector<4000x32xf32>
    %get3A_37 = arith.constant 0 : index
    %get3A_38 = arith.constant 0 : index
    %get3A_39 = vector.load %arg8[%get3A_37, %get3A_38] : memref<1x32xf32, #tpu.memory_space<vmem>>, vector<1x32xf32>
    %add3A_40 = vector.broadcast %get3A_39 : vector<1x32xf32> to vector<4000x32xf32>
    %add3A_41 = arith.addf %dot_general3A_36, %add3A_40 : vector<4000x32xf32>
    %swap3A = arith.constant 0 : index
    %swap3A_42 = arith.constant 0 : index
    %swap3A_43 = vector.load %arg9[%swap3A, %swap3A_42] : memref<4000x32xf32, #tpu.memory_space<vmem>>, vector<4000x32xf32>
    tpu.vector_store %arg9[%swap3A, %swap3A_42], %add3A_41 {strides = array<i32>} : memref<4000x32xf32, #tpu.memory_space<vmem>>, vector<4000x32xf32>,
    return
  }
  func.func @transform_0(%arg0: i32) -> (i32, i32) {
    %c0_i32 = arith.constant 0 : i32
    %c0_i32_0 = arith.constant 0 : i32
    return %arg0, %c0_i32 : i32, i32
  }
  func.func @transform_1(%arg0: i32) -> (i32, i32) {
    %c0_i32 = arith.constant 0 : i32
    %c0_i32_0 = arith.constant 0 : i32
    return %arg0, %c0_i32 : i32, i32
  }
  func.func @transform_2(%arg0: i32) -> (i32, i32) {
    %c0_i32 = arith.constant 0 : i32
    %c0_i32_0 = arith.constant 0 : i32
    return %arg0, %c0_i32 : i32, i32
  }
  func.func @transform_3(%arg0: i32) -> (i32, i32) {
    %c0_i32 = arith.constant 0 : i32
    %c0_i32_0 = arith.constant 0 : i32
    %c0_i32_1 = arith.constant 0 : i32
    return %c0_i32, %c0_i32_0 : i32, i32
  }
  func.func @transform_4(%arg0: i32) -> (i32, i32) {
    %c0_i32 = arith.constant 0 : i32
    %c0_i32_0 = arith.constant 0 : i32
    %c0_i32_1 = arith.constant 0 : i32
    return %c0_i32, %c0_i32_0 : i32, i32
  }
  func.func @transform_5(%arg0: i32) -> (i32, i32) {
    %c0_i32 = arith.constant 0 : i32
    %c0_i32_0 = arith.constant 0 : i32
    %c0_i32_1 = arith.constant 0 : i32
    return %c0_i32, %c0_i32_0 : i32, i32
  }
  func.func @transform_6(%arg0: i32) -> (i32, i32) {
    %c0_i32 = arith.constant 0 : i32
    %c0_i32_0 = arith.constant 0 : i32
    %c0_i32_1 = arith.constant 0 : i32
    return %c0_i32, %c0_i32_0 : i32, i32
  }
  func.func @transform_7(%arg0: i32) -> (i32, i32) {
    %c0_i32 = arith.constant 0 : i32
    %c0_i32_0 = arith.constant 0 : i32
    %c0_i32_1 = arith.constant 0 : i32
    return %c0_i32, %c0_i32_0 : i32, i32
  }
  func.func @transform_8(%arg0: i32) -> (i32, i32) {
    %c0_i32 = arith.constant 0 : i32
    %c0_i32_0 = arith.constant 0 : i32
    return %arg0, %c0_i32 : i32, i32
  }
}

module attributes {stable_mosaic.version = 14 : i64} {
  func.func @_node_body(%arg0: memref<10000x128xf32, #tpu.memory_space<vmem>>, %arg1: memref<2x10000x16xf32, #tpu.memory_space<vmem>>, %arg2: memref<128x64xf32, #tpu.memory_space<vmem>>, %arg3: memref<16x64xf32, #tpu.memory_space<vmem>>, %arg4: memref<1x64xf32, #tpu.memory_space<vmem>>, %arg5: memref<64x128xf32, #tpu.memory_space<vmem>>, %arg6: memref<1x128xf32, #tpu.memory_space<vmem>>, %arg7: memref<10000x128xf32, #tpu.memory_space<vmem>>) attributes {dimension_semantics = [], scalar_prefetch = 0 : i64, scratch_operands = 0 : i64, tpu.core_type = #tpu.core_type<tc>} {
    %get3A = arith.constant 0 : index
    %get3A_0 = arith.constant 0 : index
    %get3A_1 = arith.constant 0 : index
    %get3A_2 = vector.load %arg1[%get3A, %get3A_0, %get3A_1] : memref<2x10000x16xf32, #tpu.memory_space<vmem>>, vector<1x10000x16xf32>
    %get3A_3 = vector.shape_cast %get3A_2 : vector<1x10000x16xf32> to vector<10000x16xf32>
    %get3A_4 = arith.constant 1 : index
    %get3A_5 = arith.constant 0 : index
    %get3A_6 = arith.constant 0 : index
    %get3A_7 = vector.load %arg1[%get3A_4, %get3A_5, %get3A_6] : memref<2x10000x16xf32, #tpu.memory_space<vmem>>, vector<1x10000x16xf32>
    %get3A_8 = vector.shape_cast %get3A_7 : vector<1x10000x16xf32> to vector<10000x16xf32>
    %add3A = arith.addf %get3A_3, %get3A_8 : vector<10000x16xf32>
    %get3A_9 = arith.constant 0 : index
    %get3A_10 = arith.constant 0 : index
    %get3A_11 = vector.load %arg0[%get3A_9, %get3A_10] : memref<10000x128xf32, #tpu.memory_space<vmem>>, vector<10000x128xf32>
    %get3A_12 = arith.constant 0 : index
    %get3A_13 = arith.constant 0 : index
    %get3A_14 = vector.load %arg2[%get3A_12, %get3A_13] : memref<128x64xf32, #tpu.memory_space<vmem>>, vector<128x64xf32>
    %dot_general3A = arith.constant dense<0.000000e+00> : vector<10000x64xf32>
    %dot_general3A_15 = tpu.matmul %get3A_11, %get3A_14, %dot_general3A {dimension_numbers = #tpu.dot_dimension_numbers<[1], [0], [0], [1], [0, 0, 1, 1], [], []>, transpose_lhs_hint = false} : vector<10000x128xf32>, vector<128x64xf32>, vector<10000x64xf32> -> vector<10000x64xf32>
    %get3A_16 = arith.constant 0 : index
    %get3A_17 = arith.constant 0 : index
    %get3A_18 = vector.load %arg3[%get3A_16, %get3A_17] : memref<16x64xf32, #tpu.memory_space<vmem>>, vector<16x64xf32>
    %dot_general3A_19 = arith.constant dense<0.000000e+00> : vector<10000x64xf32>
    %dot_general3A_20 = tpu.matmul %add3A, %get3A_18, %dot_general3A_19 {dimension_numbers = #tpu.dot_dimension_numbers<[1], [0], [0], [1], [0, 0, 1, 1], [], []>, transpose_lhs_hint = false} : vector<10000x16xf32>, vector<16x64xf32>, vector<10000x64xf32> -> vector<10000x64xf32>
    %add3A_21 = arith.addf %dot_general3A_15, %dot_general3A_20 : vector<10000x64xf32>
    %get3A_22 = arith.constant 0 : index
    %get3A_23 = arith.constant 0 : index
    %get3A_24 = vector.load %arg4[%get3A_22, %get3A_23] : memref<1x64xf32, #tpu.memory_space<vmem>>, vector<1x64xf32>
    %add3A_25 = vector.broadcast %get3A_24 : vector<1x64xf32> to vector<10000x64xf32>
    %add3A_26 = arith.addf %add3A_21, %add3A_25 : vector<10000x64xf32>
    %mul3A = arith.constant 5.000000e-01 : f32
    %mul3A_27 = vector.broadcast %mul3A : f32 to vector<10000x64xf32>
    %mul3A_28 = arith.mulf %mul3A_27, %add3A_26 : vector<10000x64xf32>
    %mul3A_29 = arith.constant 0.707106769 : f32
    %mul3A_30 = vector.broadcast %mul3A_29 : f32 to vector<10000x64xf32>
    %mul3A_31 = arith.mulf %add3A_26, %mul3A_30 : vector<10000x64xf32>
    %erf3A = math.erf %mul3A_31 : vector<10000x64xf32>
    %add3A_32 = arith.constant 1.000000e+00 : f32
    %add3A_33 = vector.broadcast %add3A_32 : f32 to vector<10000x64xf32>
    %add3A_34 = arith.addf %add3A_33, %erf3A : vector<10000x64xf32>
    %mul3A_35 = arith.mulf %mul3A_28, %add3A_34 : vector<10000x64xf32>
    %get3A_36 = arith.constant 0 : index
    %get3A_37 = arith.constant 0 : index
    %get3A_38 = vector.load %arg5[%get3A_36, %get3A_37] : memref<64x128xf32, #tpu.memory_space<vmem>>, vector<64x128xf32>
    %dot_general3A_39 = arith.constant dense<0.000000e+00> : vector<10000x128xf32>
    %dot_general3A_40 = tpu.matmul %mul3A_35, %get3A_38, %dot_general3A_39 {dimension_numbers = #tpu.dot_dimension_numbers<[1], [0], [0], [1], [0, 0, 1, 1], [], []>, transpose_lhs_hint = false} : vector<10000x64xf32>, vector<64x128xf32>, vector<10000x128xf32> -> vector<10000x128xf32>
    %get3A_41 = arith.constant 0 : index
    %get3A_42 = arith.constant 0 : index
    %get3A_43 = vector.load %arg6[%get3A_41, %get3A_42] : memref<1x128xf32, #tpu.memory_space<vmem>>, vector<1x128xf32>
    %add3A_44 = vector.broadcast %get3A_43 : vector<1x128xf32> to vector<10000x128xf32>
    %add3A_45 = arith.addf %dot_general3A_40, %add3A_44 : vector<10000x128xf32>
    %swap3A = arith.constant 0 : index
    %swap3A_46 = arith.constant 0 : index
    %swap3A_47 = vector.load %arg7[%swap3A, %swap3A_46] : memref<10000x128xf32, #tpu.memory_space<vmem>>, vector<10000x128xf32>
    tpu.vector_store %arg7[%swap3A, %swap3A_46], %add3A_45 {strides = array<i32>} : memref<10000x128xf32, #tpu.memory_space<vmem>>, vector<10000x128xf32>,
    return
  }
}

</mosaic_0001>

<sc_bundles>
// kernel: kernel.10.cloned.1.call-start
scs
__scs_entry_jumppad:
0x0: {  	(pc) =	sbr.rel $0x88, $3  }
0x1: {  	(tag) =	ssettag $0x0;
	lr =	simm.s32 $0x1  }
0x2: {  	[smem:$0x3F95] =	sst lr;
	_ =	strace $0xD0000000  }
0x3: {  	_ = 	snop  }
0x4: {  	_ = 	snop  }
0x5: {  	_ = 	snop  }
0x6: {  	_ = 	snop  }
0x7: {  	_ = 	snop  }
__scs_overlays_trampoline_lowered:
0x8: {  	[smem:$0x3FA4] =	sst s0  }
0x9: {  	[smem:$0x3FA5] =	sst s1  }
0xa: {  	[smem:$0x3FA6] =	sst s2  }
0xb: {  	[smem:$0x3FA7] =	sst s3  }
0xc: {  	[smem:$0x3FA8] =	sst s4  }
0xd: {  	[smem:$0x3FA9] =	sst s5  }
0xe: {  	[smem:$0x3FAA] =	sst s6  }
0xf: {  	[smem:$0x3FAB] =	sst s7  }
0x10: {  	[smem:$0x3FAC] =	sst s8  }
0x11: {  	[smem:$0x3FAD] =	sst s9;
	s0 =	simm.s32 @!p0 $0x0  }
0x12: {  	s1 =	sld [smem:$0x3F93];
	s0 =	simm.s32 @p0 $0x1  }
0x13: {  	[smem:$0x3FAE] =	sst s0;
	s0 =	simm.s32 @!p1 $0x0  }
0x14: {  	s2 =	sld [smem:$0x3F92];
	s0 =	simm.s32 @p1 $0x1  }
0x15: {  	[smem:$0x3FAF] =	sst s0;
	s0 =	simm.s32 @!p2 $0x0  }
0x16: {  	s3 =	sld [smem:$0x3FDB];
	s0 =	simm.s32 @p2 $0x1  }
0x17: {  	s4 =	simm.s32 $0x1BF5;
	[smem:$0x3FB1] =	sst s0  }
0x18: {  	s0 =	sld [smem:$0x3F94];
	_ =	swait.ge [sflag:s4], $0x0  }
0x19: {  	s7 =	sld [smem:$0x3F95]  }
0x1a: {  	s8 =	sadd.s32 $0xFFFFE003, lr  }
0x1b: {  	s9 =	sadd.s32 $0xFFFFFEF7, lr;
	s5 =	simm.s32 $0xFFFFFFFF;
	p2 =	slt.u32 s8, $0xFFFFF086  }
0x1c: {  	p1 =	slt.u32 s9, $0xF7A;
	s5 =	simm.s32 @!p2 $0x0  }
0x1d: {  	s5 =	simm.s32 @p1 $0x1;
	p0 =	seq.s32 s7, s2  }
0x1e: {  	s7 =	smul.u32 @!p0 $0xF7A, s2;
	p2 =	seq.s32 @!p0 s5, $0x0  }
0x1f: {  	s9 =	smul.u32 $0xF7A, s1;
	s8 =	simm.s32 @!p0 $0x1BF5;
	p2 =	por !p2, p0  }
0x20: {  	[sflag:s8] =	ssyncset.s32 @!p0 $0xFFFFF086;
	s6 =	sadd.s32 @!p0 s3, s7;
	s7 =	simm.s32 @!p0 $0x108  }
0x21: {  	s3 =	sadd.s32 s3, s9;
	s6 =	sadd.s32 @!p0 $0x88, s6;
	s7 =	simm.s32 @p2 $0x1082  }
0x22: {  	[simem:s7], [sflag:s8] =	dma.local @!p0 [hbm:s6], $0xF7A  }
0x23: {  	s9 =	sor.u32 $0xD0000000, s2;
	s6 =	simm.s32 $0x108;
	_ =	swait.ge @!p0 [sflag:s8], $0x0  }
0x24: {  	s3 =	sadd.s32 $0x88, s3;
	s6 =	simm.s32 @!p1 $0x1082;
	[sflag:s4] =	ssyncset.s32 $0xFFFFF086  }
0x25: {  	[simem:s6], [sflag:s4] =	dma.local [hbm:s3], $0xF7A  }
0x26: {  	[smem:$0x3F95] =	sst s1;
	(tag) =	ssettag s2;
	_ =	strace s9  }
0x27: {  	s1 =	sld [smem:$0x3FA5]  }
0x28: {  	s2 =	sld [smem:$0x3FA6]  }
0x29: {  	s4 =	sld [smem:$0x3FA8]  }
0x2a: {  	p0 =	seq.s32 s5, $0x0;
	s5 =	sld [smem:$0x3FA9]  }
0x2b: {  	s6 =	sld [smem:$0x3FAA]  }
0x2c: {  	s7 =	sld [smem:$0x3FAB]  }
0x2d: {  	s3 =	simm.s32 $0x108;
	s8 =	sld [smem:$0x3FAC]  }
0x2e: {  	s3 =	simm.s32 @!p0 $0x1082;
	s9 =	sld [smem:$0x3FAD]  }
0x2f: {  	lr =	sadd.s32 s0, s3;
	s0 =	sld [smem:$0x3FA4]  }
0x30: {  	s3 =	sld [smem:$0x3FA7]  }
0x31: {  	[smem:$0x3FB0] =	sst s10  }
0x32: {  	s10 =	sld [smem:$0x3FAE];
	_ =	sdelay $0x3  }
0x33: {  	p0 =	seq.s32 s10, $0x1;
	s10 =	sld [smem:$0x3FB0];
	_ =	sdelay $0x3  }
0x34: {  	[smem:$0x3FB0] =	sst s10  }
0x35: {  	s10 =	sld [smem:$0x3FAF];
	_ =	sdelay $0x3  }
0x36: {  	p1 =	seq.s32 s10, $0x1;
	s10 =	sld [smem:$0x3FB0];
	_ =	sdelay $0x3  }
0x37: {  	[smem:$0x3FB0] =	sst s10  }
0x38: {  	s10 =	sld [smem:$0x3FB1]  }
0x39: {  	_ = 	snop;
	(pc) =	sbr.ind lr, $3  }
0x3a: {  	_ = 	snop  }
0x3b: {  	_ = 	snop  }
0x3c: {  	p2 =	seq.s32 s10, $0x1;
	s10 =	sld [smem:$0x3FB0]  }
0x3d: {  	_ =	shalt  }
0x3e: {  	_ =	shalt  }
0x3f: {  	_ =	shalt  }
0x40: {  	_ =	shalt  }
0x41: {  	_ =	shalt  }
0x42: {  	_ =	shalt  }
0x43: {  	_ =	shalt  }
0x44: {  	_ =	shalt  }
0x45: {  	_ =	shalt  }
0x46: {  	_ =	shalt  }
0x47: {  	_ =	shalt  }
0x48: {  	_ =	shalt  }
0x49: {  	_ =	shalt  }
0x4a: {  	_ =	shalt  }
0x4b: {  	_ =	shalt  }
0x4c: {  	_ =	shalt  }
0x4d: {  	_ =	shalt  }
0x4e: {  	_ =	shalt  }
0x4f: {  	_ =	shalt  }
0x50: {  	_ =	shalt  }
0x51: {  	_ =	shalt  }
0x52: {  	_ =	shalt  }
0x53: {  	_ =	shalt  }
0x54: {  	_ =	shalt  }
0x55: {  	_ =	shalt  }
0x56: {  	_ =	shalt  }
0x57: {  	_ =	shalt  }
0x58: {  	_ =	shalt  }
0x59: {  	_ =	shalt  }
0x5a: {  	_ =	shalt  }
0x5b: {  	_ =	shalt  }
0x5c: {  	_ =	shalt  }
0x5d: {  	_ =	shalt  }
0x5e: {  	_ =	shalt  }
0x5f: {  	_ =	shalt  }
0x60: {  	_ =	shalt  }
0x61: {  	_ =	shalt  }
0x62: {  	_ =	shalt  }
0x63: {  	_ =	shalt  }
0x64: {  	_ =	shalt  }
0x65: {  	_ =	shalt  }
0x66: {  	_ =	shalt  }
0x67: {  	_ =	shalt  }
0x68: {  	_ =	shalt  }
0x69: {  	_ =	shalt  }
0x6a: {  	_ =	shalt  }
0x6b: {  	_ =	shalt  }
0x6c: {  	_ =	shalt  }
0x6d: {  	_ =	shalt  }
0x6e: {  	_ =	shalt  }
0x6f: {  	_ =	shalt  }
0x70: {  	_ =	shalt  }
0x71: {  	_ =	shalt  }
0x72: {  	_ =	shalt  }
0x73: {  	_ =	shalt  }
0x74: {  	_ =	shalt  }
0x75: {  	_ =	shalt  }
0x76: {  	_ =	shalt  }
0x77: {  	_ =	shalt  }
0x78: {  	_ =	shalt  }
0x79: {  	_ =	shalt  }
0x7a: {  	_ =	shalt  }
0x7b: {  	_ =	shalt  }
0x7c: {  	_ =	shalt  }
0x7d: {  	_ =	shalt  }
0x7e: {  	_ =	shalt  }
0x7f: {  	_ =	shalt  }
0x80: {  	_ =	shalt  }
0x81: {  	_ =	shalt  }
0x82: {  	_ =	shalt  }
0x83: {  	_ =	shalt  }
0x84: {  	_ =	shalt  }
0x85: {  	_ =	shalt  }
0x86: {  	_ =	shalt  }
0x87: {  	_ =	shalt  }
.Lfunc_end0:
.L_simem_size_0:
called_computation.1_lowered:
.L_overlay_start_0:
0x88: {  	s2 =	sld [smem:$0x3FD9]  }
0x89: {  	s3 =	sld [smem:$0x3FFE];
	_ =	sdelay $0x1  }
0x8a: {  	s1 =	srdreg.scid  }
0x8b: {  	s0 =	sand.u32 $0x1, s1  }
0x8c: {  	s14 =	sshll.u32 s0, $0xA;
	s2 =	sadd.s32 s3, s2  }
0x8d: {  	s2 =	sadd.s32 s2, s14  }
0x8e: {  	[smem:$0x3FBC] =	sst s2  }
0x8f: {  	_ = 	snop  }
0x90: {  	s2 =	sld [smem:$0x3FD0];
	_ =	sdelay $0x2  }
0x91: {  	s15 =	simm.s32 $0xA;
	s4 =	simm.s32 $0x10  }
0x92: {  	[smem:s4], [sflag:s15] =	dma.local [hbm:s2], $0x1  }
0x93: {  	_ =	swait.eq [sflag:s15], $0x1  }
0x94: {  	[sflag:s15] =	ssyncset.done $0x0  }
0x95: {  	[sflag:s15] =	ssyncadd.s32 $0xFFFFFFFF  }
0x96: {  	s16 =	sld [smem:$0x10];
	(tm) =	ssettm $0x1  }
0x97: {  	s17 =	sld [smem:$0x3FFB];
	_ =	sdelay $0x3  }
0x98: {  	_ =	strace s17  }
0x99: {  	s3 =	sld [smem:$0x3FFC];
	_ =	sdelay $0x3  }
0x9a: {  	_ =	strace s3  }
0x9b: {  	s3 =	sld [smem:$0x3FFD];
	_ =	sdelay $0x3  }
0x9c: {  	_ =	strace s3  }
0x9d: {  	_ =	strace $0x8FFFFFFF  }
0x9e: {  	s18 =	sld [smem:$0x3FDB];
	_ =	sdelay $0x1  }
0x9f: {  	s19 =	simm.s32 $_scs_section_size  }
0xa0: {  	s5 =	simm.s32 $_size__tile_overlayer_lowered;
	s6 =	simm.s32 $_tile_overlayer_lowered  }
0xa1: {  	s22 =	simm.s32 $0x1BFF;
	s21 =	sshll.u32 s6, $0x1;
	s3 =	sadd.s32 s19, s18  }
0xa2: {  	s7 =	simm.s32 $0x0;
	s20 =	sshll.u32 s5, $0x1;
	s5 =	sadd.s32 s21, s3  }
0xa3: {  	[timem:s7], [sflag:s22] =	dma.local [hbm:s5], s20  }
0xa4: {  	_ =	swait.ge [sflag:s22], s20  }
0xa5: {  	s4 =	ssub.s32 $0x0, s20;
	[sflag:s22] =	ssyncset.done $0x0  }
0xa6: {  	[sflag:s22] =	ssyncadd.s32 s4;
	_ =	sdelay $0x1  }
0xa7: {  	s23 =	simm.s32 $0x1B8B  }
0xa8: {  	_ =	swait.ge [sflag:s23], $0x1  }
0xa9: {  	[sflag:s23] =	ssyncset.done $0x0  }
0xaa: {  	s25 =	simm.s32 $0x1B8E;
	s24 =	sld [smem:$0x3FFE];
	[sflag:s23] =	ssyncadd.s32 $0xFFFFFFFF  }
0xab: {  	s26 =	simm.s32 $execute0_lowered;
	[smem:$0x3FD2] =	sst s25  }
0xac: {  	s5 =	sshll.u32 s26, $0x1;
	_ =	strace $0x80000049;
	[dreg:$0x1] =	wrdreg $0xFFFFFFFF  }
0xad: {  	s28 =	simm.s32 $_size_execute0_lowered;
	s3 =	sadd.s32 s3, s5;
	[dreg:$0x0] =	wrdreg $0x0  }
0xae: {  	s5 =	sshll.u32 s28, $0x1;
	[dreg:$0x2] =	wrdreg s3  }
0xaf: {  	[dreg:$0x3] =	wrdreg s5  }
0xb0: {  	[dreg:$0x4] =	wrdreg $0xC0  }
0xb1: {  	_ =	task [dreg:s7], $0x5FFFF  }
0xb2: {  	[dreg:$0x1] =	wrdreg $0xFFFFFFFF  }
0xb3: {  	[dreg:$0x0] =	wrdreg $0x60  }
0xb4: {  	[dreg:$0x2] =	wrdreg s24  }
0xb5: {  	[dreg:$0x3] =	wrdreg s16  }
0xb6: {  	[dreg:$0x4] =	wrdreg $0x3C500  }
0xb7: {  	[dreg:$0x5] =	wrdreg $0x9  }
0xb8: {  	_ =	task.clear_ibuf [dreg:s7], $0x6FFFF;
	_ =	strace $0x90000049  }
0xb9: {  	s29 =	simm.s32 $0x9;
	_ =	strace $0x8000004B  }
0xba: {  	_ =	swait.ge [sflag:s29], $0x1  }
0xbb: {  	[sflag:s29] =	ssyncadd.s32 $0xFFFFFFFF  }
0xbc: {  	_ =	strace $0x9000004B  }
0xbd: {  	_ =	sfence  }
0xbe: {  	s30 =	sld [smem:$0x0];
	_ =	sdelay $0x2  }
0xbf: {  	s31 =	sshll.u32 s1, $0xD;
	s1 =	sshrl.u32 s1, $0x2  }
0xc0: {  	s3 =	sand.u32 $0x4000, s31;
	s1 =	sadd.s32 s1, s30  }
0xc1: {  	s0 =	sor.u32 s3, s0;
	s1 =	sshll.u32 s1, $0x11  }
0xc2: {  	s0 =	sor.u32 s1, s0  }
0xc3: {  	s0 =	sadd.s32 $0x8F2B, s0  }
0xc4: {  	[sflag:s0] =	ssyncadd.remote.s32 $0x1  }
0xc5: {  	_ =	sfence.sel $0xFFFF  }
0xc6: {  	[dreg:$0x0] =	wrdreg $0xFFFFFFFF;
	(pc) =	sbr.abs _section_cstart, $3  }
0xc7: {  	[dreg:$0x1] =	wrdreg $0xFFFFFFFF  }
0xc8: {  	_ =	task.clear_ibuf [dreg:s7], $0x2FFFF;
	_ =	strace $0x9FFFFFFF  }
0xc9: {  	(tm) =	ssettm $0x7FFFFFFF  }
tec
execute0_lowered:
.L_overlay_start_1:
0x0: {  	(tag) =	ssettag $0x1  }
0x1: {  	s0 =	rddreg [dreg:$0x0]  }
0x2: {  	s1 =	rddreg [dreg:$0x1]  }
0x3: {  	s2 =	rddreg [dreg:$0x2]  }
0x4: {  	s3 =	simm.s32 $0x0;
	s4 =	srdreg.scid;
	s12 =	stileid.u32  }
0x5: {  	s29 =	simm.s32 $0x9;
	s30 =	simm.s32 $0x1;
	s25 =	smul.u32 $0x2710, s12  }
0x6: {  	s5 =	sand.u32 $0x1, s4;
	s20 =	sshll.u32 s12, $0x1;
	s12 =	smul.u32 $0x4E20, s12  }
0x7: {  	s31 =	simm.s32 $0x6;
	[smem:$0x7FF] =	sst s3;
	s28 =	smul.u32 $0x27100, s5  }
0x8: {  	s6 =	sor.u32 s5, s20;
	s8 =	ssub.s32 $0x2, s5;
	s5 =	smul.u32 $0x2710, s5  }
0x9: {  	s7 =	sadd.s32 $0x17800, s0;
	s4 =	sadd.s32 $0xDA00, s0;
	s9 =	smul.u32 $0x2710, s6  }
0xa: {  	_ =	strace $0x8000004A;
	s21 =	sshrl.u32 s8, $0x1;
	s6 =	smul.u32 $0x4E20, s6  }
0xb: {  	s0 =	ssub.s32 s8, s21;
	s16 =	sadd.s32 s25, s28;
	s5 =	sadd.s32 s5, s12  }
0xc: {  	s22 =	sshrl.u32 s9, $0x3;
	s10 =	sadd.s32 $0x50, s9;
	s6 =	sadd.s32 s7, s6  }
0xd: {  	s26 =	sadd.s32 $0xA0, s9;
	s9 =	sadd.s32 $0xF0, s9;
	s17 =	sshrl.u32 s16, $0x3  }
0xe: {  	s18 =	sadd.s32 $0x1E0, s5;
	s0 =	smax.u32 s0, $0x1;
	s21 =	sadd.s32 $0x190, s5  }
0xf: {  	s8 =	sadd.s32 s4, s22;
	[dreg:$0x9] =	wrdreg s6;
	s23 =	sshrl.u32 s10, $0x3  }
0x10: {  	s24 =	sshll.u32 s10, $0x1;
	s11 =	sshrl.u32 s26, $0x3;
	s13 =	sshrl.u32 s9, $0x3  }
0x11: {  	s15 =	sshll.u32 s9, $0x1;
	s1 =	sadd.s32 s1, s17;
	s19 =	sshll.u32 s18, $0x1  }
0x12: {  	[dreg:$0x11] =	wrdreg s0;
	s22 =	sshrl.u32 s18, $0x3;
	s17 =	sadd.s32 $0x140, s5  }
0x13: {  	s5 =	sadd.s32 $0xF0, s5;
	[dreg:$0x8] =	wrdreg s8;
	s6 =	sadd.s32 s4, s23  }
0x14: {  	s11 =	sadd.s32 s4, s11;
	s14 =	sadd.s32 s4, s13;
	s13 =	sadd.s32 s25, s2  }
0x15: {  	[dreg:$0x10] =	wrdreg s1;
	s20 =	sadd.s32 s19, s7;
	s23 =	sshll.u32 s21, $0x1  }
0x16: {  	s16 =	sadd.s32 s22, s4;
	s25 =	sshll.u32 s17, $0x1;
	[dreg:$0xa] =	wrdreg s6  }
0x17: {  	s1 =	sshrl.u32 s21, $0x3;
	s21 =	simm.s32 $0x50;
	[dreg:$0xc] =	wrdreg s11  }
0x18: {  	s22 =	simm.s32 $0x5;
	s6 =	sadd.s32 s7, s24;
	[dreg:$0xe] =	wrdreg s14  }
0x19: {  	[dreg:$0x7] =	wrdreg s20;
	s24 =	sadd.s32 s23, s7;
	s0 =	sadd.s32 s25, s7  }
0x1a: {  	s18 =	sadd.s32 s1, s4;
	s20 =	simm.s32 $0x140;
	[dreg:$0xb] =	wrdreg s6  }
0x1b: {  	s1 =	simm.s32 $0x8;
	s6 =	sshll.u32 s26, $0x1;
	[dreg:$0x6] =	wrdreg s24  }
0x1c: {  	s26 =	sshll.u32 s5, $0x1;
	[dreg:$0x5] =	wrdreg s0;
	s6 =	sadd.s32 s7, s6  }
0x1d: {  	s23 =	simm.s32 $0x0;
	s28 =	sadd.s32 s26, s7;
	[dreg:$0xd] =	wrdreg s6  }
0x1e: {  	s5 =	sshrl.u32 s5, $0x3;
	s6 =	sadd.s32 s7, s15;
	[dreg:$0x4] =	wrdreg s28  }
0x1f: {  	v0 =	vimm.f32 $0.0e+00;
	s0 =	simm.s32 $0x7;
	s19 =	sadd.s32 s5, s4;
	[dreg:$0xf] =	wrdreg s6  }
.LBB2_1:
0x20: {  	s5 =	simm.s32 $0x40;
	s6 =	simm.s32 $0x0  }
.LBB2_2:
0x21: {  	p0 =	sne.s32 s5, $0x9C00;
	[tilespmem:s6+$0x1540] =	vst v0;
	s6 =	smov.u32 s5;
	s5 =	sadd.s32 $0x40, s5  }
.Ltmp0:
0x22: {  	(pc) =	sbr.rel @p0 .LBB2_2-.Ltmp0, $2  }
0x23: {  	_ =	sdelay $0x2  }
0x24: {  	s6 =	sshra.s32 s6, $0x2  }
0x25: {  	[tilespmem:s6+$0x1540] =	vst v0;
	s24 =	simm.s32 $0x0;
	s5 =	rddreg [dreg:$0x8]  }
0x26: {  	[tilespmem:s24], [sflag:$0x1] =	stream.linear.gather [hbm4b:s5+s24], $0x50, $0x38;
	[tilespmem:$0x6360] =	vst v63  }
0x27: {  	s25 =	rddreg [dreg:$0x9]  }
0x28: {  	[tilespmem:s20], [sflag:$0x1] =	stream.linear.gather [hbm4b:s25+s24], $0x500, $0x38;
	[tilespmem:$0x6360] =	vst v63  }
0x29: {  	s26 =	rddreg [dreg:$0xa]  }
0x2a: {  	[tilespmem:s21], [sflag:$0x2] =	stream.linear.gather [hbm4b:s26+s24], $0x50, $0x38;
	[tilespmem:$0x6360] =	vst v63  }
0x2b: {  	s6 =	rddreg [dreg:$0xb];
	s7 =	simm.s32 $0x640  }
0x2c: {  	[tilespmem:s7], [sflag:$0x2] =	stream.linear.gather [hbm4b:s6+s24], $0x500, $0x38;
	[tilespmem:$0x6360] =	vst v63  }
0x2d: {  	s8 =	rddreg [dreg:$0xc];
	s9 =	simm.s32 $0xA0  }
0x2e: {  	[tilespmem:s9], [sflag:$0x3] =	stream.linear.gather [hbm4b:s8+s24], $0x50, $0x38;
	[tilespmem:$0x6360] =	vst v63  }
0x2f: {  	s10 =	rddreg [dreg:$0xd];
	s11 =	simm.s32 $0xB40  }
0x30: {  	[tilespmem:s11], [sflag:$0x3] =	stream.linear.gather [hbm4b:s10+s24], $0x500, $0x38;
	[tilespmem:$0x6360] =	vst v63  }
0x31: {  	s12 =	rddreg [dreg:$0xe];
	s14 =	simm.s32 $0xF0  }
0x32: {  	[tilespmem:s14], [sflag:$0x4] =	stream.linear.gather [hbm4b:s12+s24], $0x50, $0x38;
	[tilespmem:$0x6360] =	vst v63  }
0x33: {  	s15 =	rddreg [dreg:$0xf];
	s25 =	simm.s32 $0x1040  }
0x34: {  	[tilespmem:s25], [sflag:$0x4] =	stream.linear.gather [hbm4b:s15+s24], $0x500, $0x38;
	[tilespmem:$0x6360] =	vst v63  }
0x35: {  	s26 =	simm.s32 $0x1540  }
0x36: {  	[spmem:s13] =	stream.linear.scatter [tilespmem:s26], [sflag:$0x9], $0x2710, $0x38;
	[tilespmem:$0x6360] =	vst v63  }
0x37: {  	_ =	swait.ge [sflag:s29], $0x2710  }
0x38: {  	[sflag:s29] =	ssyncset.done $0x0  }
0x39: {  	[sflag:s29] =	ssyncadd.s32 $0xFFFFD8F0  }
0x3a: {  	[bflag:$0x0] =	sbarrier.arrive $0xFFFF  }
0x3b: {  	_ =	swait.ge [sflag:s30], $0x50  }
0x3c: {  	[sflag:s30] =	ssyncset.done $0x0  }
0x3d: {  	p0 =	por $0x1, $0x1;
	[sflag:s30] =	ssyncadd.s32 $0xFFFFFFB0  }
0x3e: {  	p1 =	por @!p0 $0x0, $0x0;
	_ =	swait.ge [sflag:s30], $0x500  }
0x3f: {  	p1 =	por p1, p0;
	[sflag:s30] =	ssyncset.done $0x0  }
0x40: {  	s5 =	simm.s32 @!p1 $0x8;
	[sflag:s30] =	ssyncadd.s32 $0xFFFFFB00  }
0x41: {  	[spmem:s2] =	stream.indirect.scatter.add.f32 [tilespmem:s20], [sflag:$0x5], $0x10, s3, s21, $0xb8;
	[tilespmem:$0x6360] =	vst v63  }
0x42: {  	_ =	swait.ge @!p1 [sflag:s5], $0x500  }
0x43: {  	p0 =	por $0x0, $0x0;
	s6 =	simm.s32 @!p1 $0xF0;
	[sflag:s5] =	ssyncset.done @!p1 $0x0  }
0x44: {  	s8 =	simm.s32 @!p1 $0x0;
	s7 =	rddreg [dreg:$0x4];
	[sflag:s5] =	ssyncadd.s32 @!p1 $0xFFFFFB00  }
0x45: {  	[tilespmem:s6], [sflag:$0x4] =	stream.linear.gather @!p1 [hbm4b:s19+s8], $0x50, $0x38;
	[tilespmem:$0x6360] =	vst v63  }
0x46: {  	s5 =	simm.s32 @!p1 $0x1040;
	s6 =	sadd.s32 @!p1 $0x0, s7;
	s7 =	simm.s32 @!p0 $0x2  }
0x47: {  	[tilespmem:s5], [sflag:$0x4] =	stream.linear.gather @!p1 [hbm4b:s6+s8], $0x500, $0x38;
	[tilespmem:$0x6360] =	vst v63  }
0x48: {  	_ =	swait.ge @!p0 [sflag:s7], $0x50  }
0x49: {  	[sflag:s7] =	ssyncset.done @!p0 $0x0  }
0x4a: {  	[sflag:s7] =	ssyncadd.s32 @!p0 $0xFFFFFFB0  }
0x4b: {  	_ =	swait.ge @!p0 [sflag:s7], $0x500  }
0x4c: {  	s5 =	simm.s32 @!p0 $0x50;
	[sflag:s7] =	ssyncset.done @!p0 $0x0  }
0x4d: {  	s6 =	simm.s32 @!p0 $0x640;
	[sflag:s7] =	ssyncadd.s32 @!p0 $0xFFFFFB00;
	s7 =	simm.s32 @!p0 $0x5  }
0x4e: {  	[spmem:s2] =	stream.indirect.scatter.add.f32 @!p0 [tilespmem:s6], [sflag:$0x6], $0x10, s5, s5, $0xb8;
	[tilespmem:$0x6360] =	vst v63  }
0x4f: {  	_ =	swait.ge @!p0 [sflag:s7], $0x500  }
0x50: {  	s9 =	simm.s32 @!p0 $0x0;
	s6 =	sshrl.u32 @!p0 s17, $0x3;
	[sflag:s7] =	ssyncset.done @!p0 $0x0  }
0x51: {  	s6 =	sadd.s32 @!p0 s4, s6;
	s8 =	rddreg [dreg:$0x5];
	[sflag:s7] =	ssyncadd.s32 @!p0 $0xFFFFFB00  }
0x52: {  	[tilespmem:s9], [sflag:$0x1] =	stream.linear.gather @!p0 [hbm4b:s6+s9], $0x50, $0x38;
	[tilespmem:$0x6360] =	vst v63  }
0x53: {  	s7 =	sadd.s32 @!p0 $0x0, s8;
	s8 =	simm.s32 @!p0 $0x3;
	s6 =	simm.s32 @!p0 $0x140  }
0x54: {  	[tilespmem:s6], [sflag:$0x1] =	stream.linear.gather @!p0 [hbm4b:s7+s9], $0x500, $0x38;
	[tilespmem:$0x6360] =	vst v63  }
0x55: {  	_ =	swait.ge @!p0 [sflag:s8], $0x50  }
0x56: {  	[sflag:s8] =	ssyncset.done @!p0 $0x0  }
0x57: {  	[sflag:s8] =	ssyncadd.s32 @!p0 $0xFFFFFFB0  }
0x58: {  	p1 =	por @!p0 $0x0, $0x0;
	_ =	swait.ge @!p0 [sflag:s8], $0x500  }
0x59: {  	p1 =	por p1, p0;
	s6 =	simm.s32 @!p0 $0xB40;
	[sflag:s8] =	ssyncset.done @!p0 $0x0  }
0x5a: {  	s7 =	simm.s32 @!p0 $0xA0;
	[sflag:s8] =	ssyncadd.s32 @!p0 $0xFFFFFB00;
	s8 =	simm.s32 @!p1 $0x6  }
0x5b: {  	[spmem:s2] =	stream.indirect.scatter.add.f32 @!p0 [tilespmem:s6], [sflag:$0x7], $0x10, s7, s5, $0xb8;
	[tilespmem:$0x6360] =	vst v63  }
0x5c: {  	_ =	swait.ge @!p1 [sflag:s8], $0x500  }
0x5d: {  	s5 =	simm.s32 @!p1 $0x50;
	s7 =	simm.s32 @!p1 $0x0;
	[sflag:s8] =	ssyncset.done @!p1 $0x0  }
0x5e: {  	p0 =	por $0x0, $0x0;
	s6 =	rddreg [dreg:$0x6];
	[sflag:s8] =	ssyncadd.s32 @!p1 $0xFFFFFB00  }
0x5f: {  	[tilespmem:s5], [sflag:$0x2] =	stream.linear.gather @!p1 [hbm4b:s18+s7], $0x50, $0x38;
	[tilespmem:$0x6360] =	vst v63  }
0x60: {  	s6 =	sadd.s32 @!p1 $0x0, s6;
	s8 =	simm.s32 @!p0 $0x4;
	s5 =	simm.s32 @!p1 $0x640  }
0x61: {  	[tilespmem:s5], [sflag:$0x2] =	stream.linear.gather @!p1 [hbm4b:s6+s7], $0x500, $0x38;
	[tilespmem:$0x6360] =	vst v63  }
0x62: {  	_ =	swait.ge @!p0 [sflag:s8], $0x50  }
0x63: {  	[sflag:s8] =	ssyncset.done @!p0 $0x0  }
0x64: {  	s28 =	simm.s32 $0x7;
	s25 =	simm.s32 $0x280;
	[sflag:s8] =	ssyncadd.s32 @!p0 $0xFFFFFFB0  }
0x65: {  	p1 =	por @!p0 $0x0, $0x0;
	s5 =	simm.s32 @!p0 $0x1040;
	_ =	swait.ge @!p0 [sflag:s8], $0x500  }
0x66: {  	s6 =	simm.s32 @!p0 $0x50;
	p1 =	por p1, p0;
	[sflag:s8] =	ssyncset.done @!p0 $0x0  }
0x67: {  	s7 =	simm.s32 @!p0 $0xF0;
	[sflag:s8] =	ssyncadd.s32 @!p0 $0xFFFFFB00;
	s8 =	simm.s32 @!p1 $0x7  }
0x68: {  	[spmem:s2] =	stream.indirect.scatter.add.f32 @!p0 [tilespmem:s5], [sflag:$0x8], $0x10, s7, s6, $0xb8;
	[tilespmem:$0x6360] =	vst v63  }
0x69: {  	s26 =	sadd.s32 $0x28, s19;
	s10 =	simm.s32 @!p1 $0x0;
	_ =	swait.ge @!p1 [sflag:s8], $0x500  }
0x6a: {  	s11 =	simm.s32 @!p1 $0xB40;
	s5 =	simm.s32 @!p1 $0xA0;
	[sflag:s8] =	ssyncset.done @!p1 $0x0  }
0x6b: {  	s6 =	sadd.s32 $0x28, s18;
	s7 =	sadd.s32 $0x28, s16;
	[sflag:s8] =	ssyncadd.s32 @!p1 $0xFFFFFB00  }
0x6c: {  	[tilespmem:s5], [sflag:$0x3] =	stream.linear.gather @!p1 [hbm4b:s16+s10], $0x50, $0x38;
	[tilespmem:$0x6360] =	vst v63  }
0x6d: {  	s12 =	rddreg [dreg:$0x7];
	s8 =	simm.s32 $0x0;
	s5 =	sadd.s32 $0x140, s17  }
.LBB2_4:
0x6e: {  	s12 =	sadd.s32 @!p1 s24, s12  }
0x6f: {  	[tilespmem:s11], [sflag:$0x3] =	stream.linear.gather @!p1 [hbm4b:s12+s10], $0x500, $0x38;
	[tilespmem:$0x6360] =	vst v63  }
0x70: {  	_ =	swait.ge [sflag:s30], $0x50  }
0x71: {  	s24 =	smov.u32 s25;
	[sflag:s30] =	ssyncset.done $0x0  }
0x72: {  	p1 =	seq.s32 s24, $0x0;
	[sflag:s30] =	ssyncadd.s32 $0xFFFFFFB0  }
0x73: {  	p2 =	sgt.u32 @!p1 s28, $0x7C;
	_ =	swait.ge [sflag:s30], $0x500  }
0x74: {  	p2 =	por p2, p1;
	[sflag:s30] =	ssyncset.done $0x0  }
0x75: {  	s10 =	simm.s32 @!p2 $0x8;
	[sflag:s30] =	ssyncadd.s32 $0xFFFFFB00  }
0x76: {  	[spmem:s2] =	stream.indirect.scatter.add.f32 [tilespmem:s20], [sflag:$0x5], $0x10, s3, s21, $0xb8;
	[tilespmem:$0x6360] =	vst v63  }
0x77: {  	s8 =	sadd.s32 $0x1, s8;
	_ =	swait.ge @!p2 [sflag:s10], $0x500  }
0x78: {  	p1 =	sgt.u32 s8, $0x1E;
	s11 =	simm.s32 @!p2 $0xF0;
	[sflag:s10] =	ssyncset.done @!p2 $0x0  }
0x79: {  	s12 =	simm.s32 @!p2 $0x0;
	s14 =	rddreg [dreg:$0x4];
	[sflag:s10] =	ssyncadd.s32 @!p2 $0xFFFFFB00  }
0x7a: {  	[tilespmem:s11], [sflag:$0x4] =	stream.linear.gather @!p2 [hbm4b:s26+s12], $0x50, $0x38;
	[tilespmem:$0x6360] =	vst v63  }
0x7b: {  	s10 =	simm.s32 @!p2 $0x1040;
	s11 =	sadd.s32 @!p2 s24, s14;
	s14 =	simm.s32 @!p1 $0x2  }
0x7c: {  	[tilespmem:s10], [sflag:$0x4] =	stream.linear.gather @!p2 [hbm4b:s11+s12], $0x500, $0x38;
	[tilespmem:$0x6360] =	vst v63  }
0x7d: {  	_ =	swait.ge @!p1 [sflag:s14], $0x50  }
0x7e: {  	[sflag:s14] =	ssyncset.done @!p1 $0x0  }
0x7f: {  	[sflag:s14] =	ssyncadd.s32 @!p1 $0xFFFFFFB0  }
0x80: {  	_ =	swait.ge @!p1 [sflag:s14], $0x500  }
0x81: {  	s11 =	simm.s32 @!p1 $0x50;
	[sflag:s14] =	ssyncset.done @!p1 $0x0  }
0x82: {  	s12 =	simm.s32 @!p1 $0x640;
	[sflag:s14] =	ssyncadd.s32 @!p1 $0xFFFFFB00;
	s14 =	simm.s32 @!p1 $0x5  }
0x83: {  	[spmem:s2] =	stream.indirect.scatter.add.f32 @!p1 [tilespmem:s12], [sflag:$0x6], $0x10, s11, s11, $0xb8;
	[tilespmem:$0x6360] =	vst v63  }
0x84: {  	s15 =	sshrl.u32 @!p1 s5, $0x3;
	_ =	swait.ge @!p1 [sflag:s14], $0x500  }
0x85: {  	s10 =	sadd.s32 @!p1 s4, s15;
	[sflag:s14] =	ssyncset.done @!p1 $0x0  }
0x86: {  	s12 =	simm.s32 @!p1 $0x0;
	s15 =	rddreg [dreg:$0x5];
	[sflag:s14] =	ssyncadd.s32 @!p1 $0xFFFFFB00  }
0x87: {  	[tilespmem:s12], [sflag:$0x1] =	stream.linear.gather @!p1 [hbm4b:s10+s12], $0x50, $0x38;
	[tilespmem:$0x6360] =	vst v63  }
0x88: {  	s14 =	simm.s32 @!p1 $0x140;
	s10 =	sadd.s32 @!p1 s24, s15;
	s15 =	simm.s32 @!p1 $0x3  }
0x89: {  	[tilespmem:s14], [sflag:$0x1] =	stream.linear.gather @!p1 [hbm4b:s10+s12], $0x500, $0x38;
	[tilespmem:$0x6360] =	vst v63  }
0x8a: {  	_ =	swait.ge @!p1 [sflag:s15], $0x50  }
0x8b: {  	[sflag:s15] =	ssyncset.done @!p1 $0x0  }
0x8c: {  	[sflag:s15] =	ssyncadd.s32 @!p1 $0xFFFFFFB0  }
0x8d: {  	p2 =	seq.s32 @!p1 s24, $0x4B00;
	_ =	swait.ge @!p1 [sflag:s15], $0x500  }
0x8e: {  	p3 =	por p2, p1;
	s10 =	simm.s32 @!p1 $0xB40;
	[sflag:s15] =	ssyncset.done @!p1 $0x0  }
0x8f: {  	s12 =	simm.s32 @!p1 $0xA0;
	s14 =	simm.s32 @!p3 $0x6;
	[sflag:s15] =	ssyncadd.s32 @!p1 $0xFFFFFB00  }
0x90: {  	[spmem:s2] =	stream.indirect.scatter.add.f32 @!p1 [tilespmem:s10], [sflag:$0x7], $0x10, s12, s11, $0xb8;
	[tilespmem:$0x6360] =	vst v63  }
0x91: {  	_ =	swait.ge @!p3 [sflag:s14], $0x500  }
0x92: {  	p2 =	sgt.u32 s28, $0x7C;
	s10 =	simm.s32 @!p3 $0x50;
	[sflag:s14] =	ssyncset.done @!p3 $0x0  }
0x93: {  	s11 =	simm.s32 @!p3 $0x0;
	s12 =	rddreg [dreg:$0x6];
	[sflag:s14] =	ssyncadd.s32 @!p3 $0xFFFFFB00  }
0x94: {  	[tilespmem:s10], [sflag:$0x2] =	stream.linear.gather @!p3 [hbm4b:s6+s11], $0x50, $0x38;
	[tilespmem:$0x6360] =	vst v63  }
0x95: {  	s14 =	simm.s32 @!p3 $0x640;
	s10 =	sadd.s32 @!p3 s24, s12;
	s12 =	simm.s32 @!p2 $0x4  }
0x96: {  	[tilespmem:s14], [sflag:$0x2] =	stream.linear.gather @!p3 [hbm4b:s10+s11], $0x500, $0x38;
	[tilespmem:$0x6360] =	vst v63  }
0x97: {  	_ =	swait.ge @!p2 [sflag:s12], $0x50  }
0x98: {  	s25 =	sadd.s32 $0x280, s25;
	s9 =	smov.u32 s7;
	[sflag:s12] =	ssyncset.done @!p2 $0x0  }
0x99: {  	s7 =	sadd.s32 $0x28, s7;
	p0 =	sne.s32 s25, $0x5000;
	[sflag:s12] =	ssyncadd.s32 @!p2 $0xFFFFFFB0  }
0x9a: {  	s5 =	sadd.s32 $0x140, s5;
	p1 =	sgt.u32 @!p2 s8, $0x1D;
	_ =	swait.ge @!p2 [sflag:s12], $0x500  }
0x9b: {  	p1 =	por p1, p2;
	s10 =	simm.s32 @!p2 $0x1040;
	[sflag:s12] =	ssyncset.done @!p2 $0x0  }
0x9c: {  	s11 =	simm.s32 @!p2 $0x50;
	s14 =	simm.s32 @!p2 $0xF0;
	[sflag:s12] =	ssyncadd.s32 @!p2 $0xFFFFFB00  }
0x9d: {  	[spmem:s2] =	stream.indirect.scatter.add.f32 @!p2 [tilespmem:s10], [sflag:$0x8], $0x10, s14, s11, $0xb8;
	[tilespmem:$0x6360] =	vst v63  }
.Ltmp1:
0x9e: {  	s26 =	sadd.s32 $0x28, s26;
	s15 =	simm.s32 @!p1 $0x7;
	(pc) =	sbr.rel @p0 .LBB2_4-.Ltmp1, $4  }
0x9f: {  	s28 =	sadd.s32 $0x4, s28;
	s6 =	sadd.s32 $0x28, s6;
	_ =	swait.ge @!p1 [sflag:s15], $0x500  }
0xa0: {  	s14 =	simm.s32 @!p1 $0xA0;
	s10 =	simm.s32 @!p1 $0x0;
	[sflag:s15] =	ssyncset.done @!p1 $0x0  }
0xa1: {  	s11 =	simm.s32 @!p1 $0xB40;
	s12 =	rddreg [dreg:$0x7];
	[sflag:s15] =	ssyncadd.s32 @!p1 $0xFFFFFB00  }
0xa2: {  	[tilespmem:s14], [sflag:$0x3] =	stream.linear.gather @!p1 [hbm4b:s9+s10], $0x50, $0x38;
	[tilespmem:$0x6360] =	vst v63  }
0xa3: {  	s5 =	sadd.s32 @!p1 s24, s12  }
0xa4: {  	[tilespmem:s11], [sflag:$0x3] =	stream.linear.gather @!p1 [hbm4b:s5+s10], $0x500, $0x38;
	[tilespmem:$0x6360] =	vst v63  }
0xa5: {  	_ =	swait.ge [sflag:s31], $0x500  }
0xa6: {  	[sflag:s31] =	ssyncset.done $0x0  }
0xa7: {  	[sflag:s31] =	ssyncadd.s32 $0xFFFFFB00  }
0xa8: {  	_ =	swait.ge [sflag:s0], $0x500  }
0xa9: {  	[sflag:s0] =	ssyncset.done $0x0  }
0xaa: {  	[sflag:s0] =	ssyncadd.s32 $0xFFFFFB00  }
0xab: {  	_ =	swait.ge [sflag:s1], $0x500  }
0xac: {  	[sflag:s1] =	ssyncset.done $0x0  }
0xad: {  	[sflag:s1] =	ssyncadd.s32 $0xFFFFFB00  }
0xae: {  	_ =	swait.ge [sflag:s22], $0x500  }
0xaf: {  	[sflag:s22] =	ssyncset.done $0x0  }
0xb0: {  	s26 =	stileid.u32;
	[sflag:s22] =	ssyncadd.s32 $0xFFFFFB00  }
0xb1: {  	s5 =	sshll.u32 s26, $0x6;
	[bflag:$0x0] =	sbarrier.arrive $0xFFFF  }
0xb2: {  	s6 =	sshrl.u32 s13, $0x3;
	s5 =	sor.u32 $0x1C09, s5;
	s7 =	rddreg [dreg:$0x10]  }
0xb3: {  	[hbm:s7], [sflag:s5] =	dma.local [spmem:s6], $0x4E2  }
0xb4: {  	_ =	swait.ge [sflag:s29], $0x4E2  }
0xb5: {  	s23 =	sadd.s32 $0x1, s23;
	s28 =	rddreg [dreg:$0x11]  }
0xb6: {  	p0 =	sne.s32 s23, s28  }
.Ltmp2:
0xb7: {  	_ = 	snop;
	(pc) =	sbr.rel @p0 .LBB2_1-.Ltmp2, $3  }
0xb8: {  	_ =	sdelay $0x1  }
0xb9: {  	[sflag:s29] =	ssyncset.done $0x0  }
0xba: {  	[sflag:s29] =	ssyncadd.s32 $0xFFFFFB1E  }
0xbb: {  	_ =	sfence.sel $0x180000  }
0xbc: {  	[bflag:$0x0] =	sbarrier.arrive $0xFFFF  }
0xbd: {  	_ =	strace $0x9000004A  }
0xbe: {  	s0 =	stileid.u32;
	[bflag:$0x2] =	sbarrier.arrive $0xFFFF  }
0xbf: {  	p0 =	sne.s32 s0, $0x0;
	s0 =	rddreg [dreg:$0x3]  }
0xc0: {  	s0 =	sadd.s32 @!p0 $0x100000, s0  }
0xc1: {  	[sflag:s0] =	ssyncadd.tile.s32 @!p0 $0x1;
	_ =	shalt  }
.Lfunc_end2:
_tile_overlayer_lowered:
.L_overlay_start_2:
0xc2: {  	(tag) =	ssettag $0x2  }
0xc3: {  	s0 =	rddreg [dreg:$0x0];
	s2 =	stileid.u32  }
0xc4: {  	s1 =	rddreg [dreg:$0x1];
	p0 =	sne.s32 s2, $0x0  }
0xc5: {  	s3 =	rddreg [dreg:$0x2];
	[bflag:$0x3] =	sbarrier.arrive $0xFFFF;
	s2 =	simm.s32 @!p0 $0x1C09  }
0xc6: {  	[timem:s3], [sflag:s2] =	dma.local @!p0 [hbm:s0], s1  }
0xc7: {  	s0 =	simm.s32 @!p0 $0x9  }
0xc8: {  	_ =	swait.ge @!p0 [sflag:s0], s1  }
0xc9: {  	s1 =	ssub.s32 @!p0 $0x0, s1;
	[sflag:s0] =	ssyncset.done @!p0 $0x0  }
0xca: {  	[sflag:s0] =	ssyncadd.s32 @!p0 s1  }
0xcb: {  	[bflag:$0x3] =	sbarrier.arrive $0xFFFF  }
0xcc: {  	_ =	shalt  }

// kernel: kernel.7.cloned.1.call-start
scs
__scs_entry_jumppad:
0x0: {  	(pc) =	sbr.rel $0x88, $3  }
0x1: {  	(tag) =	ssettag $0x0;
	lr =	simm.s32 $0x1  }
0x2: {  	[smem:$0x3F95] =	sst lr;
	_ =	strace $0xD0000000  }
0x3: {  	_ = 	snop  }
0x4: {  	_ = 	snop  }
0x5: {  	_ = 	snop  }
0x6: {  	_ = 	snop  }
0x7: {  	_ = 	snop  }
__scs_overlays_trampoline_lowered:
0x8: {  	[smem:$0x3FA4] =	sst s0  }
0x9: {  	[smem:$0x3FA5] =	sst s1  }
0xa: {  	[smem:$0x3FA6] =	sst s2  }
0xb: {  	[smem:$0x3FA7] =	sst s3  }
0xc: {  	[smem:$0x3FA8] =	sst s4  }
0xd: {  	[smem:$0x3FA9] =	sst s5  }
0xe: {  	[smem:$0x3FAA] =	sst s6  }
0xf: {  	[smem:$0x3FAB] =	sst s7  }
0x10: {  	[smem:$0x3FAC] =	sst s8  }
0x11: {  	[smem:$0x3FAD] =	sst s9;
	s0 =	simm.s32 @!p0 $0x0  }
0x12: {  	s1 =	sld [smem:$0x3F93];
	s0 =	simm.s32 @p0 $0x1  }
0x13: {  	[smem:$0x3FAE] =	sst s0;
	s0 =	simm.s32 @!p1 $0x0  }
0x14: {  	s2 =	sld [smem:$0x3F92];
	s0 =	simm.s32 @p1 $0x1  }
0x15: {  	[smem:$0x3FAF] =	sst s0;
	s0 =	simm.s32 @!p2 $0x0  }
0x16: {  	s3 =	sld [smem:$0x3FDB];
	s0 =	simm.s32 @p2 $0x1  }
0x17: {  	s4 =	simm.s32 $0x1BF5;
	[smem:$0x3FB1] =	sst s0  }
0x18: {  	s0 =	sld [smem:$0x3F94];
	_ =	swait.ge [sflag:s4], $0x0  }
0x19: {  	s7 =	sld [smem:$0x3F95]  }
0x1a: {  	s8 =	sadd.s32 $0xFFFFE003, lr  }
0x1b: {  	s9 =	sadd.s32 $0xFFFFFEF7, lr;
	s5 =	simm.s32 $0xFFFFFFFF;
	p2 =	slt.u32 s8, $0xFFFFF086  }
0x1c: {  	p1 =	slt.u32 s9, $0xF7A;
	s5 =	simm.s32 @!p2 $0x0  }
0x1d: {  	s5 =	simm.s32 @p1 $0x1;
	p0 =	seq.s32 s7, s2  }
0x1e: {  	s7 =	smul.u32 @!p0 $0xF7A, s2;
	p2 =	seq.s32 @!p0 s5, $0x0  }
0x1f: {  	s9 =	smul.u32 $0xF7A, s1;
	s8 =	simm.s32 @!p0 $0x1BF5;
	p2 =	por !p2, p0  }
0x20: {  	[sflag:s8] =	ssyncset.s32 @!p0 $0xFFFFF086;
	s6 =	sadd.s32 @!p0 s3, s7;
	s7 =	simm.s32 @!p0 $0x108  }
0x21: {  	s3 =	sadd.s32 s3, s9;
	s6 =	sadd.s32 @!p0 $0x88, s6;
	s7 =	simm.s32 @p2 $0x1082  }
0x22: {  	[simem:s7], [sflag:s8] =	dma.local @!p0 [hbm:s6], $0xF7A  }
0x23: {  	s9 =	sor.u32 $0xD0000000, s2;
	s6 =	simm.s32 $0x108;
	_ =	swait.ge @!p0 [sflag:s8], $0x0  }
0x24: {  	s3 =	sadd.s32 $0x88, s3;
	s6 =	simm.s32 @!p1 $0x1082;
	[sflag:s4] =	ssyncset.s32 $0xFFFFF086  }
0x25: {  	[simem:s6], [sflag:s4] =	dma.local [hbm:s3], $0xF7A  }
0x26: {  	[smem:$0x3F95] =	sst s1;
	(tag) =	ssettag s2;
	_ =	strace s9  }
0x27: {  	s1 =	sld [smem:$0x3FA5]  }
0x28: {  	s2 =	sld [smem:$0x3FA6]  }
0x29: {  	s4 =	sld [smem:$0x3FA8]  }
0x2a: {  	p0 =	seq.s32 s5, $0x0;
	s5 =	sld [smem:$0x3FA9]  }
0x2b: {  	s6 =	sld [smem:$0x3FAA]  }
0x2c: {  	s7 =	sld [smem:$0x3FAB]  }
0x2d: {  	s3 =	simm.s32 $0x108;
	s8 =	sld [smem:$0x3FAC]  }
0x2e: {  	s3 =	simm.s32 @!p0 $0x1082;
	s9 =	sld [smem:$0x3FAD]  }
0x2f: {  	lr =	sadd.s32 s0, s3;
	s0 =	sld [smem:$0x3FA4]  }
0x30: {  	s3 =	sld [smem:$0x3FA7]  }
0x31: {  	[smem:$0x3FB0] =	sst s10  }
0x32: {  	s10 =	sld [smem:$0x3FAE];
	_ =	sdelay $0x3  }
0x33: {  	p0 =	seq.s32 s10, $0x1;
	s10 =	sld [smem:$0x3FB0];
	_ =	sdelay $0x3  }
0x34: {  	[smem:$0x3FB0] =	sst s10  }
0x35: {  	s10 =	sld [smem:$0x3FAF];
	_ =	sdelay $0x3  }
0x36: {  	p1 =	seq.s32 s10, $0x1;
	s10 =	sld [smem:$0x3FB0];
	_ =	sdelay $0x3  }
0x37: {  	[smem:$0x3FB0] =	sst s10  }
0x38: {  	s10 =	sld [smem:$0x3FB1]  }
0x39: {  	_ = 	snop;
	(pc) =	sbr.ind lr, $3  }
0x3a: {  	_ = 	snop  }
0x3b: {  	_ = 	snop  }
0x3c: {  	p2 =	seq.s32 s10, $0x1;
	s10 =	sld [smem:$0x3FB0]  }
0x3d: {  	_ =	shalt  }
0x3e: {  	_ =	shalt  }
0x3f: {  	_ =	shalt  }
0x40: {  	_ =	shalt  }
0x41: {  	_ =	shalt  }
0x42: {  	_ =	shalt  }
0x43: {  	_ =	shalt  }
0x44: {  	_ =	shalt  }
0x45: {  	_ =	shalt  }
0x46: {  	_ =	shalt  }
0x47: {  	_ =	shalt  }
0x48: {  	_ =	shalt  }
0x49: {  	_ =	shalt  }
0x4a: {  	_ =	shalt  }
0x4b: {  	_ =	shalt  }
0x4c: {  	_ =	shalt  }
0x4d: {  	_ =	shalt  }
0x4e: {  	_ =	shalt  }
0x4f: {  	_ =	shalt  }
0x50: {  	_ =	shalt  }
0x51: {  	_ =	shalt  }
0x52: {  	_ =	shalt  }
0x53: {  	_ =	shalt  }
0x54: {  	_ =	shalt  }
0x55: {  	_ =	shalt  }
0x56: {  	_ =	shalt  }
0x57: {  	_ =	shalt  }
0x58: {  	_ =	shalt  }
0x59: {  	_ =	shalt  }
0x5a: {  	_ =	shalt  }
0x5b: {  	_ =	shalt  }
0x5c: {  	_ =	shalt  }
0x5d: {  	_ =	shalt  }
0x5e: {  	_ =	shalt  }
0x5f: {  	_ =	shalt  }
0x60: {  	_ =	shalt  }
0x61: {  	_ =	shalt  }
0x62: {  	_ =	shalt  }
0x63: {  	_ =	shalt  }
0x64: {  	_ =	shalt  }
0x65: {  	_ =	shalt  }
0x66: {  	_ =	shalt  }
0x67: {  	_ =	shalt  }
0x68: {  	_ =	shalt  }
0x69: {  	_ =	shalt  }
0x6a: {  	_ =	shalt  }
0x6b: {  	_ =	shalt  }
0x6c: {  	_ =	shalt  }
0x6d: {  	_ =	shalt  }
0x6e: {  	_ =	shalt  }
0x6f: {  	_ =	shalt  }
0x70: {  	_ =	shalt  }
0x71: {  	_ =	shalt  }
0x72: {  	_ =	shalt  }
0x73: {  	_ =	shalt  }
0x74: {  	_ =	shalt  }
0x75: {  	_ =	shalt  }
0x76: {  	_ =	shalt  }
0x77: {  	_ =	shalt  }
0x78: {  	_ =	shalt  }
0x79: {  	_ =	shalt  }
0x7a: {  	_ =	shalt  }
0x7b: {  	_ =	shalt  }
0x7c: {  	_ =	shalt  }
0x7d: {  	_ =	shalt  }
0x7e: {  	_ =	shalt  }
0x7f: {  	_ =	shalt  }
0x80: {  	_ =	shalt  }
0x81: {  	_ =	shalt  }
0x82: {  	_ =	shalt  }
0x83: {  	_ =	shalt  }
0x84: {  	_ =	shalt  }
0x85: {  	_ =	shalt  }
0x86: {  	_ =	shalt  }
0x87: {  	_ =	shalt  }
.Lfunc_end0:
.L_simem_size_0:
called_computation_lowered:
.L_overlay_start_0:
0x88: {  	s2 =	sld [smem:$0x3FD9]  }
0x89: {  	s3 =	sld [smem:$0x3FFE];
	_ =	sdelay $0x1  }
0x8a: {  	s1 =	srdreg.scid  }
0x8b: {  	s0 =	sand.u32 $0x1, s1  }
0x8c: {  	s14 =	sshll.u32 s0, $0xA;
	s2 =	sadd.s32 s3, s2  }
0x8d: {  	s2 =	sadd.s32 s2, s14  }
0x8e: {  	[smem:$0x3FBC] =	sst s2  }
0x8f: {  	_ = 	snop  }
0x90: {  	s2 =	sld [smem:$0x3FD0];
	_ =	sdelay $0x2  }
0x91: {  	s15 =	simm.s32 $0xA;
	s4 =	simm.s32 $0x10  }
0x92: {  	[smem:s4], [sflag:s15] =	dma.local [hbm:s2], $0x1  }
0x93: {  	_ =	swait.eq [sflag:s15], $0x1  }
0x94: {  	[sflag:s15] =	ssyncset.done $0x0  }
0x95: {  	s16 =	sld [smem:$0x10];
	[sflag:s15] =	ssyncadd.s32 $0xFFFFFFFF  }
0x96: {  	s17 =	sld [smem:$0x11];
	(tm) =	ssettm $0x1  }
0x97: {  	s18 =	sld [smem:$0x3FFB];
	_ =	sdelay $0x3  }
0x98: {  	_ =	strace s18  }
0x99: {  	s4 =	sld [smem:$0x3FFC];
	_ =	sdelay $0x3  }
0x9a: {  	_ =	strace s4  }
0x9b: {  	s4 =	sld [smem:$0x3FFD];
	_ =	sdelay $0x3  }
0x9c: {  	_ =	strace s4  }
0x9d: {  	_ =	strace $0x8FFFFFFF  }
0x9e: {  	s19 =	sld [smem:$0x3FDB];
	_ =	sdelay $0x1  }
0x9f: {  	s5 =	simm.s32 $_scs_section_size  }
0xa0: {  	s6 =	simm.s32 $_size__tile_overlayer_lowered;
	s7 =	simm.s32 $_tile_overlayer_lowered  }
0xa1: {  	s22 =	simm.s32 $0x1BFF;
	s21 =	sshll.u32 s7, $0x1;
	s4 =	sadd.s32 s5, s19  }
0xa2: {  	s8 =	simm.s32 $0x0;
	s20 =	sshll.u32 s6, $0x1;
	s6 =	sadd.s32 s21, s4  }
0xa3: {  	[timem:s8], [sflag:s22] =	dma.local [hbm:s6], s20  }
0xa4: {  	_ =	swait.ge [sflag:s22], s20  }
0xa5: {  	s5 =	ssub.s32 $0x0, s20;
	[sflag:s22] =	ssyncset.done $0x0  }
0xa6: {  	[sflag:s22] =	ssyncadd.s32 s5;
	_ =	sdelay $0x1  }
0xa7: {  	s23 =	simm.s32 $0x1B8B  }
0xa8: {  	_ =	swait.ge [sflag:s23], $0x1  }
0xa9: {  	[sflag:s23] =	ssyncset.done $0x0  }
0xaa: {  	s25 =	simm.s32 $0x1B8E;
	s24 =	sld [smem:$0x3FFE];
	[sflag:s23] =	ssyncadd.s32 $0xFFFFFFFF  }
0xab: {  	s26 =	simm.s32 $execute0_lowered;
	[smem:$0x3FD2] =	sst s25  }
0xac: {  	s6 =	sshll.u32 s26, $0x1;
	_ =	strace $0x80000046;
	[dreg:$0x1] =	wrdreg $0xFFFFFFFF  }
0xad: {  	s28 =	simm.s32 $_size_execute0_lowered;
	s4 =	sadd.s32 s4, s6;
	[dreg:$0x0] =	wrdreg $0x0  }
0xae: {  	s6 =	sshll.u32 s28, $0x1;
	[dreg:$0x2] =	wrdreg s4  }
0xaf: {  	[dreg:$0x3] =	wrdreg s6  }
0xb0: {  	[dreg:$0x4] =	wrdreg $0xC0  }
0xb1: {  	_ =	task [dreg:s8], $0x5FFFF  }
0xb2: {  	[dreg:$0x1] =	wrdreg $0xFFFFFFFF  }
0xb3: {  	[dreg:$0x0] =	wrdreg $0x60  }
0xb4: {  	[dreg:$0x2] =	wrdreg s16  }
0xb5: {  	[dreg:$0x3] =	wrdreg s17  }
0xb6: {  	[dreg:$0x4] =	wrdreg s24  }
0xb7: {  	[dreg:$0x5] =	wrdreg $0x9  }
0xb8: {  	_ =	task.clear_ibuf [dreg:s8], $0x6FFFF;
	_ =	strace $0x90000046  }
0xb9: {  	s29 =	simm.s32 $0x9;
	_ =	strace $0x80000048  }
0xba: {  	_ =	swait.ge [sflag:s29], $0x1  }
0xbb: {  	[sflag:s29] =	ssyncadd.s32 $0xFFFFFFFF  }
0xbc: {  	_ =	strace $0x90000048  }
0xbd: {  	_ =	sfence  }
0xbe: {  	s30 =	sld [smem:$0x0];
	_ =	sdelay $0x2  }
0xbf: {  	s31 =	sshll.u32 s1, $0xD;
	s1 =	sshrl.u32 s1, $0x2  }
0xc0: {  	s3 =	sand.u32 $0x4000, s31;
	s1 =	sadd.s32 s1, s30  }
0xc1: {  	s0 =	sor.u32 s3, s0;
	s1 =	sshll.u32 s1, $0x11  }
0xc2: {  	s0 =	sor.u32 s1, s0  }
0xc3: {  	s0 =	sadd.s32 $0x8F2B, s0  }
0xc4: {  	[sflag:s0] =	ssyncadd.remote.s32 $0x1  }
0xc5: {  	_ =	sfence.sel $0xFFFF  }
0xc6: {  	[dreg:$0x0] =	wrdreg $0xFFFFFFFF;
	(pc) =	sbr.abs _section_cstart, $3  }
0xc7: {  	[dreg:$0x1] =	wrdreg $0xFFFFFFFF  }
0xc8: {  	_ =	task.clear_ibuf [dreg:s8], $0x2FFFF;
	_ =	strace $0x9FFFFFFF  }
0xc9: {  	(tm) =	ssettm $0x7FFFFFFF  }
tec
execute0_lowered:
.L_overlay_start_1:
0x0: {  	(tag) =	ssettag $0x1  }
0x1: {  	s1 =	rddreg [dreg:$0x0];
	s2 =	srdreg.scid  }
0x2: {  	s0 =	stileid.u32;
	s3 =	rddreg [dreg:$0x1]  }
0x3: {  	s6 =	rddreg [dreg:$0x2];
	s10 =	simm.s32 $0x2710;
	s11 =	simm.s32 $0x1  }
0x4: {  	s12 =	simm.s32 $0x50;
	s13 =	simm.s32 $0x4E20;
	s14 =	simm.s32 $0x6220  }
0x5: {  	s15 =	simm.s32 $0x8A20;
	s16 =	simm.s32 $0x2760;
	s17 =	simm.s32 $0x9E20  }
0x6: {  	s18 =	simm.s32 $0x2;
	s2 =	sand.u32 $0x1, s2;
	s4 =	sshll.u32 s0, $0x1  }
0x7: {  	s19 =	simm.s32 $0x7620;
	s20 =	simm.s32 $0x4;
	s5 =	sor.u32 s2, s4  }
0x8: {  	s21 =	simm.s32 $0x5;
	s22 =	simm.s32 $0x3;
	s5 =	smul.u32 $0x2710, s5  }
.Ltmp0:
0x9: {  	s23 =	simm.s32 $0xB220;
	s4 =	simm.s32 $0x0;
	(pc) =	sbr.rel .LBB2_1-.Ltmp0, $4  }
0xa: {  	s24 =	simm.s32 $0x0;
	s2 =	ssub.s32 $0x2, s2;
	[smem:$0x7FF] =	sst s4  }
0xb: {  	s8 =	sshrl.u32 s2, $0x1;
	_ =	strace $0x80000047;
	s7 =	sshrl.u32 s5, $0x3  }
0xc: {  	s2 =	ssub.s32 s2, s8;
	s9 =	sadd.s32 s7, s6;
	s6 =	sadd.s32 $0x17800, s6  }
0xd: {  	s7 =	sadd.s32 $0x3C00, s9;
	s8 =	sadd.s32 $0xDA00, s9;
	s9 =	smax.u32 s2, $0x1  }
.LBB2_10:
0xe: {  	s24 =	sadd.s32 $0x1, s24  }
0xf: {  	_ =	swait.ge [sflag:s20], $0x1400;
	p0 =	sne.s32 s24, s9  }
.Ltmp1:
0x10: {  	[sflag:s20] =	ssyncset.done $0x0;
	(pc) =	sbr.rel @!p0 .LBB2_11-.Ltmp1, $4  }
0x11: {  	[sflag:s20] =	ssyncadd.s32 $0xFFFFEC00  }
0x12: {  	_ =	swait.ge [sflag:s21], $0x1400  }
0x13: {  	[sflag:s21] =	ssyncset.done $0x0  }
0x14: {  	[sflag:s21] =	ssyncadd.s32 $0xFFFFEC00  }
.LBB2_1:
0x15: {  	[tilespmem:s4], [sflag:$0x1] =	stream.linear.gather [hbm4b:s7+s4], $0x2710, $0x38;
	[tilespmem:$0xC620] =	vst v63  }
0x16: {  	_ = 	snop  }
0x17: {  	[tilespmem:s10], [sflag:$0x1] =	stream.linear.gather [hbm4b:s8+s4], $0x2710, $0x38;
	[tilespmem:$0xC620] =	vst v63  }
0x18: {  	_ =	swait.ge [sflag:s11], $0x2710  }
0x19: {  	[sflag:s11] =	ssyncset.done $0x0  }
0x1a: {  	[sflag:s11] =	ssyncadd.s32 $0xFFFFD8F0  }
0x1b: {  	_ =	swait.ge [sflag:s11], $0x2710  }
0x1c: {  	[sflag:s11] =	ssyncset.done $0x0  }
0x1d: {  	[sflag:s11] =	ssyncadd.s32 $0xFFFFD8F0  }
0x1e: {  	[tilespmem:s13], [sflag:$0x2] =	stream.indirect.gather [hbm4b:s1+s12], $0x40, s4, s12, $0xb8;
	[tilespmem:$0xC620] =	vst v63  }
0x1f: {  	_ = 	snop  }
0x20: {  	[tilespmem:s14], [sflag:$0x2] =	stream.indirect.gather [hbm4b:s3+s12], $0x40, s10, s12, $0xb8;
	[tilespmem:$0xC620] =	vst v63  }
.Ltmp2:
0x21: {  	_ = 	snop;
	(pc) =	sbr.rel .LBB2_2-.Ltmp2, $4  }
0x22: {  	_ = 	snop  }
0x23: {  	[tilespmem:s15], [sflag:$0x3] =	stream.indirect.gather [hbm4b:s1+s12], $0x40, s12, s12, $0xb8;
	[tilespmem:$0xC620] =	vst v63  }
0x24: {  	s25 =	simm.s32 $0x0  }
0x25: {  	[tilespmem:s17], [sflag:$0x3] =	stream.indirect.gather [hbm4b:s3+s12], $0x40, s16, s12, $0xb8;
	[tilespmem:$0xC620] =	vst v63  }
.LBB2_9:
0x26: {  	s25 =	sadd.s32 $0x1, s25  }
0x27: {  	p0 =	sne.s32 s25, $0x3F  }
.Ltmp3:
0x28: {  	_ = 	snop;
	(pc) =	sbr.rel @!p0 .LBB2_10-.Ltmp3, $1  }
0x29: {  	_ =	sdelay $0x3  }
.LBB2_2:
0x2a: {  	_ =	swait.ge [sflag:s18], $0x1400  }
0x2b: {  	[sflag:s18] =	ssyncset.done $0x0  }
0x2c: {  	[sflag:s18] =	ssyncadd.s32 $0xFFFFEC00  }
0x2d: {  	_ =	swait.ge [sflag:s18], $0x1400  }
0x2e: {  	p0 =	seq.s32 s25, $0x0;
	[sflag:s18] =	ssyncset.done $0x0  }
0x2f: {  	s2 =	simm.s32 @!p0 $0x4;
	[sflag:s18] =	ssyncadd.s32 $0xFFFFEC00  }
0x30: {  	_ =	swait.ge @!p0 [sflag:s2], $0x1400  }
0x31: {  	[sflag:s2] =	ssyncset.done @!p0 $0x0  }
0x32: {  	s29 =	simm.s32 $0x0;
	[sflag:s2] =	ssyncadd.s32 @!p0 $0xFFFFEC00  }
0x33: {  	v0 =	vld [tilespmem:s29+$0x5010]  }
0x34: {  	v1 =	vld [tilespmem:s29+$0x6410]  }
0x35: {  	v2 =	vld [tilespmem:s29+$0x4E20]  }
0x36: {  	v3 =	vld [tilespmem:s29+$0x6220]  }
0x37: {  	v4 =	vld [tilespmem:s29+$0x4E30]  }
0x38: {  	v5 =	vld [tilespmem:s29+$0x6230]  }
0x39: {  	v6 =	vld [tilespmem:s29+$0x4E40]  }
0x3a: {  	v7 =	vld [tilespmem:s29+$0x4E50]  }
0x3b: {  	v0 =	vadd.f32 v1, v0;
	v1 =	vld [tilespmem:s29+$0x6240]  }
0x3c: {  	v2 =	vadd.f32 v3, v2;
	v3 =	vld [tilespmem:s29+$0x4E60]  }
0x3d: {  	[tilespmem:s29+$0x7810] =	vst v0;
	v0 =	vld [tilespmem:s29+$0x6250]  }
0x3e: {  	[tilespmem:s29+$0x7620] =	vst v2;
	v2 =	vadd.f32 v5, v4;
	v4 =	vld [tilespmem:s29+$0x6260]  }
0x3f: {  	v5 =	vld [tilespmem:s29+$0x6270]  }
0x40: {  	[tilespmem:s29+$0x7630] =	vst v2;
	v2 =	vld [tilespmem:s29+$0x4E70];
	v1 =	vadd.f32 v1, v6  }
0x41: {  	v6 =	vld [tilespmem:s29+$0x6280]  }
0x42: {  	[tilespmem:s29+$0x7640] =	vst v1;
	v0 =	vadd.f32 v0, v7;
	v1 =	vld [tilespmem:s29+$0x4E80]  }
0x43: {  	v7 =	vld [tilespmem:s29+$0x63D0]  }
0x44: {  	[tilespmem:s29+$0x7650] =	vst v0;
	v0 =	vadd.f32 v4, v3;
	v3 =	vld [tilespmem:s29+$0x4E90]  }
0x45: {  	v4 =	vld [tilespmem:s29+$0x6290]  }
0x46: {  	[tilespmem:s29+$0x7660] =	vst v0;
	v0 =	vadd.f32 v5, v2;
	v2 =	vld [tilespmem:s29+$0x4EA0]  }
0x47: {  	v5 =	vld [tilespmem:s29+$0x62A0]  }
0x48: {  	[tilespmem:s29+$0x7670] =	vst v0;
	v0 =	vadd.f32 v6, v1;
	v1 =	vld [tilespmem:s29+$0x4EB0]  }
0x49: {  	v6 =	vld [tilespmem:s29+$0x62B0]  }
0x4a: {  	[tilespmem:s29+$0x7680] =	vst v0;
	v0 =	vadd.f32 v4, v3;
	v3 =	vld [tilespmem:s29+$0x4EC0]  }
0x4b: {  	v4 =	vld [tilespmem:s29+$0x62C0]  }
0x4c: {  	[tilespmem:s29+$0x7690] =	vst v0;
	v0 =	vadd.f32 v5, v2;
	v2 =	vld [tilespmem:s29+$0x4ED0]  }
0x4d: {  	v5 =	vld [tilespmem:s29+$0x62D0]  }
0x4e: {  	[tilespmem:s29+$0x76A0] =	vst v0;
	v0 =	vadd.f32 v6, v1;
	v1 =	vld [tilespmem:s29+$0x4EE0]  }
0x4f: {  	v6 =	vld [tilespmem:s29+$0x62E0]  }
0x50: {  	[tilespmem:s29+$0x76B0] =	vst v0;
	v0 =	vadd.f32 v4, v3;
	v3 =	vld [tilespmem:s29+$0x4EF0]  }
0x51: {  	v4 =	vld [tilespmem:s29+$0x62F0]  }
0x52: {  	[tilespmem:s29+$0x76C0] =	vst v0;
	v0 =	vadd.f32 v5, v2;
	v2 =	vld [tilespmem:s29+$0x4F00]  }
0x53: {  	v5 =	vld [tilespmem:s29+$0x6300]  }
0x54: {  	[tilespmem:s29+$0x76D0] =	vst v0;
	v0 =	vadd.f32 v6, v1;
	v1 =	vld [tilespmem:s29+$0x4F10]  }
0x55: {  	v6 =	vld [tilespmem:s29+$0x6310]  }
0x56: {  	[tilespmem:s29+$0x76E0] =	vst v0;
	v0 =	vadd.f32 v4, v3;
	v3 =	vld [tilespmem:s29+$0x4F20]  }
0x57: {  	v4 =	vld [tilespmem:s29+$0x6320]  }
0x58: {  	[tilespmem:s29+$0x76F0] =	vst v0;
	v0 =	vadd.f32 v5, v2;
	v2 =	vld [tilespmem:s29+$0x4F30]  }
0x59: {  	v5 =	vld [tilespmem:s29+$0x6330]  }
0x5a: {  	[tilespmem:s29+$0x7700] =	vst v0;
	v0 =	vadd.f32 v6, v1;
	v1 =	vld [tilespmem:s29+$0x4F40]  }
0x5b: {  	v6 =	vld [tilespmem:s29+$0x6340]  }
0x5c: {  	[tilespmem:s29+$0x7710] =	vst v0;
	v0 =	vadd.f32 v4, v3;
	v3 =	vld [tilespmem:s29+$0x4F50]  }
0x5d: {  	v4 =	vld [tilespmem:s29+$0x6350]  }
0x5e: {  	[tilespmem:s29+$0x7720] =	vst v0;
	v0 =	vadd.f32 v5, v2;
	v2 =	vld [tilespmem:s29+$0x4F60]  }
0x5f: {  	v5 =	vld [tilespmem:s29+$0x6360]  }
0x60: {  	[tilespmem:s29+$0x7730] =	vst v0;
	v0 =	vadd.f32 v6, v1;
	v1 =	vld [tilespmem:s29+$0x4F70]  }
0x61: {  	v6 =	vld [tilespmem:s29+$0x6370]  }
0x62: {  	[tilespmem:s29+$0x7740] =	vst v0;
	v0 =	vadd.f32 v4, v3;
	v3 =	vld [tilespmem:s29+$0x4F80]  }
0x63: {  	v4 =	vld [tilespmem:s29+$0x6380]  }
0x64: {  	[tilespmem:s29+$0x7750] =	vst v0;
	v0 =	vadd.f32 v5, v2;
	v2 =	vld [tilespmem:s29+$0x4F90]  }
0x65: {  	v5 =	vld [tilespmem:s29+$0x6390]  }
0x66: {  	[tilespmem:s29+$0x7760] =	vst v0;
	v0 =	vadd.f32 v6, v1;
	v1 =	vld [tilespmem:s29+$0x4FA0]  }
0x67: {  	v6 =	vld [tilespmem:s29+$0x63A0]  }
0x68: {  	[tilespmem:s29+$0x7770] =	vst v0;
	v0 =	vadd.f32 v4, v3;
	v3 =	vld [tilespmem:s29+$0x4FB0]  }
0x69: {  	v4 =	vld [tilespmem:s29+$0x63B0]  }
0x6a: {  	[tilespmem:s29+$0x7780] =	vst v0;
	v0 =	vadd.f32 v5, v2;
	v2 =	vld [tilespmem:s29+$0x4FC0]  }
0x6b: {  	v5 =	vld [tilespmem:s29+$0x63C0]  }
0x6c: {  	[tilespmem:s29+$0x7790] =	vst v0;
	v0 =	vadd.f32 v6, v1;
	v6 =	vld [tilespmem:s29+$0x4FD0]  }
0x6d: {  	v8 =	vld [tilespmem:s29+$0x4FE0]  }
0x6e: {  	v9 =	vld [tilespmem:s29+$0x63E0];
	[tilespmem:s29+$0x77A0] =	vst v0;
	v0 =	vadd.f32 v4, v3  }
0x6f: {  	v1 =	vld [tilespmem:s29+$0x4FF0]  }
0x70: {  	v3 =	vld [tilespmem:s29+$0x63F0];
	[tilespmem:s29+$0x77B0] =	vst v0;
	v0 =	vadd.f32 v5, v2  }
0x71: {  	s26 =	smul.u32 $0xA0, s25;
	v4 =	vld [tilespmem:s29+$0x6400];
	v5 =	vadd.f32 v7, v6  }
0x72: {  	s2 =	simm.s32 $0x200;
	[tilespmem:s29+$0x77C0] =	vst v0;
	v0 =	vld [tilespmem:s29+$0x5000]  }
0x73: {  	s28 =	sshll.u32 s25, $0x1;
	s31 =	simm.s32 $0x1000;
	s30 =	sadd.s32 s5, s26;
	v2 =	vld [tilespmem:s2+$0x5010];
	[tilespmem:s29+$0x77D0] =	vst v5;
	v5 =	vadd.f32 v9, v8  }
.LBB2_3:
0x74: {  	p1 =	sne.s32 s31, $0x4800;
	v6 =	vld [tilespmem:s2+$0x6410]  }
0x75: {  	v7 =	vld [tilespmem:s2+$0x4E20];
	[tilespmem:s29+$0x77E0] =	vst v5;
	v1 =	vadd.f32 v3, v1  }
0x76: {  	v3 =	vld [tilespmem:s2+$0x6220]  }
0x77: {  	v5 =	vld [tilespmem:s2+$0x4E30];
	[tilespmem:s29+$0x77F0] =	vst v1;
	v0 =	vadd.f32 v4, v0  }
0x78: {  	v1 =	vld [tilespmem:s2+$0x6230]  }
0x79: {  	v4 =	vld [tilespmem:s2+$0x4E40];
	v2 =	vadd.f32 v6, v2;
	[tilespmem:s29+$0x7800] =	vst v0;
	s29 =	smov.u32 s2  }
0x7a: {  	v0 =	vld [tilespmem:s29+$0x6240]  }
0x7b: {  	v3 =	vadd.f32 v3, v7;
	v6 =	vld [tilespmem:s29+$0x4E50];
	[tilespmem:s29+$0x7810] =	vst v2  }
0x7c: {  	v2 =	vld [tilespmem:s29+$0x6250]  }
0x7d: {  	[tilespmem:s29+$0x7620] =	vst v3;
	v1 =	vadd.f32 v1, v5;
	v3 =	vld [tilespmem:s29+$0x4E60]  }
0x7e: {  	v5 =	vld [tilespmem:s29+$0x6260]  }
0x7f: {  	[tilespmem:s29+$0x7630] =	vst v1;
	v0 =	vadd.f32 v0, v4;
	v1 =	vld [tilespmem:s29+$0x4E70]  }
0x80: {  	v4 =	vld [tilespmem:s29+$0x6270]  }
0x81: {  	[tilespmem:s29+$0x7640] =	vst v0;
	v0 =	vadd.f32 v2, v6;
	v2 =	vld [tilespmem:s29+$0x4E80]  }
0x82: {  	v6 =	vld [tilespmem:s29+$0x6280]  }
0x83: {  	[tilespmem:s29+$0x7650] =	vst v0;
	v0 =	vadd.f32 v5, v3;
	v3 =	vld [tilespmem:s29+$0x4E90]  }
0x84: {  	v5 =	vld [tilespmem:s29+$0x6290]  }
0x85: {  	[tilespmem:s29+$0x7660] =	vst v0;
	v0 =	vadd.f32 v4, v1;
	v1 =	vld [tilespmem:s29+$0x4EA0]  }
0x86: {  	v4 =	vld [tilespmem:s29+$0x62A0]  }
0x87: {  	[tilespmem:s29+$0x7670] =	vst v0;
	v0 =	vadd.f32 v6, v2;
	v2 =	vld [tilespmem:s29+$0x4EB0]  }
0x88: {  	v6 =	vld [tilespmem:s29+$0x62B0]  }
0x89: {  	[tilespmem:s29+$0x7680] =	vst v0;
	v0 =	vadd.f32 v5, v3;
	v3 =	vld [tilespmem:s29+$0x4EC0]  }
0x8a: {  	v5 =	vld [tilespmem:s29+$0x62C0]  }
0x8b: {  	[tilespmem:s29+$0x7690] =	vst v0;
	v0 =	vadd.f32 v4, v1;
	v1 =	vld [tilespmem:s29+$0x4ED0]  }
0x8c: {  	v4 =	vld [tilespmem:s29+$0x62D0]  }
0x8d: {  	[tilespmem:s29+$0x76A0] =	vst v0;
	v0 =	vadd.f32 v6, v2;
	v2 =	vld [tilespmem:s29+$0x4EE0]  }
0x8e: {  	v6 =	vld [tilespmem:s29+$0x62E0]  }
0x8f: {  	[tilespmem:s29+$0x76B0] =	vst v0;
	v0 =	vadd.f32 v5, v3;
	v3 =	vld [tilespmem:s29+$0x4EF0]  }
0x90: {  	v5 =	vld [tilespmem:s29+$0x62F0]  }
0x91: {  	[tilespmem:s29+$0x76C0] =	vst v0;
	v0 =	vadd.f32 v4, v1;
	v1 =	vld [tilespmem:s29+$0x4F00]  }
0x92: {  	v4 =	vld [tilespmem:s29+$0x6300]  }
0x93: {  	[tilespmem:s29+$0x76D0] =	vst v0;
	v0 =	vadd.f32 v6, v2;
	v2 =	vld [tilespmem:s29+$0x4F10]  }
0x94: {  	v6 =	vld [tilespmem:s29+$0x6310]  }
0x95: {  	[tilespmem:s29+$0x76E0] =	vst v0;
	v0 =	vadd.f32 v5, v3;
	v3 =	vld [tilespmem:s29+$0x4F20]  }
0x96: {  	v5 =	vld [tilespmem:s29+$0x6320]  }
0x97: {  	[tilespmem:s29+$0x76F0] =	vst v0;
	v0 =	vadd.f32 v4, v1;
	v1 =	vld [tilespmem:s29+$0x4F30]  }
0x98: {  	v4 =	vld [tilespmem:s29+$0x6330]  }
0x99: {  	[tilespmem:s29+$0x7700] =	vst v0;
	v0 =	vadd.f32 v6, v2;
	v2 =	vld [tilespmem:s29+$0x4F40]  }
0x9a: {  	v6 =	vld [tilespmem:s29+$0x6340]  }
0x9b: {  	[tilespmem:s29+$0x7710] =	vst v0;
	v0 =	vadd.f32 v5, v3;
	v3 =	vld [tilespmem:s29+$0x4F50]  }
0x9c: {  	v5 =	vld [tilespmem:s29+$0x6350]  }
0x9d: {  	[tilespmem:s29+$0x7720] =	vst v0;
	v0 =	vadd.f32 v4, v1;
	v1 =	vld [tilespmem:s29+$0x4F60]  }
0x9e: {  	v4 =	vld [tilespmem:s29+$0x6360]  }
0x9f: {  	[tilespmem:s29+$0x7730] =	vst v0;
	v0 =	vadd.f32 v6, v2;
	v2 =	vld [tilespmem:s29+$0x4F70]  }
0xa0: {  	v6 =	vld [tilespmem:s29+$0x6370]  }
0xa1: {  	[tilespmem:s29+$0x7740] =	vst v0;
	v0 =	vadd.f32 v5, v3;
	v3 =	vld [tilespmem:s29+$0x4F80]  }
0xa2: {  	v5 =	vld [tilespmem:s29+$0x6380]  }
0xa3: {  	[tilespmem:s29+$0x7750] =	vst v0;
	v0 =	vadd.f32 v4, v1;
	v1 =	vld [tilespmem:s29+$0x4F90]  }
0xa4: {  	v4 =	vld [tilespmem:s29+$0x6390]  }
0xa5: {  	[tilespmem:s29+$0x7760] =	vst v0;
	v0 =	vadd.f32 v6, v2;
	v2 =	vld [tilespmem:s29+$0x4FA0]  }
0xa6: {  	v6 =	vld [tilespmem:s29+$0x63A0]  }
0xa7: {  	[tilespmem:s29+$0x7770] =	vst v0;
	v0 =	vadd.f32 v5, v3;
	v3 =	vld [tilespmem:s29+$0x4FB0]  }
0xa8: {  	v5 =	vld [tilespmem:s29+$0x63B0]  }
0xa9: {  	[tilespmem:s29+$0x7780] =	vst v0;
	v0 =	vadd.f32 v4, v1;
	v1 =	vld [tilespmem:s29+$0x4FC0]  }
0xaa: {  	v4 =	vld [tilespmem:s29+$0x63C0]  }
0xab: {  	[tilespmem:s29+$0x7790] =	vst v0;
	v0 =	vadd.f32 v6, v2;
	v2 =	vld [tilespmem:s29+$0x4FD0]  }
0xac: {  	v6 =	vld [tilespmem:s29+$0x63D0]  }
0xad: {  	[tilespmem:s29+$0x77A0] =	vst v0;
	v0 =	vadd.f32 v5, v3;
	v5 =	vld [tilespmem:s29+$0x4FE0]  }
0xae: {  	v7 =	vld [tilespmem:s29+$0x63E0]  }
.Ltmp4:
0xaf: {  	[tilespmem:s29+$0x77B0] =	vst v0;
	v0 =	vadd.f32 v4, v1;
	v1 =	vld [tilespmem:s29+$0x4FF0];
	(pc) =	sbr.rel @p1 .LBB2_3-.Ltmp4, $4  }
0xb0: {  	v3 =	vld [tilespmem:s29+$0x63F0]  }
0xb1: {  	[tilespmem:s29+$0x77C0] =	vst v0;
	v6 =	vadd.f32 v6, v2;
	v0 =	vld [tilespmem:s29+$0x5000]  }
0xb2: {  	s2 =	sshra.s32 s31, $0x2;
	v4 =	vld [tilespmem:s29+$0x6400]  }
0xb3: {  	s31 =	sadd.s32 $0x800, s31;
	v2 =	vld [tilespmem:s2+$0x5010];
	[tilespmem:s29+$0x77D0] =	vst v6;
	v5 =	vadd.f32 v7, v5  }
0xb4: {  	v6 =	vld [tilespmem:s2+$0x6410]  }
0xb5: {  	v7 =	vld [tilespmem:s2+$0x4E20];
	[tilespmem:s29+$0x77E0] =	vst v5;
	v1 =	vadd.f32 v3, v1  }
0xb6: {  	v34 =	vld [tilespmem:s2+$0x6220]  }
0xb7: {  	v5 =	vld [tilespmem:s2+$0x4E30];
	[tilespmem:s29+$0x77F0] =	vst v1;
	v0 =	vadd.f32 v4, v0  }
0xb8: {  	v1 =	vld [tilespmem:s2+$0x6230]  }
0xb9: {  	v35 =	vld [tilespmem:s2+$0x4E40];
	[tilespmem:s29+$0x7800] =	vst v0  }
0xba: {  	v37 =	vld [tilespmem:s2+$0x6240]  }
0xbb: {  	v38 =	vld [tilespmem:s2+$0x4E50]  }
0xbc: {  	v39 =	vld [tilespmem:s2+$0x6250]  }
0xbd: {  	v40 =	vld [tilespmem:s2+$0x4E60]  }
0xbe: {  	v41 =	vld [tilespmem:s2+$0x6260]  }
0xbf: {  	v43 =	vld [tilespmem:s2+$0x4E70]  }
0xc0: {  	v44 =	vld [tilespmem:s2+$0x6270]  }
0xc1: {  	v45 =	vld [tilespmem:s2+$0x4E80]  }
0xc2: {  	v46 =	vld [tilespmem:s2+$0x6280]  }
0xc3: {  	v48 =	vld [tilespmem:s2+$0x4E90]  }
0xc4: {  	v49 =	vld [tilespmem:s2+$0x6290]  }
0xc5: {  	v51 =	vld [tilespmem:s2+$0x4EA0]  }
0xc6: {  	v52 =	vld [tilespmem:s2+$0x62A0]  }
0xc7: {  	v54 =	vld [tilespmem:s2+$0x4EB0]  }
0xc8: {  	v55 =	vld [tilespmem:s2+$0x62B0]  }
0xc9: {  	v57 =	vld [tilespmem:s2+$0x4EC0]  }
0xca: {  	v58 =	vld [tilespmem:s2+$0x62C0]  }
0xcb: {  	v60 =	vld [tilespmem:s2+$0x4ED0]  }
0xcc: {  	v61 =	vld [tilespmem:s2+$0x62D0]  }
0xcd: {  	v63 =	vld [tilespmem:s2+$0x4EE0]  }
0xce: {  	v9 =	vld [tilespmem:s2+$0x62E0]  }
0xcf: {  	v11 =	vld [tilespmem:s2+$0x4EF0]  }
0xd0: {  	v12 =	vld [tilespmem:s2+$0x62F0]  }
0xd1: {  	v14 =	vld [tilespmem:s2+$0x4F00]  }
0xd2: {  	v15 =	vld [tilespmem:s2+$0x6300]  }
0xd3: {  	v17 =	vld [tilespmem:s2+$0x4F10]  }
0xd4: {  	v18 =	vld [tilespmem:s2+$0x6310]  }
0xd5: {  	v20 =	vld [tilespmem:s2+$0x4F20]  }
0xd6: {  	v21 =	vld [tilespmem:s2+$0x6320]  }
0xd7: {  	v23 =	vld [tilespmem:s2+$0x4F30]  }
0xd8: {  	v36 =	vadd.f32 v6, v2;
	v24 =	vld [tilespmem:s2+$0x6330]  }
0xd9: {  	v26 =	vld [tilespmem:s2+$0x4F40];
	v3 =	vadd.f32 v34, v7  }
0xda: {  	v27 =	vld [tilespmem:s2+$0x6340];
	[tilespmem:s2+$0x7810] =	vst v36;
	v1 =	vadd.f32 v1, v5  }
0xdb: {  	v29 =	vld [tilespmem:s2+$0x4F50];
	[tilespmem:s2+$0x7620] =	vst v3;
	v42 =	vadd.f32 v37, v35  }
0xdc: {  	v30 =	vld [tilespmem:s2+$0x6350];
	[tilespmem:s2+$0x7630] =	vst v1;
	v0 =	vadd.f32 v39, v38  }
0xdd: {  	v32 =	vld [tilespmem:s2+$0x4F60];
	v47 =	vadd.f32 v41, v40;
	[tilespmem:s2+$0x7640] =	vst v42  }
0xde: {  	v33 =	vld [tilespmem:s2+$0x6360];
	v50 =	vadd.f32 v44, v43;
	[tilespmem:s2+$0x7650] =	vst v0  }
0xdf: {  	v36 =	vld [tilespmem:s2+$0x6370];
	v53 =	vadd.f32 v46, v45;
	[tilespmem:s2+$0x7660] =	vst v47  }
0xe0: {  	v56 =	vadd.f32 v49, v48;
	v35 =	vld [tilespmem:s2+$0x4F70];
	[tilespmem:s2+$0x7670] =	vst v50  }
0xe1: {  	v59 =	vadd.f32 v52, v51;
	v38 =	vld [tilespmem:s2+$0x4F80];
	[tilespmem:s2+$0x7680] =	vst v53  }
0xe2: {  	v62 =	vadd.f32 v55, v54;
	v39 =	vld [tilespmem:s2+$0x6380];
	[tilespmem:s2+$0x7690] =	vst v56  }
0xe3: {  	v10 =	vadd.f32 v58, v57;
	v41 =	vld [tilespmem:s2+$0x4F90];
	[tilespmem:s2+$0x76A0] =	vst v59  }
0xe4: {  	v13 =	vadd.f32 v61, v60;
	v44 =	vld [tilespmem:s2+$0x4FA0];
	[tilespmem:s2+$0x76B0] =	vst v62  }
0xe5: {  	v16 =	vadd.f32 v9, v63;
	v45 =	vld [tilespmem:s2+$0x63A0];
	[tilespmem:s2+$0x76C0] =	vst v10  }
0xe6: {  	v19 =	vadd.f32 v12, v11;
	v48 =	vld [tilespmem:s2+$0x63B0];
	[tilespmem:s2+$0x76D0] =	vst v13  }
0xe7: {  	v22 =	vadd.f32 v15, v14;
	v51 =	vld [tilespmem:s2+$0x63C0];
	[tilespmem:s2+$0x76E0] =	vst v16  }
0xe8: {  	v25 =	vadd.f32 v18, v17;
	v54 =	vld [tilespmem:s2+$0x63D0];
	[tilespmem:s2+$0x76F0] =	vst v19  }
0xe9: {  	v28 =	vadd.f32 v21, v20;
	v57 =	vld [tilespmem:s2+$0x63E0];
	[tilespmem:s2+$0x7700] =	vst v22  }
0xea: {  	v31 =	vadd.f32 v24, v23;
	v60 =	vld [tilespmem:s2+$0x63F0];
	[tilespmem:s2+$0x7710] =	vst v25  }
0xeb: {  	v34 =	vadd.f32 v27, v26;
	v61 =	vld [tilespmem:s2+$0x5000];
	[tilespmem:s2+$0x7720] =	vst v28  }
0xec: {  	v37 =	vadd.f32 v30, v29;
	[tilespmem:s2+$0x7730] =	vst v31;
	v42 =	vld [tilespmem:s2+$0x6390]  }
0xed: {  	v40 =	vadd.f32 v33, v32;
	[tilespmem:s2+$0x7740] =	vst v34;
	v47 =	vld [tilespmem:s2+$0x4FB0]  }
0xee: {  	[tilespmem:s2+$0x7750] =	vst v37;
	v50 =	vld [tilespmem:s2+$0x4FC0];
	v43 =	vadd.f32 v36, v35  }
0xef: {  	[tilespmem:s2+$0x7760] =	vst v40;
	v53 =	vld [tilespmem:s2+$0x4FD0];
	v46 =	vadd.f32 v39, v38  }
0xf0: {  	v56 =	vld [tilespmem:s2+$0x4FE0];
	v52 =	vadd.f32 v45, v44;
	[tilespmem:s2+$0x7770] =	vst v43  }
0xf1: {  	v59 =	vld [tilespmem:s2+$0x4FF0];
	[tilespmem:s2+$0x7780] =	vst v46;
	v49 =	vadd.f32 v42, v41  }
0xf2: {  	v62 =	vld [tilespmem:s2+$0x6400];
	[tilespmem:s2+$0x77A0] =	vst v52;
	v55 =	vadd.f32 v48, v47  }
0xf3: {  	v58 =	vadd.f32 v51, v50;
	[tilespmem:s2+$0x7790] =	vst v49  }
0xf4: {  	v1 =	vadd.f32 v54, v53;
	[tilespmem:s2+$0x77B0] =	vst v55  }
0xf5: {  	p1 =	seq.s32 s25, $0x3E;
	v3 =	vadd.f32 v57, v56;
	[tilespmem:s2+$0x77C0] =	vst v58  }
.Ltmp5:
0xf6: {  	v63 =	vadd.f32 v60, v59;
	[tilespmem:s2+$0x77D0] =	vst v1;
	(pc) =	sbr.rel @p1 .LBB2_10-.Ltmp5, $4  }
0xf7: {  	v0 =	vadd.f32 v62, v61;
	[tilespmem:s2+$0x77E0] =	vst v3  }
0xf8: {  	s30 =	sshll.u32 s30, $0x3;
	[tilespmem:s2+$0x77F0] =	vst v63  }
0xf9: {  	s31 =	sadd.s32 s6, s30;
	[tilespmem:s2+$0x7800] =	vst v0  }
0xfa: {  	[hbm4b:s31+s4] =	stream.linear.scatter [tilespmem:s19], [sflag:$0x4], $0x1400, $0x38;
	[tilespmem:$0xC620] =	vst v63  }
0xfb: {  	s2 =	sadd.s32 $0xA0, s26  }
0xfc: {  	[tilespmem:s13], [sflag:$0x2] =	stream.indirect.gather [hbm4b:s1+s12], $0x40, s2, s12, $0xb8;
	[tilespmem:$0xC620] =	vst v63  }
0xfd: {  	s2 =	sor.u32 $0x1, s28  }
0xfe: {  	p1 =	sgt.u32 s2, $0x7C  }
.Ltmp6:
0xff: {  	_ = 	snop;
	(pc) =	sbr.rel @p1 .LBB2_9-.Ltmp6, $3  }
0x100: {  	_ =	sdelay $0x1  }
0x101: {  	s31 =	sadd.s32 $0x27B0, s26  }
0x102: {  	[tilespmem:s14], [sflag:$0x2] =	stream.indirect.gather [hbm4b:s3+s12], $0x40, s31, s12, $0xb8;
	[tilespmem:$0xC620] =	vst v63  }
0x103: {  	_ =	swait.ge [sflag:s22], $0x1400  }
0x104: {  	[sflag:s22] =	ssyncset.done $0x0  }
0x105: {  	[sflag:s22] =	ssyncadd.s32 $0xFFFFEC00  }
0x106: {  	_ =	swait.ge [sflag:s22], $0x1400  }
0x107: {  	[sflag:s22] =	ssyncset.done $0x0  }
0x108: {  	s28 =	simm.s32 @!p0 $0x5;
	[sflag:s22] =	ssyncadd.s32 $0xFFFFEC00  }
0x109: {  	_ =	swait.ge @!p0 [sflag:s28], $0x1400  }
0x10a: {  	[sflag:s28] =	ssyncset.done @!p0 $0x0  }
0x10b: {  	[sflag:s28] =	ssyncadd.s32 @!p0 $0xFFFFEC00;
	s28 =	simm.s32 $0x0  }
0x10c: {  	v0 =	vld [tilespmem:s28+$0x8C10]  }
0x10d: {  	v1 =	vld [tilespmem:s28+$0xA010]  }
0x10e: {  	v2 =	vld [tilespmem:s28+$0x8A20]  }
0x10f: {  	v3 =	vld [tilespmem:s28+$0x9E20]  }
0x110: {  	v4 =	vld [tilespmem:s28+$0x8A30]  }
0x111: {  	v5 =	vld [tilespmem:s28+$0x9E30]  }
0x112: {  	v6 =	vld [tilespmem:s28+$0x8A40]  }
0x113: {  	v7 =	vld [tilespmem:s28+$0x8A50]  }
0x114: {  	v0 =	vadd.f32 v1, v0;
	v1 =	vld [tilespmem:s28+$0x9E40]  }
0x115: {  	v2 =	vadd.f32 v3, v2;
	v3 =	vld [tilespmem:s28+$0x8A60]  }
0x116: {  	[tilespmem:s28+$0xB410] =	vst v0;
	v0 =	vld [tilespmem:s28+$0x9E50]  }
0x117: {  	[tilespmem:s28+$0xB220] =	vst v2;
	v2 =	vadd.f32 v5, v4;
	v4 =	vld [tilespmem:s28+$0x9E60]  }
0x118: {  	v5 =	vld [tilespmem:s28+$0x9E70]  }
0x119: {  	[tilespmem:s28+$0xB230] =	vst v2;
	v2 =	vld [tilespmem:s28+$0x8A70];
	v1 =	vadd.f32 v1, v6  }
0x11a: {  	v6 =	vld [tilespmem:s28+$0x9E80]  }
0x11b: {  	[tilespmem:s28+$0xB240] =	vst v1;
	v0 =	vadd.f32 v0, v7;
	v1 =	vld [tilespmem:s28+$0x8A80]  }
0x11c: {  	v7 =	vld [tilespmem:s28+$0x9FD0]  }
0x11d: {  	[tilespmem:s28+$0xB250] =	vst v0;
	v0 =	vadd.f32 v4, v3;
	v3 =	vld [tilespmem:s28+$0x8A90]  }
0x11e: {  	v4 =	vld [tilespmem:s28+$0x9E90]  }
0x11f: {  	[tilespmem:s28+$0xB260] =	vst v0;
	v0 =	vadd.f32 v5, v2;
	v2 =	vld [tilespmem:s28+$0x8AA0]  }
0x120: {  	v5 =	vld [tilespmem:s28+$0x9EA0]  }
0x121: {  	[tilespmem:s28+$0xB270] =	vst v0;
	v0 =	vadd.f32 v6, v1;
	v1 =	vld [tilespmem:s28+$0x8AB0]  }
0x122: {  	v6 =	vld [tilespmem:s28+$0x9EB0]  }
0x123: {  	[tilespmem:s28+$0xB280] =	vst v0;
	v0 =	vadd.f32 v4, v3;
	v3 =	vld [tilespmem:s28+$0x8AC0]  }
0x124: {  	v4 =	vld [tilespmem:s28+$0x9EC0]  }
0x125: {  	[tilespmem:s28+$0xB290] =	vst v0;
	v0 =	vadd.f32 v5, v2;
	v2 =	vld [tilespmem:s28+$0x8AD0]  }
0x126: {  	v5 =	vld [tilespmem:s28+$0x9ED0]  }
0x127: {  	[tilespmem:s28+$0xB2A0] =	vst v0;
	v0 =	vadd.f32 v6, v1;
	v1 =	vld [tilespmem:s28+$0x8AE0]  }
0x128: {  	v6 =	vld [tilespmem:s28+$0x9EE0]  }
0x129: {  	[tilespmem:s28+$0xB2B0] =	vst v0;
	v0 =	vadd.f32 v4, v3;
	v3 =	vld [tilespmem:s28+$0x8AF0]  }
0x12a: {  	v4 =	vld [tilespmem:s28+$0x9EF0]  }
0x12b: {  	[tilespmem:s28+$0xB2C0] =	vst v0;
	v0 =	vadd.f32 v5, v2;
	v2 =	vld [tilespmem:s28+$0x8B00]  }
0x12c: {  	v5 =	vld [tilespmem:s28+$0x9F00]  }
0x12d: {  	[tilespmem:s28+$0xB2D0] =	vst v0;
	v0 =	vadd.f32 v6, v1;
	v1 =	vld [tilespmem:s28+$0x8B10]  }
0x12e: {  	v6 =	vld [tilespmem:s28+$0x9F10]  }
0x12f: {  	[tilespmem:s28+$0xB2E0] =	vst v0;
	v0 =	vadd.f32 v4, v3;
	v3 =	vld [tilespmem:s28+$0x8B20]  }
0x130: {  	v4 =	vld [tilespmem:s28+$0x9F20]  }
0x131: {  	[tilespmem:s28+$0xB2F0] =	vst v0;
	v0 =	vadd.f32 v5, v2;
	v2 =	vld [tilespmem:s28+$0x8B30]  }
0x132: {  	v5 =	vld [tilespmem:s28+$0x9F30]  }
0x133: {  	[tilespmem:s28+$0xB300] =	vst v0;
	v0 =	vadd.f32 v6, v1;
	v1 =	vld [tilespmem:s28+$0x8B40]  }
0x134: {  	v6 =	vld [tilespmem:s28+$0x9F40]  }
0x135: {  	[tilespmem:s28+$0xB310] =	vst v0;
	v0 =	vadd.f32 v4, v3;
	v3 =	vld [tilespmem:s28+$0x8B50]  }
0x136: {  	v4 =	vld [tilespmem:s28+$0x9F50]  }
0x137: {  	[tilespmem:s28+$0xB320] =	vst v0;
	v0 =	vadd.f32 v5, v2;
	v2 =	vld [tilespmem:s28+$0x8B60]  }
0x138: {  	v5 =	vld [tilespmem:s28+$0x9F60]  }
0x139: {  	[tilespmem:s28+$0xB330] =	vst v0;
	v0 =	vadd.f32 v6, v1;
	v1 =	vld [tilespmem:s28+$0x8B70]  }
0x13a: {  	v6 =	vld [tilespmem:s28+$0x9F70]  }
0x13b: {  	[tilespmem:s28+$0xB340] =	vst v0;
	v0 =	vadd.f32 v4, v3;
	v3 =	vld [tilespmem:s28+$0x8B80]  }
0x13c: {  	v4 =	vld [tilespmem:s28+$0x9F80]  }
0x13d: {  	[tilespmem:s28+$0xB350] =	vst v0;
	v0 =	vadd.f32 v5, v2;
	v2 =	vld [tilespmem:s28+$0x8B90]  }
0x13e: {  	v5 =	vld [tilespmem:s28+$0x9F90]  }
0x13f: {  	[tilespmem:s28+$0xB360] =	vst v0;
	v0 =	vadd.f32 v6, v1;
	v1 =	vld [tilespmem:s28+$0x8BA0]  }
0x140: {  	v6 =	vld [tilespmem:s28+$0x9FA0]  }
0x141: {  	[tilespmem:s28+$0xB370] =	vst v0;
	v0 =	vadd.f32 v4, v3;
	v3 =	vld [tilespmem:s28+$0x8BB0]  }
0x142: {  	v4 =	vld [tilespmem:s28+$0x9FB0]  }
0x143: {  	[tilespmem:s28+$0xB380] =	vst v0;
	v0 =	vadd.f32 v5, v2;
	v2 =	vld [tilespmem:s28+$0x8BC0]  }
0x144: {  	v5 =	vld [tilespmem:s28+$0x9FC0]  }
0x145: {  	[tilespmem:s28+$0xB390] =	vst v0;
	v0 =	vadd.f32 v6, v1;
	v6 =	vld [tilespmem:s28+$0x8BD0]  }
0x146: {  	v8 =	vld [tilespmem:s28+$0x8BE0]  }
0x147: {  	v9 =	vld [tilespmem:s28+$0x9FE0];
	[tilespmem:s28+$0xB3A0] =	vst v0;
	v0 =	vadd.f32 v4, v3  }
0x148: {  	v1 =	vld [tilespmem:s28+$0x8BF0]  }
0x149: {  	v3 =	vld [tilespmem:s28+$0x9FF0];
	[tilespmem:s28+$0xB3B0] =	vst v0;
	v0 =	vadd.f32 v5, v2  }
0x14a: {  	s29 =	smul.u32 $0x50, s2;
	v4 =	vld [tilespmem:s28+$0xA000];
	v5 =	vadd.f32 v7, v6  }
0x14b: {  	s2 =	simm.s32 $0x200;
	[tilespmem:s28+$0xB3C0] =	vst v0;
	v0 =	vld [tilespmem:s28+$0x8C00]  }
0x14c: {  	s30 =	simm.s32 $0x1000;
	s29 =	sadd.s32 s5, s29;
	v2 =	vld [tilespmem:s2+$0x8C10];
	[tilespmem:s28+$0xB3D0] =	vst v5;
	v5 =	vadd.f32 v9, v8  }
.LBB2_7:
0x14d: {  	p0 =	sne.s32 s30, $0x4800;
	v6 =	vld [tilespmem:s2+$0xA010]  }
0x14e: {  	v7 =	vld [tilespmem:s2+$0x8A20];
	[tilespmem:s28+$0xB3E0] =	vst v5;
	v1 =	vadd.f32 v3, v1  }
0x14f: {  	v3 =	vld [tilespmem:s2+$0x9E20]  }
0x150: {  	v5 =	vld [tilespmem:s2+$0x8A30];
	[tilespmem:s28+$0xB3F0] =	vst v1;
	v0 =	vadd.f32 v4, v0  }
0x151: {  	v1 =	vld [tilespmem:s2+$0x9E30]  }
0x152: {  	v4 =	vld [tilespmem:s2+$0x8A40];
	v2 =	vadd.f32 v6, v2;
	[tilespmem:s28+$0xB400] =	vst v0;
	s28 =	smov.u32 s2  }
0x153: {  	v0 =	vld [tilespmem:s28+$0x9E40]  }
0x154: {  	v3 =	vadd.f32 v3, v7;
	v6 =	vld [tilespmem:s28+$0x8A50];
	[tilespmem:s28+$0xB410] =	vst v2  }
0x155: {  	v2 =	vld [tilespmem:s28+$0x9E50]  }
0x156: {  	[tilespmem:s28+$0xB220] =	vst v3;
	v1 =	vadd.f32 v1, v5;
	v3 =	vld [tilespmem:s28+$0x8A60]  }
0x157: {  	v5 =	vld [tilespmem:s28+$0x9E60]  }
0x158: {  	[tilespmem:s28+$0xB230] =	vst v1;
	v0 =	vadd.f32 v0, v4;
	v1 =	vld [tilespmem:s28+$0x8A70]  }
0x159: {  	v4 =	vld [tilespmem:s28+$0x9E70]  }
0x15a: {  	[tilespmem:s28+$0xB240] =	vst v0;
	v0 =	vadd.f32 v2, v6;
	v2 =	vld [tilespmem:s28+$0x8A80]  }
0x15b: {  	v6 =	vld [tilespmem:s28+$0x9E80]  }
0x15c: {  	[tilespmem:s28+$0xB250] =	vst v0;
	v0 =	vadd.f32 v5, v3;
	v3 =	vld [tilespmem:s28+$0x8A90]  }
0x15d: {  	v5 =	vld [tilespmem:s28+$0x9E90]  }
0x15e: {  	[tilespmem:s28+$0xB260] =	vst v0;
	v0 =	vadd.f32 v4, v1;
	v1 =	vld [tilespmem:s28+$0x8AA0]  }
0x15f: {  	v4 =	vld [tilespmem:s28+$0x9EA0]  }
0x160: {  	[tilespmem:s28+$0xB270] =	vst v0;
	v0 =	vadd.f32 v6, v2;
	v2 =	vld [tilespmem:s28+$0x8AB0]  }
0x161: {  	v6 =	vld [tilespmem:s28+$0x9EB0]  }
0x162: {  	[tilespmem:s28+$0xB280] =	vst v0;
	v0 =	vadd.f32 v5, v3;
	v3 =	vld [tilespmem:s28+$0x8AC0]  }
0x163: {  	v5 =	vld [tilespmem:s28+$0x9EC0]  }
0x164: {  	[tilespmem:s28+$0xB290] =	vst v0;
	v0 =	vadd.f32 v4, v1;
	v1 =	vld [tilespmem:s28+$0x8AD0]  }
0x165: {  	v4 =	vld [tilespmem:s28+$0x9ED0]  }
0x166: {  	[tilespmem:s28+$0xB2A0] =	vst v0;
	v0 =	vadd.f32 v6, v2;
	v2 =	vld [tilespmem:s28+$0x8AE0]  }
0x167: {  	v6 =	vld [tilespmem:s28+$0x9EE0]  }
0x168: {  	[tilespmem:s28+$0xB2B0] =	vst v0;
	v0 =	vadd.f32 v5, v3;
	v3 =	vld [tilespmem:s28+$0x8AF0]  }
0x169: {  	v5 =	vld [tilespmem:s28+$0x9EF0]  }
0x16a: {  	[tilespmem:s28+$0xB2C0] =	vst v0;
	v0 =	vadd.f32 v4, v1;
	v1 =	vld [tilespmem:s28+$0x8B00]  }
0x16b: {  	v4 =	vld [tilespmem:s28+$0x9F00]  }
0x16c: {  	[tilespmem:s28+$0xB2D0] =	vst v0;
	v0 =	vadd.f32 v6, v2;
	v2 =	vld [tilespmem:s28+$0x8B10]  }
0x16d: {  	v6 =	vld [tilespmem:s28+$0x9F10]  }
0x16e: {  	[tilespmem:s28+$0xB2E0] =	vst v0;
	v0 =	vadd.f32 v5, v3;
	v3 =	vld [tilespmem:s28+$0x8B20]  }
0x16f: {  	v5 =	vld [tilespmem:s28+$0x9F20]  }
0x170: {  	[tilespmem:s28+$0xB2F0] =	vst v0;
	v0 =	vadd.f32 v4, v1;
	v1 =	vld [tilespmem:s28+$0x8B30]  }
0x171: {  	v4 =	vld [tilespmem:s28+$0x9F30]  }
0x172: {  	[tilespmem:s28+$0xB300] =	vst v0;
	v0 =	vadd.f32 v6, v2;
	v2 =	vld [tilespmem:s28+$0x8B40]  }
0x173: {  	v6 =	vld [tilespmem:s28+$0x9F40]  }
0x174: {  	[tilespmem:s28+$0xB310] =	vst v0;
	v0 =	vadd.f32 v5, v3;
	v3 =	vld [tilespmem:s28+$0x8B50]  }
0x175: {  	v5 =	vld [tilespmem:s28+$0x9F50]  }
0x176: {  	[tilespmem:s28+$0xB320] =	vst v0;
	v0 =	vadd.f32 v4, v1;
	v1 =	vld [tilespmem:s28+$0x8B60]  }
0x177: {  	v4 =	vld [tilespmem:s28+$0x9F60]  }
0x178: {  	[tilespmem:s28+$0xB330] =	vst v0;
	v0 =	vadd.f32 v6, v2;
	v2 =	vld [tilespmem:s28+$0x8B70]  }
0x179: {  	v6 =	vld [tilespmem:s28+$0x9F70]  }
0x17a: {  	[tilespmem:s28+$0xB340] =	vst v0;
	v0 =	vadd.f32 v5, v3;
	v3 =	vld [tilespmem:s28+$0x8B80]  }
0x17b: {  	v5 =	vld [tilespmem:s28+$0x9F80]  }
0x17c: {  	[tilespmem:s28+$0xB350] =	vst v0;
	v0 =	vadd.f32 v4, v1;
	v1 =	vld [tilespmem:s28+$0x8B90]  }
0x17d: {  	v4 =	vld [tilespmem:s28+$0x9F90]  }
0x17e: {  	[tilespmem:s28+$0xB360] =	vst v0;
	v0 =	vadd.f32 v6, v2;
	v2 =	vld [tilespmem:s28+$0x8BA0]  }
0x17f: {  	v6 =	vld [tilespmem:s28+$0x9FA0]  }
0x180: {  	[tilespmem:s28+$0xB370] =	vst v0;
	v0 =	vadd.f32 v5, v3;
	v3 =	vld [tilespmem:s28+$0x8BB0]  }
0x181: {  	v5 =	vld [tilespmem:s28+$0x9FB0]  }
0x182: {  	[tilespmem:s28+$0xB380] =	vst v0;
	v0 =	vadd.f32 v4, v1;
	v1 =	vld [tilespmem:s28+$0x8BC0]  }
0x183: {  	v4 =	vld [tilespmem:s28+$0x9FC0]  }
0x184: {  	[tilespmem:s28+$0xB390] =	vst v0;
	v0 =	vadd.f32 v6, v2;
	v2 =	vld [tilespmem:s28+$0x8BD0]  }
0x185: {  	v6 =	vld [tilespmem:s28+$0x9FD0]  }
0x186: {  	[tilespmem:s28+$0xB3A0] =	vst v0;
	v0 =	vadd.f32 v5, v3;
	v5 =	vld [tilespmem:s28+$0x8BE0]  }
0x187: {  	v7 =	vld [tilespmem:s28+$0x9FE0]  }
.Ltmp7:
0x188: {  	[tilespmem:s28+$0xB3B0] =	vst v0;
	v0 =	vadd.f32 v4, v1;
	v1 =	vld [tilespmem:s28+$0x8BF0];
	(pc) =	sbr.rel @p0 .LBB2_7-.Ltmp7, $4  }
0x189: {  	v3 =	vld [tilespmem:s28+$0x9FF0]  }
0x18a: {  	[tilespmem:s28+$0xB3C0] =	vst v0;
	v6 =	vadd.f32 v6, v2;
	v0 =	vld [tilespmem:s28+$0x8C00]  }
0x18b: {  	s2 =	sshra.s32 s30, $0x2;
	v4 =	vld [tilespmem:s28+$0xA000]  }
0x18c: {  	s30 =	sadd.s32 $0x800, s30;
	v2 =	vld [tilespmem:s2+$0x8C10];
	[tilespmem:s28+$0xB3D0] =	vst v6;
	v5 =	vadd.f32 v7, v5  }
0x18d: {  	v6 =	vld [tilespmem:s2+$0xA010]  }
0x18e: {  	v7 =	vld [tilespmem:s2+$0x8A20];
	[tilespmem:s28+$0xB3E0] =	vst v5;
	v1 =	vadd.f32 v3, v1  }
0x18f: {  	v34 =	vld [tilespmem:s2+$0x9E20]  }
0x190: {  	v5 =	vld [tilespmem:s2+$0x8A30];
	[tilespmem:s28+$0xB3F0] =	vst v1;
	v0 =	vadd.f32 v4, v0  }
0x191: {  	v1 =	vld [tilespmem:s2+$0x9E30]  }
0x192: {  	v35 =	vld [tilespmem:s2+$0x8A40];
	[tilespmem:s28+$0xB400] =	vst v0  }
0x193: {  	v37 =	vld [tilespmem:s2+$0x9E40]  }
0x194: {  	v38 =	vld [tilespmem:s2+$0x8A50]  }
0x195: {  	v39 =	vld [tilespmem:s2+$0x9E50]  }
0x196: {  	v40 =	vld [tilespmem:s2+$0x8A60]  }
0x197: {  	v41 =	vld [tilespmem:s2+$0x9E60]  }
0x198: {  	v43 =	vld [tilespmem:s2+$0x8A70]  }
0x199: {  	v44 =	vld [tilespmem:s2+$0x9E70]  }
0x19a: {  	v45 =	vld [tilespmem:s2+$0x8A80]  }
0x19b: {  	v46 =	vld [tilespmem:s2+$0x9E80]  }
0x19c: {  	v48 =	vld [tilespmem:s2+$0x8A90]  }
0x19d: {  	v49 =	vld [tilespmem:s2+$0x9E90]  }
0x19e: {  	v51 =	vld [tilespmem:s2+$0x8AA0]  }
0x19f: {  	v52 =	vld [tilespmem:s2+$0x9EA0]  }
0x1a0: {  	v54 =	vld [tilespmem:s2+$0x8AB0]  }
0x1a1: {  	v55 =	vld [tilespmem:s2+$0x9EB0]  }
0x1a2: {  	v57 =	vld [tilespmem:s2+$0x8AC0]  }
0x1a3: {  	v58 =	vld [tilespmem:s2+$0x9EC0]  }
0x1a4: {  	v60 =	vld [tilespmem:s2+$0x8AD0]  }
0x1a5: {  	v61 =	vld [tilespmem:s2+$0x9ED0]  }
0x1a6: {  	v63 =	vld [tilespmem:s2+$0x8AE0]  }
0x1a7: {  	v9 =	vld [tilespmem:s2+$0x9EE0]  }
0x1a8: {  	v11 =	vld [tilespmem:s2+$0x8AF0]  }
0x1a9: {  	v12 =	vld [tilespmem:s2+$0x9EF0]  }
0x1aa: {  	v14 =	vld [tilespmem:s2+$0x8B00]  }
0x1ab: {  	v15 =	vld [tilespmem:s2+$0x9F00]  }
0x1ac: {  	v17 =	vld [tilespmem:s2+$0x8B10]  }
0x1ad: {  	v18 =	vld [tilespmem:s2+$0x9F10]  }
0x1ae: {  	v20 =	vld [tilespmem:s2+$0x8B20]  }
0x1af: {  	v21 =	vld [tilespmem:s2+$0x9F20]  }
0x1b0: {  	v23 =	vld [tilespmem:s2+$0x8B30]  }
0x1b1: {  	v36 =	vadd.f32 v6, v2;
	v24 =	vld [tilespmem:s2+$0x9F30]  }
0x1b2: {  	v26 =	vld [tilespmem:s2+$0x8B40];
	v3 =	vadd.f32 v34, v7  }
0x1b3: {  	v27 =	vld [tilespmem:s2+$0x9F40];
	[tilespmem:s2+$0xB410] =	vst v36;
	v1 =	vadd.f32 v1, v5  }
0x1b4: {  	v29 =	vld [tilespmem:s2+$0x8B50];
	[tilespmem:s2+$0xB220] =	vst v3;
	v42 =	vadd.f32 v37, v35  }
0x1b5: {  	v30 =	vld [tilespmem:s2+$0x9F50];
	[tilespmem:s2+$0xB230] =	vst v1;
	v0 =	vadd.f32 v39, v38  }
0x1b6: {  	v32 =	vld [tilespmem:s2+$0x8B60];
	v47 =	vadd.f32 v41, v40;
	[tilespmem:s2+$0xB240] =	vst v42  }
0x1b7: {  	v33 =	vld [tilespmem:s2+$0x9F60];
	v50 =	vadd.f32 v44, v43;
	[tilespmem:s2+$0xB250] =	vst v0  }
0x1b8: {  	v36 =	vld [tilespmem:s2+$0x9F70];
	v53 =	vadd.f32 v46, v45;
	[tilespmem:s2+$0xB260] =	vst v47  }
0x1b9: {  	v56 =	vadd.f32 v49, v48;
	v35 =	vld [tilespmem:s2+$0x8B70];
	[tilespmem:s2+$0xB270] =	vst v50  }
0x1ba: {  	v59 =	vadd.f32 v52, v51;
	v38 =	vld [tilespmem:s2+$0x8B80];
	[tilespmem:s2+$0xB280] =	vst v53  }
0x1bb: {  	v62 =	vadd.f32 v55, v54;
	v39 =	vld [tilespmem:s2+$0x9F80];
	[tilespmem:s2+$0xB290] =	vst v56  }
0x1bc: {  	v10 =	vadd.f32 v58, v57;
	v41 =	vld [tilespmem:s2+$0x8B90];
	[tilespmem:s2+$0xB2A0] =	vst v59  }
0x1bd: {  	v13 =	vadd.f32 v61, v60;
	v44 =	vld [tilespmem:s2+$0x8BA0];
	[tilespmem:s2+$0xB2B0] =	vst v62  }
0x1be: {  	v16 =	vadd.f32 v9, v63;
	v45 =	vld [tilespmem:s2+$0x9FA0];
	[tilespmem:s2+$0xB2C0] =	vst v10  }
0x1bf: {  	v19 =	vadd.f32 v12, v11;
	v48 =	vld [tilespmem:s2+$0x9FB0];
	[tilespmem:s2+$0xB2D0] =	vst v13  }
0x1c0: {  	v22 =	vadd.f32 v15, v14;
	v51 =	vld [tilespmem:s2+$0x9FC0];
	[tilespmem:s2+$0xB2E0] =	vst v16  }
0x1c1: {  	v25 =	vadd.f32 v18, v17;
	v54 =	vld [tilespmem:s2+$0x9FD0];
	[tilespmem:s2+$0xB2F0] =	vst v19  }
0x1c2: {  	v28 =	vadd.f32 v21, v20;
	v57 =	vld [tilespmem:s2+$0x9FE0];
	[tilespmem:s2+$0xB300] =	vst v22  }
0x1c3: {  	v31 =	vadd.f32 v24, v23;
	v60 =	vld [tilespmem:s2+$0x9FF0];
	[tilespmem:s2+$0xB310] =	vst v25  }
0x1c4: {  	v34 =	vadd.f32 v27, v26;
	v61 =	vld [tilespmem:s2+$0x8C00];
	[tilespmem:s2+$0xB320] =	vst v28  }
0x1c5: {  	v37 =	vadd.f32 v30, v29;
	[tilespmem:s2+$0xB330] =	vst v31;
	v42 =	vld [tilespmem:s2+$0x9F90]  }
0x1c6: {  	v40 =	vadd.f32 v33, v32;
	[tilespmem:s2+$0xB340] =	vst v34;
	v47 =	vld [tilespmem:s2+$0x8BB0]  }
0x1c7: {  	[tilespmem:s2+$0xB350] =	vst v37;
	v50 =	vld [tilespmem:s2+$0x8BC0];
	v43 =	vadd.f32 v36, v35  }
0x1c8: {  	[tilespmem:s2+$0xB360] =	vst v40;
	v53 =	vld [tilespmem:s2+$0x8BD0];
	v46 =	vadd.f32 v39, v38  }
0x1c9: {  	v56 =	vld [tilespmem:s2+$0x8BE0];
	v52 =	vadd.f32 v45, v44;
	[tilespmem:s2+$0xB370] =	vst v43  }
0x1ca: {  	v59 =	vld [tilespmem:s2+$0x8BF0];
	[tilespmem:s2+$0xB380] =	vst v46;
	v49 =	vadd.f32 v42, v41  }
0x1cb: {  	v62 =	vld [tilespmem:s2+$0xA000];
	[tilespmem:s2+$0xB3A0] =	vst v52;
	v55 =	vadd.f32 v48, v47  }
0x1cc: {  	v58 =	vadd.f32 v51, v50;
	[tilespmem:s2+$0xB390] =	vst v49  }
0x1cd: {  	v1 =	vadd.f32 v54, v53;
	[tilespmem:s2+$0xB3B0] =	vst v55  }
0x1ce: {  	v3 =	vadd.f32 v57, v56;
	[tilespmem:s2+$0xB3C0] =	vst v58  }
0x1cf: {  	v63 =	vadd.f32 v60, v59;
	[tilespmem:s2+$0xB3D0] =	vst v1  }
0x1d0: {  	s30 =	sshll.u32 s29, $0x3;
	v0 =	vadd.f32 v62, v61;
	[tilespmem:s2+$0xB3E0] =	vst v3  }
0x1d1: {  	s28 =	sand.u32 $0x1FFFFF80, s30;
	[tilespmem:s2+$0xB3F0] =	vst v63  }
0x1d2: {  	s31 =	sadd.s32 s6, s28;
	[tilespmem:s2+$0xB400] =	vst v0  }
0x1d3: {  	[hbm4b:s31+s4] =	stream.linear.scatter [tilespmem:s23], [sflag:$0x5], $0x1400, $0x38;
	[tilespmem:$0xC620] =	vst v63  }
.Ltmp8:
0x1d4: {  	p0 =	sgt.u32 s25, $0x3C;
	(pc) =	sbr.rel .LBB2_9-.Ltmp8, $4  }
0x1d5: {  	s29 =	simm.s32 @!p0 $0x8A20;
	s28 =	simm.s32 @!p0 $0x50;
	s2 =	sadd.s32 @!p0 $0xF0, s26  }
0x1d6: {  	[tilespmem:s29], [sflag:$0x3] =	stream.indirect.gather @!p0 [hbm4b:s1+s28], $0x40, s2, s28, $0xb8;
	[tilespmem:$0xC620] =	vst v63  }
0x1d7: {  	s2 =	sadd.s32 @!p0 $0x2800, s26;
	s26 =	simm.s32 @!p0 $0x9E20  }
0x1d8: {  	[tilespmem:s26], [sflag:$0x3] =	stream.indirect.gather @!p0 [hbm4b:s3+s28], $0x40, s2, s28, $0xb8;
	[tilespmem:$0xC620] =	vst v63  }
.LBB2_11:
0x1d9: {  	_ =	sfence.sel $0x180000  }
0x1da: {  	[bflag:$0x0] =	sbarrier.arrive $0xFFFF  }
0x1db: {  	_ =	strace $0x90000047  }
0x1dc: {  	[bflag:$0x2] =	sbarrier.arrive $0xFFFF  }
0x1dd: {  	p0 =	sne.s32 s0, $0x0;
	s0 =	rddreg [dreg:$0x3]  }
0x1de: {  	s0 =	sadd.s32 @!p0 $0x100000, s0  }
0x1df: {  	[sflag:s0] =	ssyncadd.tile.s32 @!p0 $0x1;
	_ =	shalt  }
.Lfunc_end2:
_tile_overlayer_lowered:
.L_overlay_start_2:
0x1e0: {  	(tag) =	ssettag $0x2  }
0x1e1: {  	s0 =	rddreg [dreg:$0x0];
	s2 =	stileid.u32  }
0x1e2: {  	s1 =	rddreg [dreg:$0x1];
	p0 =	sne.s32 s2, $0x0  }
0x1e3: {  	s3 =	rddreg [dreg:$0x2];
	[bflag:$0x3] =	sbarrier.arrive $0xFFFF;
	s2 =	simm.s32 @!p0 $0x1C06  }
0x1e4: {  	[timem:s3], [sflag:s2] =	dma.local @!p0 [hbm:s0], s1  }
0x1e5: {  	s0 =	simm.s32 @!p0 $0x6  }
0x1e6: {  	_ =	swait.ge @!p0 [sflag:s0], s1  }
0x1e7: {  	s1 =	ssub.s32 @!p0 $0x0, s1;
	[sflag:s0] =	ssyncset.done @!p0 $0x0  }
0x1e8: {  	[sflag:s0] =	ssyncadd.s32 @!p0 s1  }
0x1e9: {  	[bflag:$0x3] =	sbarrier.arrive $0xFFFF  }
0x1ea: {  	_ =	shalt  }

</sc_bundles>
